<compile_context>
chip_gen: v7x
topology: tpu7x:2x2x1
jax: 0.10.2.dev20260603
libtpu: 0.0.44.dev20260713+nightly
codegen_flags: <defaults>
</compile_context>

<pallas_src>
import functools

import jax
import jax.numpy as jnp
from jax import lax
from jax.experimental import pallas as pl
from jax.experimental.pallas import tpu as pltpu
from jax.experimental.pallas import tpu_sc as plsc

FD = 64
BD = 16
EPAD = 20480
NPAD = 10240
NC = 2
NS = 16
NW = NC * NS
EW = EPAD // NW
IC = 128
NCH = EW // IC
ROWW = 80
TE = 256
TN = 1000

def _sc_gather_body(atom_hbm, src2_hbm, dst2_hbm, ta_hbm, na_hbm,
                    si_v, di_v, ta_v, na_v, sem, sem2):
    wid = lax.axis_index("s") * NC + lax.axis_index("c")
    base = wid * EW
    pltpu.sync_copy(src2_hbm.at[wid], si_v)
    pltpu.sync_copy(dst2_hbm.at[wid], di_v)
    ta_copies = [pltpu.async_copy(
        atom_hbm.at[si_v.at[j]], ta_v.at[pl.ds(j * IC, IC)], sem)
        for j in range(NCH)]
    na_copies = [pltpu.async_copy(
        atom_hbm.at[di_v.at[j]], na_v.at[pl.ds(j * IC, IC)], sem2)
        for j in range(NCH)]
    for cp in ta_copies:
        cp.wait()
    wta = pltpu.async_copy(ta_v, ta_hbm.at[pl.ds(base, EW)], sem)
    for cp in na_copies:
        cp.wait()
    wna = pltpu.async_copy(na_v, na_hbm.at[pl.ds(base, EW)], sem2)
    wta.wait()
    wna.wait()


def _sc_scatter_body(rows_hbm, src2_hbm, zeros_hbm, out_hbm,
                     idx_v, rows_v, acc_sh):
    c = lax.axis_index("c")
    s = lax.axis_index("s")
    wid = s * NC + c
    nrow = NPAD // NS
    pltpu.sync_copy(zeros_hbm, acc_sh.at[pl.ds(s * nrow, nrow)])
    plsc.subcore_barrier()
    pltpu.sync_copy(src2_hbm.at[wid], idx_v)
    pltpu.sync_copy(rows_hbm.at[pl.ds(wid * EW, EW)], rows_v)
    for j in range(NCH):
        pltpu.sync_copy(rows_v.at[pl.ds(j * IC, IC)],
                        acc_sh.at[idx_v.at[j]], add=True)
    plsc.subcore_barrier()
    pltpu.sync_copy(acc_sh.at[pl.ds(s * nrow, nrow)],
                    out_hbm.at[c].at[pl.ds(s * nrow, nrow)])


@functools.lru_cache(maxsize=None)
def _sc_kernels():
    mesh = plsc.VectorSubcoreMesh(core_axis_name="c", subcore_axis_name="s")
    gather = functools.partial(
        pl.kernel, mesh=mesh,
        out_type=[jax.ShapeDtypeStruct((EPAD, FD), jnp.float32),
                  jax.ShapeDtypeStruct((EPAD, FD), jnp.float32)],
        scratch_types=[pltpu.VMEM((NCH, IC), jnp.int32),
                       pltpu.VMEM((NCH, IC), jnp.int32),
                       pltpu.VMEM((EW, FD), jnp.float32),
                       pltpu.VMEM((EW, FD), jnp.float32),
                       pltpu.SemaphoreType.DMA,
                       pltpu.SemaphoreType.DMA],
        compiler_params=pltpu.CompilerParams(use_tc_tiling_on_sc=False),
    )(_sc_gather_body)
    scatter = functools.partial(
        pl.kernel, mesh=mesh,
        out_type=jax.ShapeDtypeStruct((NC, NPAD, ROWW), jnp.float32),
        scratch_types=[pltpu.VMEM((NCH, IC), jnp.int32),
                       pltpu.VMEM((EW, ROWW), jnp.float32),
                       pltpu.VMEM_SHARED((NPAD, ROWW), jnp.float32)],
        compiler_params=pltpu.CompilerParams(use_tc_tiling_on_sc=False),
    )(_sc_scatter_body)
    return gather, scatter


def _sc_gather(atom, src_p, dst_p):
    return _sc_kernels()[0](atom, src_p, dst_p)


def _sc_scatter(rows, src_p, zeros):
    return _sc_kernels()[1](rows, src_p, zeros)


def _edge_body(bondT_ref, ta_ref, na_ref, w2T_ref, ceT_ref, w3_ref,
               c3_ref, wa1c_ref, wa2c_ref, bal_ref, out_ref):
    bond_t = bondT_ref[...]
    naT = na_ref[...].T
    acc = jnp.zeros((FD, TE), jnp.float32)
    for d in range(FD):
        ed = jnp.dot(w2T_ref[d], bond_t, preferred_element_type=jnp.float32)
        ed = jnp.maximum(ed + ceT_ref[d], 0.0)
        acc = acc + naT[d:d + 1, :] * ed
    accT = acc.T
    s = (jnp.dot(ta_ref[...], wa1c_ref[...],
                 preferred_element_type=jnp.float32)
         + jnp.dot(accT, wa2c_ref[...], preferred_element_type=jnp.float32)
         + bal_ref[0:1, 0:1])
    s = jnp.where(s >= 0.0, s, 0.01 * s)
    p = jnp.exp(s)
    att = jnp.dot(accT, w3_ref[...], preferred_element_type=jnp.float32) \
        + c3_ref[...]
    out_ref[:, 0:FD] = p * att
    out_ref[:, FD:ROWW] = jnp.broadcast_to(p, (TE, ROWW - FD))


def _edge_call(bondT, ta, na, w2T, ceT, w3, c3, wa1c, wa2c, bal):
    grid = EPAD // TE
    return pl.pallas_call(
        _edge_body,
        grid=(grid,),
        in_specs=[
            pl.BlockSpec((BD, TE), lambda i: (0, i)),
            pl.BlockSpec((TE, FD), lambda i: (i, 0)),
            pl.BlockSpec((TE, FD), lambda i: (i, 0)),
            pl.BlockSpec((FD, FD, BD), lambda i: (0, 0, 0)),
            pl.BlockSpec((FD, FD, 1), lambda i: (0, 0, 0)),
            pl.BlockSpec((FD, FD), lambda i: (0, 0)),
            pl.BlockSpec((1, FD), lambda i: (0, 0)),
            pl.BlockSpec((FD, 1), lambda i: (0, 0)),
            pl.BlockSpec((FD, 1), lambda i: (0, 0)),
            pl.BlockSpec((1, 1), lambda i: (0, 0)),
        ],
        out_specs=pl.BlockSpec((TE, ROWW), lambda i: (i, 0)),
        out_shape=jax.ShapeDtypeStruct((EPAD, ROWW), jnp.float32),
    )(bondT, ta, na, w2T, ceT, w3, c3, wa1c, wa2c, bal)


def _node_body(a0_ref, a1_ref, atom_ref, wih_ref, whh_ref, bih_ref, bhh_ref,
               out_ref):
    num = a0_ref[0, :, 0:FD] + a1_ref[0, :, 0:FD]
    den = a0_ref[0, :, FD:FD + 1] + a1_ref[0, :, FD:FD + 1] + 1e-8
    ctx = num / den
    ctx = jnp.where(ctx > 0.0, ctx, jnp.exp(jnp.minimum(ctx, 0.0)) - 1.0)
    h = atom_ref[...]
    gi = jnp.dot(ctx, wih_ref[...], preferred_element_type=jnp.float32) \
        + bih_ref[0:1, :]
    gh = jnp.dot(h, whh_ref[...], preferred_element_type=jnp.float32) \
        + bhh_ref[0:1, :]
    r = jax.nn.sigmoid(gi[:, 0:FD] + gh[:, 0:FD])
    z = jax.nn.sigmoid(gi[:, FD:2 * FD] + gh[:, FD:2 * FD])
    n = jnp.tanh(gi[:, 2 * FD:3 * FD] + r * gh[:, 2 * FD:3 * FD])
    out_ref[...] = (1.0 - z) * n + z * h


def _node_call(acc, atom, wih, whh, bih, bhh):
    n = atom.shape[0]
    grid = n // TN
    return pl.pallas_call(
        _node_body,
        grid=(grid,),
        in_specs=[
            pl.BlockSpec((1, TN, ROWW), lambda i: (0, i, 0)),
            pl.BlockSpec((1, TN, ROWW), lambda i: (1, i, 0)),
            pl.BlockSpec((TN, FD), lambda i: (i, 0)),
            pl.BlockSpec((FD, 3 * FD), lambda i: (0, 0)),
            pl.BlockSpec((FD, 3 * FD), lambda i: (0, 0)),
            pl.BlockSpec((1, 3 * FD), lambda i: (0, 0)),
            pl.BlockSpec((1, 3 * FD), lambda i: (0, 0)),
        ],
        out_specs=pl.BlockSpec((TN, FD), lambda i: (i, 0)),
        out_shape=jax.ShapeDtypeStruct((n, FD), jnp.float32),
    )(acc, acc, atom, wih, whh, bih, bhh)


def kernel(atom, bond_index, bond, W_enc, b_enc, gamma_enc, beta_enc, rm_enc,
           rv_enc, W_align, b_align, W_att, b_att, gamma_att, beta_att,
           rm_att, rv_att, W_ih, W_hh, b_ih, b_hh):
    N, _ = atom.shape
    E = bond.shape[0]

    src = bond_index[:, 0].astype(jnp.int32)
    dst = bond_index[:, 1].astype(jnp.int32)
    pad_g = jnp.zeros((EPAD - E,), jnp.int32)
    src_g = jnp.concatenate([src, pad_g]).reshape(NW, NCH, IC)
    src_p = jnp.concatenate(
        [src, jnp.full((EPAD - E,), NPAD - 1, jnp.int32)]).reshape(
        NW, NCH, IC)
    dst_p = jnp.concatenate([dst, pad_g]).reshape(NW, NCH, IC)
    bond_p = jnp.pad(bond, ((0, EPAD - E), (0, 0)))

    ae = gamma_enc / jnp.sqrt(rv_enc + 1e-6)
    w2 = W_enc.T * ae[None, :]
    ce = (b_enc - rm_enc) * ae + beta_enc
    w2T = w2.reshape(BD, FD, FD).transpose(1, 2, 0)
    ceT = ce.reshape(FD, FD, 1)
    aa = gamma_att / jnp.sqrt(rv_att + 1e-6)
    w3 = W_att.T * aa[None, :]
    c3 = ((b_att - rm_att) * aa + beta_att).reshape(1, FD)
    wa1c = W_align[0, :FD].reshape(FD, 1)
    wa2c = W_align[0, FD:].reshape(FD, 1)
    bal = b_align.reshape(1, 1)

    ta, na = _sc_gather(atom, src_g, dst_p)
    rows = _edge_call(bond_p.T, ta, na, w2T, ceT, w3, c3, wa1c, wa2c, bal)
    zeros = jnp.zeros((NPAD // NS, ROWW), jnp.float32)
    acc = _sc_scatter(rows, src_p, zeros)
    return _node_call(acc, atom, W_ih.T, W_hh.T,
                      b_ih.reshape(1, -1), b_hh.reshape(1, -1))

# --- scband reference (transcript-rebuilt; emitter-appended) ---
"""Pipeline reference for scband-graph-attention-38534446579798 (READ-ONLY COPY).

The authoritative reference and input builder live on the scoring server;
editing this copy changes nothing except your own understanding.
"""

import jax, jax.numpy as jnp
import numpy as np


def setup_inputs(seed: int = 0) -> dict:
    key = jax.random.key(seed)
    ks = jax.random.split(key, 12)
    N, E, FD, BD = 10000, 20000, 64, 16
    inp = {}
    inp["atom"] = jax.random.normal(ks[0], (N, FD), dtype=jnp.float32)
    inp["bond_index"] = jax.random.randint(ks[1], (E, 2), 0, N)
    inp["bond"] = jax.random.normal(ks[2], (E, BD), dtype=jnp.float32)

    def lin(k, o, i):
        return (jax.random.normal(k, (o, i), dtype=jnp.float32) / np.sqrt(i)).astype(jnp.float32)

    # encoder: LinearBn(bond_dim, fd*fd) + ReLU
    inp["W_enc"] = lin(ks[3], FD * FD, BD)
    inp["b_enc"] = jnp.zeros((FD * FD,), jnp.float32)
    inp["gamma_enc"] = jnp.ones((FD * FD,), jnp.float32)
    inp["beta_enc"] = jnp.zeros((FD * FD,), jnp.float32)
    inp["rm_enc"] = jnp.zeros((FD * FD,), jnp.float32)
    inp["rv_enc"] = jnp.ones((FD * FD,), jnp.float32)
    # align: Linear(2*fd, 1)
    inp["W_align"] = lin(ks[4], 1, 2 * FD)
    inp["b_align"] = jnp.zeros((1,), jnp.float32)
    # attend: LinearBn(fd, fd)
    inp["W_att"] = lin(ks[5], FD, FD)
    inp["b_att"] = jnp.zeros((FD,), jnp.float32)
    inp["gamma_att"] = jnp.ones((FD,), jnp.float32)
    inp["beta_att"] = jnp.zeros((FD,), jnp.float32)
    inp["rm_att"] = jnp.zeros((FD,), jnp.float32)
    inp["rv_att"] = jnp.ones((FD,), jnp.float32)
    # GRUCell(fd, fd)
    inp["W_ih"] = lin(ks[6], 3 * FD, FD)
    inp["W_hh"] = lin(ks[7], 3 * FD, FD)
    inp["b_ih"] = jnp.zeros((3 * FD,), jnp.float32)
    inp["b_hh"] = jnp.zeros((3 * FD,), jnp.float32)
    return inp


def _bn(x, g, b, rm, rv):
    return (x - rm) / jnp.sqrt(rv + 1e-6) * g + b


def reference(atom, bond_index, bond, W_enc, b_enc, gamma_enc, beta_enc, rm_enc, rv_enc,
              W_align, b_align, W_att, b_att, gamma_att, beta_att, rm_att, rv_att,
              W_ih, W_hh, b_ih, b_hh):
    N, FD = atom.shape
    bi = bond_index.T  # [2, E]
    src = bi[0]
    dst = bi[1]
    # neighbor gather
    neighbor_atom = atom[dst]  # [E, FD]
    # bond encoder -> [E, FD, FD]
    enc = jax.nn.relu(_bn(bond @ W_enc.T + b_enc, gamma_enc, beta_enc, rm_enc, rv_enc))
    enc = enc.reshape(-1, FD, FD)
    # neighbor message: [E,1,FD] @ [E,FD,FD] -> [E,FD]
    neighbor = jnp.einsum('ed,edf->ef', neighbor_atom, enc)
    target_atom = atom[src]  # [E, FD]
    feature_align = jnp.concatenate([target_atom, neighbor], axis=-1)  # [E, 2FD]
    # dropout is identity in eval mode
    align_score = jax.nn.leaky_relu(feature_align @ W_align.T + b_align)  # [E, 1]
    # segment softmax over target nodes
    m = jax.ops.segment_max(align_score, src, num_segments=N)  # [N, 1]
    x = jnp.exp(align_score - m[src])
    denom = jax.ops.segment_sum(x, src, num_segments=N)[src] + 1e-8
    attention_weight = x / denom  # [E, 1]
    attended = _bn(neighbor @ W_att.T + b_att, gamma_att, beta_att, rm_att, rv_att)  # [E, FD]
    context = jax.ops.segment_sum(attention_weight * attended, src, num_segments=N)  # [N, FD]
    context = jax.nn.elu(context)
    # GRUCell(context, atom)
    gi = context @ W_ih.T + b_ih
    gh = atom @ W_hh.T + b_hh
    i_r, i_z, i_n = jnp.split(gi, 3, axis=-1)
    h_r, h_z, h_n = jnp.split(gh, 3, axis=-1)
    r = jax.nn.sigmoid(i_r + h_r)
    z = jax.nn.sigmoid(i_z + h_z)
    n = jnp.tanh(i_n + r * h_n)
    update = (1.0 - z) * n + z * atom
    return update

if __name__ == "__main__":
    import jax
    _d = setup_inputs()
    print(jax.jit(kernel)(*tuple(_d.values())))

</pallas_src>

<mosaic_0001>
#map = affine_map<(d0, d1) -> (0, 0)>
#map1 = affine_map<(d0, d1) -> (0, 0, 0)>
module attributes {stable_mosaic.version = 14 : i64} {
  func.func @_sc_gather_body(%arg0: i32, %arg1: i32, %arg2: memref<10000x64xf32, #tpu.memory_space<hbm>>, %arg3: memref<32x5x128xi32, #tpu.memory_space<hbm>>, %arg4: memref<32x5x128xi32, #tpu.memory_space<hbm>>, %arg5: memref<20480x64xf32, #tpu.memory_space<hbm>>, %arg6: memref<20480x64xf32, #tpu.memory_space<hbm>>, %arg7: memref<5x128xi32, #tpu.memory_space<vmem>>, %arg8: memref<5x128xi32, #tpu.memory_space<vmem>>, %arg9: memref<640x64xf32, #tpu.memory_space<vmem>>, %arg10: memref<640x64xf32, #tpu.memory_space<vmem>>, %arg11: memref<!tpu.dma_semaphore, #tpu.memory_space<semaphore_mem>>, %arg12: memref<!tpu.dma_semaphore, #tpu.memory_space<semaphore_mem>>) attributes {dimension_semantics = [#tpu.dimension_semantics<core_parallel>, #tpu.dimension_semantics<subcore_parallel>], iteration_bounds = array<i64: 2, 16>, scalar_prefetch = 0 : i64, scratch_operands = 6 : i64, tpu.core_type = #tpu.core_type<sc_vector_subcore>, window_params = [{transform_indices = #map}, {transform_indices = #map1}, {transform_indices = #map1}, {transform_indices = #map}, {transform_indices = #map}]} {
    %mul3A = arith.constant 2 : i32
    %mul3A_0 = arith.muli %arg1, %mul3A : i32
    %add3A = arith.addi %mul3A_0, %arg0 : i32
    %mul3A_1 = arith.constant 640 : i32
    %mul3A_2 = arith.muli %add3A, %mul3A_1 : i32
    "tpu.region"() ({
      %run_scoped3A = tpu.sem_alloc : memref<!tpu.dma_semaphore, #tpu.memory_space<semaphore_mem>>
      %dma_start3A_217 = arith.constant 0 : i32
      %dma_start3A_218 = arith.constant 0 : i32
      %dma_start3A_219 = tpu.memref_slice %arg3[%add3A, %dma_start3A_217, %dma_start3A_218] : memref<32x5x128xi32, #tpu.memory_space<hbm>> -> memref<1x5x128xi32, #tpu.memory_space<hbm>>
      %dma_start3A_220 = tpu.memref_squeeze %dma_start3A_219 : memref<1x5x128xi32, #tpu.memory_space<hbm>> -> memref<5x128xi32, #tpu.memory_space<hbm>>
      %dma_start3A_221 = arith.constant 0 : i32
      %dma_start3A_222 = arith.constant 0 : i32
      %dma_start3A_223 = tpu.memref_slice %arg3[%add3A, %dma_start3A_221, %dma_start3A_222] : memref<32x5x128xi32, #tpu.memory_space<hbm>> -> memref<1x5x128xi32, #tpu.memory_space<hbm>>
      %dma_start3A_224 = tpu.memref_squeeze %dma_start3A_223 : memref<1x5x128xi32, #tpu.memory_space<hbm>> -> memref<5x128xi32, #tpu.memory_space<hbm>>
      tpu.enqueue_dma source(%dma_start3A_224 : memref<5x128xi32, #tpu.memory_space<hbm>>) target(%arg7 : memref<5x128xi32, #tpu.memory_space<vmem>>) target_semaphore(%run_scoped3A : memref<!tpu.dma_semaphore, #tpu.memory_space<semaphore_mem>>)
      %dma_wait3A_225 = arith.constant 0 : i32
      %dma_wait3A_226 = arith.constant 0 : i32
      %dma_wait3A_227 = tpu.memref_slice %arg3[%add3A, %dma_wait3A_225, %dma_wait3A_226] : memref<32x5x128xi32, #tpu.memory_space<hbm>> -> memref<1x5x128xi32, #tpu.memory_space<hbm>>
      %dma_wait3A_228 = tpu.memref_squeeze %dma_wait3A_227 : memref<1x5x128xi32, #tpu.memory_space<hbm>> -> memref<5x128xi32, #tpu.memory_space<hbm>>
      %dma_wait3A_229 = arith.constant 0 : i32
      %dma_wait3A_230 = arith.constant 0 : i32
      %dma_wait3A_231 = tpu.memref_slice %arg3[%add3A, %dma_wait3A_229, %dma_wait3A_230] : memref<32x5x128xi32, #tpu.memory_space<hbm>> -> memref<1x5x128xi32, #tpu.memory_space<hbm>>
      %dma_wait3A_232 = tpu.memref_squeeze %dma_wait3A_231 : memref<1x5x128xi32, #tpu.memory_space<hbm>> -> memref<5x128xi32, #tpu.memory_space<hbm>>
      tpu.wait_dma2 semaphore(%run_scoped3A : memref<!tpu.dma_semaphore, #tpu.memory_space<semaphore_mem>>) src(%dma_wait3A_232 : memref<5x128xi32, #tpu.memory_space<hbm>>) dst(%arg7 : memref<5x128xi32, #tpu.memory_space<vmem>>)
      tpu.yield
    }) : () -> ()
    "tpu.region"() ({
      %run_scoped3A = tpu.sem_alloc : memref<!tpu.dma_semaphore, #tpu.memory_space<semaphore_mem>>
      %dma_start3A_217 = arith.constant 0 : i32
      %dma_start3A_218 = arith.constant 0 : i32
      %dma_start3A_219 = tpu.memref_slice %arg4[%add3A, %dma_start3A_217, %dma_start3A_218] : memref<32x5x128xi32, #tpu.memory_space<hbm>> -> memref<1x5x128xi32, #tpu.memory_space<hbm>>
      %dma_start3A_220 = tpu.memref_squeeze %dma_start3A_219 : memref<1x5x128xi32, #tpu.memory_space<hbm>> -> memref<5x128xi32, #tpu.memory_space<hbm>>
      %dma_start3A_221 = arith.constant 0 : i32
      %dma_start3A_222 = arith.constant 0 : i32
      %dma_start3A_223 = tpu.memref_slice %arg4[%add3A, %dma_start3A_221, %dma_start3A_222] : memref<32x5x128xi32, #tpu.memory_space<hbm>> -> memref<1x5x128xi32, #tpu.memory_space<hbm>>
      %dma_start3A_224 = tpu.memref_squeeze %dma_start3A_223 : memref<1x5x128xi32, #tpu.memory_space<hbm>> -> memref<5x128xi32, #tpu.memory_space<hbm>>
      tpu.enqueue_dma source(%dma_start3A_224 : memref<5x128xi32, #tpu.memory_space<hbm>>) target(%arg8 : memref<5x128xi32, #tpu.memory_space<vmem>>) target_semaphore(%run_scoped3A : memref<!tpu.dma_semaphore, #tpu.memory_space<semaphore_mem>>)
      %dma_wait3A_225 = arith.constant 0 : i32
      %dma_wait3A_226 = arith.constant 0 : i32
      %dma_wait3A_227 = tpu.memref_slice %arg4[%add3A, %dma_wait3A_225, %dma_wait3A_226] : memref<32x5x128xi32, #tpu.memory_space<hbm>> -> memref<1x5x128xi32, #tpu.memory_space<hbm>>
      %dma_wait3A_228 = tpu.memref_squeeze %dma_wait3A_227 : memref<1x5x128xi32, #tpu.memory_space<hbm>> -> memref<5x128xi32, #tpu.memory_space<hbm>>
      %dma_wait3A_229 = arith.constant 0 : i32
      %dma_wait3A_230 = arith.constant 0 : i32
      %dma_wait3A_231 = tpu.memref_slice %arg4[%add3A, %dma_wait3A_229, %dma_wait3A_230] : memref<32x5x128xi32, #tpu.memory_space<hbm>> -> memref<1x5x128xi32, #tpu.memory_space<hbm>>
      %dma_wait3A_232 = tpu.memref_squeeze %dma_wait3A_231 : memref<1x5x128xi32, #tpu.memory_space<hbm>> -> memref<5x128xi32, #tpu.memory_space<hbm>>
      tpu.wait_dma2 semaphore(%run_scoped3A : memref<!tpu.dma_semaphore, #tpu.memory_space<semaphore_mem>>) src(%dma_wait3A_232 : memref<5x128xi32, #tpu.memory_space<hbm>>) dst(%arg8 : memref<5x128xi32, #tpu.memory_space<vmem>>)
      tpu.yield
    }) : () -> ()
    %dma_start3A = arith.constant 0 : i32
    %dma_start3A_3 = arith.constant 0 : i32
    %dma_start3A_4 = arith.constant 0 : i32
    %dma_start3A_5 = tpu.memref_slice %arg9[%dma_start3A_3, %dma_start3A_4] : memref<640x64xf32, #tpu.memory_space<vmem>> -> memref<128x64xf32, #tpu.memory_space<vmem>>
    %dma_start3A_6 = arith.constant 0 : i32
    %dma_start3A_7 = tpu.memref_slice %arg7[%dma_start3A, %dma_start3A_6] : memref<5x128xi32, #tpu.memory_space<vmem>> -> memref<1x128xi32, #tpu.memory_space<vmem>>
    %dma_start3A_8 = tpu.memref_squeeze %dma_start3A_7 : memref<1x128xi32, #tpu.memory_space<vmem>> -> memref<128xi32, #tpu.memory_space<vmem>>
    %dma_start3A_9 = arith.constant 0 : i32
    %dma_start3A_10 = arith.constant 0 : i32
    %dma_start3A_11 = tpu.memref_slice %arg2[%dma_start3A_9, %dma_start3A_10] : memref<10000x64xf32, #tpu.memory_space<hbm>> -> memref<10000x64xf32, #tpu.memory_space<hbm>>
    tpu.enqueue_indirect_dma source(%dma_start3A_11 : memref<10000x64xf32, #tpu.memory_space<hbm>>) target(%dma_start3A_5 : memref<128x64xf32, #tpu.memory_space<vmem>>) offsets(%dma_start3A_8 : memref<128xi32, #tpu.memory_space<vmem>>) semaphore(%arg11 : memref<!tpu.dma_semaphore, #tpu.memory_space<semaphore_mem>>)
    %dma_start3A_12 = arith.constant 1 : i32
    %dma_start3A_13 = arith.constant 128 : i32
    %dma_start3A_14 = arith.constant 0 : i32
    %dma_start3A_15 = tpu.memref_slice %arg9[%dma_start3A_13, %dma_start3A_14] : memref<640x64xf32, #tpu.memory_space<vmem>> -> memref<128x64xf32, #tpu.memory_space<vmem>>
    %dma_start3A_16 = arith.constant 0 : i32
    %dma_start3A_17 = tpu.memref_slice %arg7[%dma_start3A_12, %dma_start3A_16] : memref<5x128xi32, #tpu.memory_space<vmem>> -> memref<1x128xi32, #tpu.memory_space<vmem>>
    %dma_start3A_18 = tpu.memref_squeeze %dma_start3A_17 : memref<1x128xi32, #tpu.memory_space<vmem>> -> memref<128xi32, #tpu.memory_space<vmem>>
    %dma_start3A_19 = arith.constant 0 : i32
    %dma_start3A_20 = arith.constant 0 : i32
    %dma_start3A_21 = tpu.memref_slice %arg2[%dma_start3A_19, %dma_start3A_20] : memref<10000x64xf32, #tpu.memory_space<hbm>> -> memref<10000x64xf32, #tpu.memory_space<hbm>>
    tpu.enqueue_indirect_dma source(%dma_start3A_21 : memref<10000x64xf32, #tpu.memory_space<hbm>>) target(%dma_start3A_15 : memref<128x64xf32, #tpu.memory_space<vmem>>) offsets(%dma_start3A_18 : memref<128xi32, #tpu.memory_space<vmem>>) semaphore(%arg11 : memref<!tpu.dma_semaphore, #tpu.memory_space<semaphore_mem>>)
    %dma_start3A_22 = arith.constant 2 : i32
    %dma_start3A_23 = arith.constant 256 : i32
    %dma_start3A_24 = arith.constant 0 : i32
    %dma_start3A_25 = tpu.memref_slice %arg9[%dma_start3A_23, %dma_start3A_24] : memref<640x64xf32, #tpu.memory_space<vmem>> -> memref<128x64xf32, #tpu.memory_space<vmem>>
    %dma_start3A_26 = arith.constant 0 : i32
    %dma_start3A_27 = tpu.memref_slice %arg7[%dma_start3A_22, %dma_start3A_26] : memref<5x128xi32, #tpu.memory_space<vmem>> -> memref<1x128xi32, #tpu.memory_space<vmem>>
    %dma_start3A_28 = tpu.memref_squeeze %dma_start3A_27 : memref<1x128xi32, #tpu.memory_space<vmem>> -> memref<128xi32, #tpu.memory_space<vmem>>
    %dma_start3A_29 = arith.constant 0 : i32
    %dma_start3A_30 = arith.constant 0 : i32
    %dma_start3A_31 = tpu.memref_slice %arg2[%dma_start3A_29, %dma_start3A_30] : memref<10000x64xf32, #tpu.memory_space<hbm>> -> memref<10000x64xf32, #tpu.memory_space<hbm>>
    tpu.enqueue_indirect_dma source(%dma_start3A_31 : memref<10000x64xf32, #tpu.memory_space<hbm>>) target(%dma_start3A_25 : memref<128x64xf32, #tpu.memory_space<vmem>>) offsets(%dma_start3A_28 : memref<128xi32, #tpu.memory_space<vmem>>) semaphore(%arg11 : memref<!tpu.dma_semaphore, #tpu.memory_space<semaphore_mem>>)
    %dma_start3A_32 = arith.constant 3 : i32
    %dma_start3A_33 = arith.constant 384 : i32
    %dma_start3A_34 = arith.constant 0 : i32
    %dma_start3A_35 = tpu.memref_slice %arg9[%dma_start3A_33, %dma_start3A_34] : memref<640x64xf32, #tpu.memory_space<vmem>> -> memref<128x64xf32, #tpu.memory_space<vmem>>
    %dma_start3A_36 = arith.constant 0 : i32
    %dma_start3A_37 = tpu.memref_slice %arg7[%dma_start3A_32, %dma_start3A_36] : memref<5x128xi32, #tpu.memory_space<vmem>> -> memref<1x128xi32, #tpu.memory_space<vmem>>
    %dma_start3A_38 = tpu.memref_squeeze %dma_start3A_37 : memref<1x128xi32, #tpu.memory_space<vmem>> -> memref<128xi32, #tpu.memory_space<vmem>>
    %dma_start3A_39 = arith.constant 0 : i32
    %dma_start3A_40 = arith.constant 0 : i32
    %dma_start3A_41 = tpu.memref_slice %arg2[%dma_start3A_39, %dma_start3A_40] : memref<10000x64xf32, #tpu.memory_space<hbm>> -> memref<10000x64xf32, #tpu.memory_space<hbm>>
    tpu.enqueue_indirect_dma source(%dma_start3A_41 : memref<10000x64xf32, #tpu.memory_space<hbm>>) target(%dma_start3A_35 : memref<128x64xf32, #tpu.memory_space<vmem>>) offsets(%dma_start3A_38 : memref<128xi32, #tpu.memory_space<vmem>>) semaphore(%arg11 : memref<!tpu.dma_semaphore, #tpu.memory_space<semaphore_mem>>)
    %dma_start3A_42 = arith.constant 4 : i32
    %dma_start3A_43 = arith.constant 512 : i32
    %dma_start3A_44 = arith.constant 0 : i32
    %dma_start3A_45 = tpu.memref_slice %arg9[%dma_start3A_43, %dma_start3A_44] : memref<640x64xf32, #tpu.memory_space<vmem>> -> memref<128x64xf32, #tpu.memory_space<vmem>>
    %dma_start3A_46 = arith.constant 0 : i32
    %dma_start3A_47 = tpu.memref_slice %arg7[%dma_start3A_42, %dma_start3A_46] : memref<5x128xi32, #tpu.memory_space<vmem>> -> memref<1x128xi32, #tpu.memory_space<vmem>>
    %dma_start3A_48 = tpu.memref_squeeze %dma_start3A_47 : memref<1x128xi32, #tpu.memory_space<vmem>> -> memref<128xi32, #tpu.memory_space<vmem>>
    %dma_start3A_49 = arith.constant 0 : i32
    %dma_start3A_50 = arith.constant 0 : i32
    %dma_start3A_51 = tpu.memref_slice %arg2[%dma_start3A_49, %dma_start3A_50] : memref<10000x64xf32, #tpu.memory_space<hbm>> -> memref<10000x64xf32, #tpu.memory_space<hbm>>
    tpu.enqueue_indirect_dma source(%dma_start3A_51 : memref<10000x64xf32, #tpu.memory_space<hbm>>) target(%dma_start3A_45 : memref<128x64xf32, #tpu.memory_space<vmem>>) offsets(%dma_start3A_48 : memref<128xi32, #tpu.memory_space<vmem>>) semaphore(%arg11 : memref<!tpu.dma_semaphore, #tpu.memory_space<semaphore_mem>>)
    %dma_start3A_52 = arith.constant 0 : i32
    %dma_start3A_53 = arith.constant 0 : i32
    %dma_start3A_54 = arith.constant 0 : i32
    %dma_start3A_55 = tpu.memref_slice %arg10[%dma_start3A_53, %dma_start3A_54] : memref<640x64xf32, #tpu.memory_space<vmem>> -> memref<128x64xf32, #tpu.memory_space<vmem>>
    %dma_start3A_56 = arith.constant 0 : i32
    %dma_start3A_57 = tpu.memref_slice %arg8[%dma_start3A_52, %dma_start3A_56] : memref<5x128xi32, #tpu.memory_space<vmem>> -> memref<1x128xi32, #tpu.memory_space<vmem>>
    %dma_start3A_58 = tpu.memref_squeeze %dma_start3A_57 : memref<1x128xi32, #tpu.memory_space<vmem>> -> memref<128xi32, #tpu.memory_space<vmem>>
    %dma_start3A_59 = arith.constant 0 : i32
    %dma_start3A_60 = arith.constant 0 : i32
    %dma_start3A_61 = tpu.memref_slice %arg2[%dma_start3A_59, %dma_start3A_60] : memref<10000x64xf32, #tpu.memory_space<hbm>> -> memref<10000x64xf32, #tpu.memory_space<hbm>>
    tpu.enqueue_indirect_dma source(%dma_start3A_61 : memref<10000x64xf32, #tpu.memory_space<hbm>>) target(%dma_start3A_55 : memref<128x64xf32, #tpu.memory_space<vmem>>) offsets(%dma_start3A_58 : memref<128xi32, #tpu.memory_space<vmem>>) semaphore(%arg12 : memref<!tpu.dma_semaphore, #tpu.memory_space<semaphore_mem>>)
    %dma_start3A_62 = arith.constant 1 : i32
    %dma_start3A_63 = arith.constant 128 : i32
    %dma_start3A_64 = arith.constant 0 : i32
    %dma_start3A_65 = tpu.memref_slice %arg10[%dma_start3A_63, %dma_start3A_64] : memref<640x64xf32, #tpu.memory_space<vmem>> -> memref<128x64xf32, #tpu.memory_space<vmem>>
    %dma_start3A_66 = arith.constant 0 : i32
    %dma_start3A_67 = tpu.memref_slice %arg8[%dma_start3A_62, %dma_start3A_66] : memref<5x128xi32, #tpu.memory_space<vmem>> -> memref<1x128xi32, #tpu.memory_space<vmem>>
    %dma_start3A_68 = tpu.memref_squeeze %dma_start3A_67 : memref<1x128xi32, #tpu.memory_space<vmem>> -> memref<128xi32, #tpu.memory_space<vmem>>
    %dma_start3A_69 = arith.constant 0 : i32
    %dma_start3A_70 = arith.constant 0 : i32
    %dma_start3A_71 = tpu.memref_slice %arg2[%dma_start3A_69, %dma_start3A_70] : memref<10000x64xf32, #tpu.memory_space<hbm>> -> memref<10000x64xf32, #tpu.memory_space<hbm>>
    tpu.enqueue_indirect_dma source(%dma_start3A_71 : memref<10000x64xf32, #tpu.memory_space<hbm>>) target(%dma_start3A_65 : memref<128x64xf32, #tpu.memory_space<vmem>>) offsets(%dma_start3A_68 : memref<128xi32, #tpu.memory_space<vmem>>) semaphore(%arg12 : memref<!tpu.dma_semaphore, #tpu.memory_space<semaphore_mem>>)
    %dma_start3A_72 = arith.constant 2 : i32
    %dma_start3A_73 = arith.constant 256 : i32
    %dma_start3A_74 = arith.constant 0 : i32
    %dma_start3A_75 = tpu.memref_slice %arg10[%dma_start3A_73, %dma_start3A_74] : memref<640x64xf32, #tpu.memory_space<vmem>> -> memref<128x64xf32, #tpu.memory_space<vmem>>
    %dma_start3A_76 = arith.constant 0 : i32
    %dma_start3A_77 = tpu.memref_slice %arg8[%dma_start3A_72, %dma_start3A_76] : memref<5x128xi32, #tpu.memory_space<vmem>> -> memref<1x128xi32, #tpu.memory_space<vmem>>
    %dma_start3A_78 = tpu.memref_squeeze %dma_start3A_77 : memref<1x128xi32, #tpu.memory_space<vmem>> -> memref<128xi32, #tpu.memory_space<vmem>>
    %dma_start3A_79 = arith.constant 0 : i32
    %dma_start3A_80 = arith.constant 0 : i32
    %dma_start3A_81 = tpu.memref_slice %arg2[%dma_start3A_79, %dma_start3A_80] : memref<10000x64xf32, #tpu.memory_space<hbm>> -> memref<10000x64xf32, #tpu.memory_space<hbm>>
    tpu.enqueue_indirect_dma source(%dma_start3A_81 : memref<10000x64xf32, #tpu.memory_space<hbm>>) target(%dma_start3A_75 : memref<128x64xf32, #tpu.memory_space<vmem>>) offsets(%dma_start3A_78 : memref<128xi32, #tpu.memory_space<vmem>>) semaphore(%arg12 : memref<!tpu.dma_semaphore, #tpu.memory_space<semaphore_mem>>)
    %dma_start3A_82 = arith.constant 3 : i32
    %dma_start3A_83 = arith.constant 384 : i32
    %dma_start3A_84 = arith.constant 0 : i32
    %dma_start3A_85 = tpu.memref_slice %arg10[%dma_start3A_83, %dma_start3A_84] : memref<640x64xf32, #tpu.memory_space<vmem>> -> memref<128x64xf32, #tpu.memory_space<vmem>>
    %dma_start3A_86 = arith.constant 0 : i32
    %dma_start3A_87 = tpu.memref_slice %arg8[%dma_start3A_82, %dma_start3A_86] : memref<5x128xi32, #tpu.memory_space<vmem>> -> memref<1x128xi32, #tpu.memory_space<vmem>>
    %dma_start3A_88 = tpu.memref_squeeze %dma_start3A_87 : memref<1x128xi32, #tpu.memory_space<vmem>> -> memref<128xi32, #tpu.memory_space<vmem>>
    %dma_start3A_89 = arith.constant 0 : i32
    %dma_start3A_90 = arith.constant 0 : i32
    %dma_start3A_91 = tpu.memref_slice %arg2[%dma_start3A_89, %dma_start3A_90] : memref<10000x64xf32, #tpu.memory_space<hbm>> -> memref<10000x64xf32, #tpu.memory_space<hbm>>
    tpu.enqueue_indirect_dma source(%dma_start3A_91 : memref<10000x64xf32, #tpu.memory_space<hbm>>) target(%dma_start3A_85 : memref<128x64xf32, #tpu.memory_space<vmem>>) offsets(%dma_start3A_88 : memref<128xi32, #tpu.memory_space<vmem>>) semaphore(%arg12 : memref<!tpu.dma_semaphore, #tpu.memory_space<semaphore_mem>>)
    %dma_start3A_92 = arith.constant 4 : i32
    %dma_start3A_93 = arith.constant 512 : i32
    %dma_start3A_94 = arith.constant 0 : i32
    %dma_start3A_95 = tpu.memref_slice %arg10[%dma_start3A_93, %dma_start3A_94] : memref<640x64xf32, #tpu.memory_space<vmem>> -> memref<128x64xf32, #tpu.memory_space<vmem>>
    %dma_start3A_96 = arith.constant 0 : i32
    %dma_start3A_97 = tpu.memref_slice %arg8[%dma_start3A_92, %dma_start3A_96] : memref<5x128xi32, #tpu.memory_space<vmem>> -> memref<1x128xi32, #tpu.memory_space<vmem>>
    %dma_start3A_98 = tpu.memref_squeeze %dma_start3A_97 : memref<1x128xi32, #tpu.memory_space<vmem>> -> memref<128xi32, #tpu.memory_space<vmem>>
    %dma_start3A_99 = arith.constant 0 : i32
    %dma_start3A_100 = arith.constant 0 : i32
    %dma_start3A_101 = tpu.memref_slice %arg2[%dma_start3A_99, %dma_start3A_100] : memref<10000x64xf32, #tpu.memory_space<hbm>> -> memref<10000x64xf32, #tpu.memory_space<hbm>>
    tpu.enqueue_indirect_dma source(%dma_start3A_101 : memref<10000x64xf32, #tpu.memory_space<hbm>>) target(%dma_start3A_95 : memref<128x64xf32, #tpu.memory_space<vmem>>) offsets(%dma_start3A_98 : memref<128xi32, #tpu.memory_space<vmem>>) semaphore(%arg12 : memref<!tpu.dma_semaphore, #tpu.memory_space<semaphore_mem>>)
    %dma_wait3A = arith.constant 0 : i32
    %dma_wait3A_102 = arith.constant 0 : i32
    %dma_wait3A_103 = arith.constant 0 : i32
    %dma_wait3A_104 = tpu.memref_slice %arg9[%dma_wait3A_102, %dma_wait3A_103] : memref<640x64xf32, #tpu.memory_space<vmem>> -> memref<128x64xf32, #tpu.memory_space<vmem>>
    %dma_wait3A_105 = arith.constant 0 : i32
    %dma_wait3A_106 = tpu.memref_slice %arg7[%dma_wait3A, %dma_wait3A_105] : memref<5x128xi32, #tpu.memory_space<vmem>> -> memref<1x128xi32, #tpu.memory_space<vmem>>
    %dma_wait3A_107 = tpu.memref_squeeze %dma_wait3A_106 : memref<1x128xi32, #tpu.memory_space<vmem>> -> memref<128xi32, #tpu.memory_space<vmem>>
    %dma_wait3A_108 = arith.constant 0 : i32
    %dma_wait3A_109 = arith.constant 0 : i32
    %dma_wait3A_110 = tpu.memref_slice %arg2[%dma_wait3A_108, %dma_wait3A_109] : memref<10000x64xf32, #tpu.memory_space<hbm>> -> memref<10000x64xf32, #tpu.memory_space<hbm>>
    tpu.wait_indirect_dma semaphore(%arg11 : memref<!tpu.dma_semaphore, #tpu.memory_space<semaphore_mem>>) src(%dma_wait3A_110 : memref<10000x64xf32, #tpu.memory_space<hbm>>) dst(%dma_wait3A_104 : memref<128x64xf32, #tpu.memory_space<vmem>>)
    %dma_wait3A_111 = arith.constant 1 : i32
    %dma_wait3A_112 = arith.constant 128 : i32
    %dma_wait3A_113 = arith.constant 0 : i32
    %dma_wait3A_114 = tpu.memref_slice %arg9[%dma_wait3A_112, %dma_wait3A_113] : memref<640x64xf32, #tpu.memory_space<vmem>> -> memref<128x64xf32, #tpu.memory_space<vmem>>
    %dma_wait3A_115 = arith.constant 0 : i32
    %dma_wait3A_116 = tpu.memref_slice %arg7[%dma_wait3A_111, %dma_wait3A_115] : memref<5x128xi32, #tpu.memory_space<vmem>> -> memref<1x128xi32, #tpu.memory_space<vmem>>
    %dma_wait3A_117 = tpu.memref_squeeze %dma_wait3A_116 : memref<1x128xi32, #tpu.memory_space<vmem>> -> memref<128xi32, #tpu.memory_space<vmem>>
    %dma_wait3A_118 = arith.constant 0 : i32
    %dma_wait3A_119 = arith.constant 0 : i32
    %dma_wait3A_120 = tpu.memref_slice %arg2[%dma_wait3A_118, %dma_wait3A_119] : memref<10000x64xf32, #tpu.memory_space<hbm>> -> memref<10000x64xf32, #tpu.memory_space<hbm>>
    tpu.wait_indirect_dma semaphore(%arg11 : memref<!tpu.dma_semaphore, #tpu.memory_space<semaphore_mem>>) src(%dma_wait3A_120 : memref<10000x64xf32, #tpu.memory_space<hbm>>) dst(%dma_wait3A_114 : memref<128x64xf32, #tpu.memory_space<vmem>>)
    %dma_wait3A_121 = arith.constant 2 : i32
    %dma_wait3A_122 = arith.constant 256 : i32
    %dma_wait3A_123 = arith.constant 0 : i32
    %dma_wait3A_124 = tpu.memref_slice %arg9[%dma_wait3A_122, %dma_wait3A_123] : memref<640x64xf32, #tpu.memory_space<vmem>> -> memref<128x64xf32, #tpu.memory_space<vmem>>
    %dma_wait3A_125 = arith.constant 0 : i32
    %dma_wait3A_126 = tpu.memref_slice %arg7[%dma_wait3A_121, %dma_wait3A_125] : memref<5x128xi32, #tpu.memory_space<vmem>> -> memref<1x128xi32, #tpu.memory_space<vmem>>
    %dma_wait3A_127 = tpu.memref_squeeze %dma_wait3A_126 : memref<1x128xi32, #tpu.memory_space<vmem>> -> memref<128xi32, #tpu.memory_space<vmem>>
    %dma_wait3A_128 = arith.constant 0 : i32
    %dma_wait3A_129 = arith.constant 0 : i32
    %dma_wait3A_130 = tpu.memref_slice %arg2[%dma_wait3A_128, %dma_wait3A_129] : memref<10000x64xf32, #tpu.memory_space<hbm>> -> memref<10000x64xf32, #tpu.memory_space<hbm>>
    tpu.wait_indirect_dma semaphore(%arg11 : memref<!tpu.dma_semaphore, #tpu.memory_space<semaphore_mem>>) src(%dma_wait3A_130 : memref<10000x64xf32, #tpu.memory_space<hbm>>) dst(%dma_wait3A_124 : memref<128x64xf32, #tpu.memory_space<vmem>>)
    %dma_wait3A_131 = arith.constant 3 : i32
    %dma_wait3A_132 = arith.constant 384 : i32
    %dma_wait3A_133 = arith.constant 0 : i32
    %dma_wait3A_134 = tpu.memref_slice %arg9[%dma_wait3A_132, %dma_wait3A_133] : memref<640x64xf32, #tpu.memory_space<vmem>> -> memref<128x64xf32, #tpu.memory_space<vmem>>
    %dma_wait3A_135 = arith.constant 0 : i32
    %dma_wait3A_136 = tpu.memref_slice %arg7[%dma_wait3A_131, %dma_wait3A_135] : memref<5x128xi32, #tpu.memory_space<vmem>> -> memref<1x128xi32, #tpu.memory_space<vmem>>
    %dma_wait3A_137 = tpu.memref_squeeze %dma_wait3A_136 : memref<1x128xi32, #tpu.memory_space<vmem>> -> memref<128xi32, #tpu.memory_space<vmem>>
    %dma_wait3A_138 = arith.constant 0 : i32
    %dma_wait3A_139 = arith.constant 0 : i32
    %dma_wait3A_140 = tpu.memref_slice %arg2[%dma_wait3A_138, %dma_wait3A_139] : memref<10000x64xf32, #tpu.memory_space<hbm>> -> memref<10000x64xf32, #tpu.memory_space<hbm>>
    tpu.wait_indirect_dma semaphore(%arg11 : memref<!tpu.dma_semaphore, #tpu.memory_space<semaphore_mem>>) src(%dma_wait3A_140 : memref<10000x64xf32, #tpu.memory_space<hbm>>) dst(%dma_wait3A_134 : memref<128x64xf32, #tpu.memory_space<vmem>>)
    %dma_wait3A_141 = arith.constant 4 : i32
    %dma_wait3A_142 = arith.constant 512 : i32
    %dma_wait3A_143 = arith.constant 0 : i32
    %dma_wait3A_144 = tpu.memref_slice %arg9[%dma_wait3A_142, %dma_wait3A_143] : memref<640x64xf32, #tpu.memory_space<vmem>> -> memref<128x64xf32, #tpu.memory_space<vmem>>
    %dma_wait3A_145 = arith.constant 0 : i32
    %dma_wait3A_146 = tpu.memref_slice %arg7[%dma_wait3A_141, %dma_wait3A_145] : memref<5x128xi32, #tpu.memory_space<vmem>> -> memref<1x128xi32, #tpu.memory_space<vmem>>
    %dma_wait3A_147 = tpu.memref_squeeze %dma_wait3A_146 : memref<1x128xi32, #tpu.memory_space<vmem>> -> memref<128xi32, #tpu.memory_space<vmem>>
    %dma_wait3A_148 = arith.constant 0 : i32
    %dma_wait3A_149 = arith.constant 0 : i32
    %dma_wait3A_150 = tpu.memref_slice %arg2[%dma_wait3A_148, %dma_wait3A_149] : memref<10000x64xf32, #tpu.memory_space<hbm>> -> memref<10000x64xf32, #tpu.memory_space<hbm>>
    tpu.wait_indirect_dma semaphore(%arg11 : memref<!tpu.dma_semaphore, #tpu.memory_space<semaphore_mem>>) src(%dma_wait3A_150 : memref<10000x64xf32, #tpu.memory_space<hbm>>) dst(%dma_wait3A_144 : memref<128x64xf32, #tpu.memory_space<vmem>>)
    %dma_start3A_151 = arith.constant 0 : i32
    %dma_start3A_152 = tpu.memref_slice %arg5[%mul3A_2, %dma_start3A_151] : memref<20480x64xf32, #tpu.memory_space<hbm>> -> memref<640x64xf32, #tpu.memory_space<hbm>>
    %dma_start3A_153 = arith.constant 0 : i32
    %dma_start3A_154 = tpu.memref_slice %arg5[%mul3A_2, %dma_start3A_153] : memref<20480x64xf32, #tpu.memory_space<hbm>> -> memref<640x64xf32, #tpu.memory_space<hbm>>
    tpu.enqueue_dma source(%arg9 : memref<640x64xf32, #tpu.memory_space<vmem>>) target(%dma_start3A_154 : memref<640x64xf32, #tpu.memory_space<hbm>>) target_semaphore(%arg11 : memref<!tpu.dma_semaphore, #tpu.memory_space<semaphore_mem>>)
    %dma_wait3A_155 = arith.constant 0 : i32
    %dma_wait3A_156 = arith.constant 0 : i32
    %dma_wait3A_157 = arith.constant 0 : i32
    %dma_wait3A_158 = tpu.memref_slice %arg10[%dma_wait3A_156, %dma_wait3A_157] : memref<640x64xf32, #tpu.memory_space<vmem>> -> memref<128x64xf32, #tpu.memory_space<vmem>>
    %dma_wait3A_159 = arith.constant 0 : i32
    %dma_wait3A_160 = tpu.memref_slice %arg8[%dma_wait3A_155, %dma_wait3A_159] : memref<5x128xi32, #tpu.memory_space<vmem>> -> memref<1x128xi32, #tpu.memory_space<vmem>>
    %dma_wait3A_161 = tpu.memref_squeeze %dma_wait3A_160 : memref<1x128xi32, #tpu.memory_space<vmem>> -> memref<128xi32, #tpu.memory_space<vmem>>
    %dma_wait3A_162 = arith.constant 0 : i32
    %dma_wait3A_163 = arith.constant 0 : i32
    %dma_wait3A_164 = tpu.memref_slice %arg2[%dma_wait3A_162, %dma_wait3A_163] : memref<10000x64xf32, #tpu.memory_space<hbm>> -> memref<10000x64xf32, #tpu.memory_space<hbm>>
    tpu.wait_indirect_dma semaphore(%arg12 : memref<!tpu.dma_semaphore, #tpu.memory_space<semaphore_mem>>) src(%dma_wait3A_164 : memref<10000x64xf32, #tpu.memory_space<hbm>>) dst(%dma_wait3A_158 : memref<128x64xf32, #tpu.memory_space<vmem>>)
    %dma_wait3A_165 = arith.constant 1 : i32
    %dma_wait3A_166 = arith.constant 128 : i32
    %dma_wait3A_167 = arith.constant 0 : i32
    %dma_wait3A_168 = tpu.memref_slice %arg10[%dma_wait3A_166, %dma_wait3A_167] : memref<640x64xf32, #tpu.memory_space<vmem>> -> memref<128x64xf32, #tpu.memory_space<vmem>>
    %dma_wait3A_169 = arith.constant 0 : i32
    %dma_wait3A_170 = tpu.memref_slice %arg8[%dma_wait3A_165, %dma_wait3A_169] : memref<5x128xi32, #tpu.memory_space<vmem>> -> memref<1x128xi32, #tpu.memory_space<vmem>>
    %dma_wait3A_171 = tpu.memref_squeeze %dma_wait3A_170 : memref<1x128xi32, #tpu.memory_space<vmem>> -> memref<128xi32, #tpu.memory_space<vmem>>
    %dma_wait3A_172 = arith.constant 0 : i32
    %dma_wait3A_173 = arith.constant 0 : i32
    %dma_wait3A_174 = tpu.memref_slice %arg2[%dma_wait3A_172, %dma_wait3A_173] : memref<10000x64xf32, #tpu.memory_space<hbm>> -> memref<10000x64xf32, #tpu.memory_space<hbm>>
    tpu.wait_indirect_dma semaphore(%arg12 : memref<!tpu.dma_semaphore, #tpu.memory_space<semaphore_mem>>) src(%dma_wait3A_174 : memref<10000x64xf32, #tpu.memory_space<hbm>>) dst(%dma_wait3A_168 : memref<128x64xf32, #tpu.memory_space<vmem>>)
    %dma_wait3A_175 = arith.constant 2 : i32
    %dma_wait3A_176 = arith.constant 256 : i32
    %dma_wait3A_177 = arith.constant 0 : i32
    %dma_wait3A_178 = tpu.memref_slice %arg10[%dma_wait3A_176, %dma_wait3A_177] : memref<640x64xf32, #tpu.memory_space<vmem>> -> memref<128x64xf32, #tpu.memory_space<vmem>>
    %dma_wait3A_179 = arith.constant 0 : i32
    %dma_wait3A_180 = tpu.memref_slice %arg8[%dma_wait3A_175, %dma_wait3A_179] : memref<5x128xi32, #tpu.memory_space<vmem>> -> memref<1x128xi32, #tpu.memory_space<vmem>>
    %dma_wait3A_181 = tpu.memref_squeeze %dma_wait3A_180 : memref<1x128xi32, #tpu.memory_space<vmem>> -> memref<128xi32, #tpu.memory_space<vmem>>
    %dma_wait3A_182 = arith.constant 0 : i32
    %dma_wait3A_183 = arith.constant 0 : i32
    %dma_wait3A_184 = tpu.memref_slice %arg2[%dma_wait3A_182, %dma_wait3A_183] : memref<10000x64xf32, #tpu.memory_space<hbm>> -> memref<10000x64xf32, #tpu.memory_space<hbm>>
    tpu.wait_indirect_dma semaphore(%arg12 : memref<!tpu.dma_semaphore, #tpu.memory_space<semaphore_mem>>) src(%dma_wait3A_184 : memref<10000x64xf32, #tpu.memory_space<hbm>>) dst(%dma_wait3A_178 : memref<128x64xf32, #tpu.memory_space<vmem>>)
    %dma_wait3A_185 = arith.constant 3 : i32
    %dma_wait3A_186 = arith.constant 384 : i32
    %dma_wait3A_187 = arith.constant 0 : i32
    %dma_wait3A_188 = tpu.memref_slice %arg10[%dma_wait3A_186, %dma_wait3A_187] : memref<640x64xf32, #tpu.memory_space<vmem>> -> memref<128x64xf32, #tpu.memory_space<vmem>>
    %dma_wait3A_189 = arith.constant 0 : i32
    %dma_wait3A_190 = tpu.memref_slice %arg8[%dma_wait3A_185, %dma_wait3A_189] : memref<5x128xi32, #tpu.memory_space<vmem>> -> memref<1x128xi32, #tpu.memory_space<vmem>>
    %dma_wait3A_191 = tpu.memref_squeeze %dma_wait3A_190 : memref<1x128xi32, #tpu.memory_space<vmem>> -> memref<128xi32, #tpu.memory_space<vmem>>
    %dma_wait3A_192 = arith.constant 0 : i32
    %dma_wait3A_193 = arith.constant 0 : i32
    %dma_wait3A_194 = tpu.memref_slice %arg2[%dma_wait3A_192, %dma_wait3A_193] : memref<10000x64xf32, #tpu.memory_space<hbm>> -> memref<10000x64xf32, #tpu.memory_space<hbm>>
    tpu.wait_indirect_dma semaphore(%arg12 : memref<!tpu.dma_semaphore, #tpu.memory_space<semaphore_mem>>) src(%dma_wait3A_194 : memref<10000x64xf32, #tpu.memory_space<hbm>>) dst(%dma_wait3A_188 : memref<128x64xf32, #tpu.memory_space<vmem>>)
    %dma_wait3A_195 = arith.constant 4 : i32
    %dma_wait3A_196 = arith.constant 512 : i32
    %dma_wait3A_197 = arith.constant 0 : i32
    %dma_wait3A_198 = tpu.memref_slice %arg10[%dma_wait3A_196, %dma_wait3A_197] : memref<640x64xf32, #tpu.memory_space<vmem>> -> memref<128x64xf32, #tpu.memory_space<vmem>>
    %dma_wait3A_199 = arith.constant 0 : i32
    %dma_wait3A_200 = tpu.memref_slice %arg8[%dma_wait3A_195, %dma_wait3A_199] : memref<5x128xi32, #tpu.memory_space<vmem>> -> memref<1x128xi32, #tpu.memory_space<vmem>>
    %dma_wait3A_201 = tpu.memref_squeeze %dma_wait3A_200 : memref<1x128xi32, #tpu.memory_space<vmem>> -> memref<128xi32, #tpu.memory_space<vmem>>
    %dma_wait3A_202 = arith.constant 0 : i32
    %dma_wait3A_203 = arith.constant 0 : i32
    %dma_wait3A_204 = tpu.memref_slice %arg2[%dma_wait3A_202, %dma_wait3A_203] : memref<10000x64xf32, #tpu.memory_space<hbm>> -> memref<10000x64xf32, #tpu.memory_space<hbm>>
    tpu.wait_indirect_dma semaphore(%arg12 : memref<!tpu.dma_semaphore, #tpu.memory_space<semaphore_mem>>) src(%dma_wait3A_204 : memref<10000x64xf32, #tpu.memory_space<hbm>>) dst(%dma_wait3A_198 : memref<128x64xf32, #tpu.memory_space<vmem>>)
    %dma_start3A_205 = arith.constant 0 : i32
    %dma_start3A_206 = tpu.memref_slice %arg6[%mul3A_2, %dma_start3A_205] : memref<20480x64xf32, #tpu.memory_space<hbm>> -> memref<640x64xf32, #tpu.memory_space<hbm>>
    %dma_start3A_207 = arith.constant 0 : i32
    %dma_start3A_208 = tpu.memref_slice %arg6[%mul3A_2, %dma_start3A_207] : memref<20480x64xf32, #tpu.memory_space<hbm>> -> memref<640x64xf32, #tpu.memory_space<hbm>>
    tpu.enqueue_dma source(%arg10 : memref<640x64xf32, #tpu.memory_space<vmem>>) target(%dma_start3A_208 : memref<640x64xf32, #tpu.memory_space<hbm>>) target_semaphore(%arg12 : memref<!tpu.dma_semaphore, #tpu.memory_space<semaphore_mem>>)
    %dma_wait3A_209 = arith.constant 0 : i32
    %dma_wait3A_210 = tpu.memref_slice %arg5[%mul3A_2, %dma_wait3A_209] : memref<20480x64xf32, #tpu.memory_space<hbm>> -> memref<640x64xf32, #tpu.memory_space<hbm>>
    %dma_wait3A_211 = arith.constant 0 : i32
    %dma_wait3A_212 = tpu.memref_slice %arg5[%mul3A_2, %dma_wait3A_211] : memref<20480x64xf32, #tpu.memory_space<hbm>> -> memref<640x64xf32, #tpu.memory_space<hbm>>
    tpu.wait_dma2 semaphore(%arg11 : memref<!tpu.dma_semaphore, #tpu.memory_space<semaphore_mem>>) src(%arg9 : memref<640x64xf32, #tpu.memory_space<vmem>>) dst(%dma_wait3A_212 : memref<640x64xf32, #tpu.memory_space<hbm>>)
    %dma_wait3A_213 = arith.constant 0 : i32
    %dma_wait3A_214 = tpu.memref_slice %arg6[%mul3A_2, %dma_wait3A_213] : memref<20480x64xf32, #tpu.memory_space<hbm>> -> memref<640x64xf32, #tpu.memory_space<hbm>>
    %dma_wait3A_215 = arith.constant 0 : i32
    %dma_wait3A_216 = tpu.memref_slice %arg6[%mul3A_2, %dma_wait3A_215] : memref<20480x64xf32, #tpu.memory_space<hbm>> -> memref<640x64xf32, #tpu.memory_space<hbm>>
    tpu.wait_dma2 semaphore(%arg12 : memref<!tpu.dma_semaphore, #tpu.memory_space<semaphore_mem>>) src(%arg10 : memref<640x64xf32, #tpu.memory_space<vmem>>) dst(%dma_wait3A_216 : memref<640x64xf32, #tpu.memory_space<hbm>>)
    return
  }
}

#map = affine_map<(d0, d1) -> (0, 0)>
#map1 = affine_map<(d0, d1) -> (0, 0, 0)>
module attributes {stable_mosaic.version = 14 : i64} {
  func.func @_sc_scatter_body(%arg0: i32, %arg1: i32, %arg2: memref<20480x80xf32, #tpu.memory_space<hbm>>, %arg3: memref<32x5x128xi32, #tpu.memory_space<hbm>>, %arg4: memref<640x80xf32, #tpu.memory_space<hbm>>, %arg5: memref<2x10240x80xf32, #tpu.memory_space<hbm>>, %arg6: memref<5x128xi32, #tpu.memory_space<vmem>>, %arg7: memref<640x80xf32, #tpu.memory_space<vmem>>, %arg8: memref<10240x80xf32, #tpu.memory_space<vmem_shared>>) attributes {dimension_semantics = [#tpu.dimension_semantics<core_parallel>, #tpu.dimension_semantics<subcore_parallel>], iteration_bounds = array<i64: 2, 16>, scalar_prefetch = 0 : i64, scratch_operands = 3 : i64, tpu.core_type = #tpu.core_type<sc_vector_subcore>, window_params = [{transform_indices = #map}, {transform_indices = #map1}, {transform_indices = #map}, {transform_indices = #map1}]} {
    %mul3A = arith.constant 2 : i32
    %mul3A_0 = arith.muli %arg1, %mul3A : i32
    %add3A = arith.addi %mul3A_0, %arg0 : i32
    %mul3A_1 = arith.constant 640 : i32
    %mul3A_2 = arith.muli %arg1, %mul3A_1 : i32
    "tpu.region"() ({
      %run_scoped3A_14 = tpu.sem_alloc : memref<!tpu.dma_semaphore, #tpu.memory_space<semaphore_mem>>
      %dma_start3A = arith.constant 0 : i32
      %dma_start3A_15 = tpu.memref_slice %arg8[%mul3A_2, %dma_start3A] : memref<10240x80xf32, #tpu.memory_space<vmem_shared>> -> memref<640x80xf32, #tpu.memory_space<vmem_shared>>
      tpu.enqueue_dma source(%arg4 : memref<640x80xf32, #tpu.memory_space<hbm>>) target(%dma_start3A_15 : memref<640x80xf32, #tpu.memory_space<vmem_shared>>) target_semaphore(%run_scoped3A_14 : memref<!tpu.dma_semaphore, #tpu.memory_space<semaphore_mem>>)
      %dma_wait3A = arith.constant 0 : i32
      %dma_wait3A_16 = tpu.memref_slice %arg8[%mul3A_2, %dma_wait3A] : memref<10240x80xf32, #tpu.memory_space<vmem_shared>> -> memref<640x80xf32, #tpu.memory_space<vmem_shared>>
      tpu.wait_dma2 semaphore(%run_scoped3A_14 : memref<!tpu.dma_semaphore, #tpu.memory_space<semaphore_mem>>) src(%arg4 : memref<640x80xf32, #tpu.memory_space<hbm>>) dst(%dma_wait3A_16 : memref<640x80xf32, #tpu.memory_space<vmem_shared>>)
      tpu.yield
    }) : () -> ()
    %barrier3A = arith.constant 0 : index
    tpu.barrier barrier_id(%barrier3A)
    "tpu.region"() ({
      %run_scoped3A_14 = tpu.sem_alloc : memref<!tpu.dma_semaphore, #tpu.memory_space<semaphore_mem>>
      %dma_start3A = arith.constant 0 : i32
      %dma_start3A_15 = arith.constant 0 : i32
      %dma_start3A_16 = tpu.memref_slice %arg3[%add3A, %dma_start3A, %dma_start3A_15] : memref<32x5x128xi32, #tpu.memory_space<hbm>> -> memref<1x5x128xi32, #tpu.memory_space<hbm>>
      %dma_start3A_17 = tpu.memref_squeeze %dma_start3A_16 : memref<1x5x128xi32, #tpu.memory_space<hbm>> -> memref<5x128xi32, #tpu.memory_space<hbm>>
      %dma_start3A_18 = arith.constant 0 : i32
      %dma_start3A_19 = arith.constant 0 : i32
      %dma_start3A_20 = tpu.memref_slice %arg3[%add3A, %dma_start3A_18, %dma_start3A_19] : memref<32x5x128xi32, #tpu.memory_space<hbm>> -> memref<1x5x128xi32, #tpu.memory_space<hbm>>
      %dma_start3A_21 = tpu.memref_squeeze %dma_start3A_20 : memref<1x5x128xi32, #tpu.memory_space<hbm>> -> memref<5x128xi32, #tpu.memory_space<hbm>>
      tpu.enqueue_dma source(%dma_start3A_21 : memref<5x128xi32, #tpu.memory_space<hbm>>) target(%arg6 : memref<5x128xi32, #tpu.memory_space<vmem>>) target_semaphore(%run_scoped3A_14 : memref<!tpu.dma_semaphore, #tpu.memory_space<semaphore_mem>>)
      %dma_wait3A = arith.constant 0 : i32
      %dma_wait3A_22 = arith.constant 0 : i32
      %dma_wait3A_23 = tpu.memref_slice %arg3[%add3A, %dma_wait3A, %dma_wait3A_22] : memref<32x5x128xi32, #tpu.memory_space<hbm>> -> memref<1x5x128xi32, #tpu.memory_space<hbm>>
      %dma_wait3A_24 = tpu.memref_squeeze %dma_wait3A_23 : memref<1x5x128xi32, #tpu.memory_space<hbm>> -> memref<5x128xi32, #tpu.memory_space<hbm>>
      %dma_wait3A_25 = arith.constant 0 : i32
      %dma_wait3A_26 = arith.constant 0 : i32
      %dma_wait3A_27 = tpu.memref_slice %arg3[%add3A, %dma_wait3A_25, %dma_wait3A_26] : memref<32x5x128xi32, #tpu.memory_space<hbm>> -> memref<1x5x128xi32, #tpu.memory_space<hbm>>
      %dma_wait3A_28 = tpu.memref_squeeze %dma_wait3A_27 : memref<1x5x128xi32, #tpu.memory_space<hbm>> -> memref<5x128xi32, #tpu.memory_space<hbm>>
      tpu.wait_dma2 semaphore(%run_scoped3A_14 : memref<!tpu.dma_semaphore, #tpu.memory_space<semaphore_mem>>) src(%dma_wait3A_28 : memref<5x128xi32, #tpu.memory_space<hbm>>) dst(%arg6 : memref<5x128xi32, #tpu.memory_space<vmem>>)
      tpu.yield
    }) : () -> ()
    %mul3A_3 = arith.constant 640 : i32
    %mul3A_4 = arith.muli %add3A, %mul3A_3 : i32
    "tpu.region"() ({
      %run_scoped3A_14 = tpu.sem_alloc : memref<!tpu.dma_semaphore, #tpu.memory_space<semaphore_mem>>
      %dma_start3A = arith.constant 0 : i32
      %dma_start3A_15 = tpu.memref_slice %arg2[%mul3A_4, %dma_start3A] : memref<20480x80xf32, #tpu.memory_space<hbm>> -> memref<640x80xf32, #tpu.memory_space<hbm>>
      %dma_start3A_16 = arith.constant 0 : i32
      %dma_start3A_17 = tpu.memref_slice %arg2[%mul3A_4, %dma_start3A_16] : memref<20480x80xf32, #tpu.memory_space<hbm>> -> memref<640x80xf32, #tpu.memory_space<hbm>>
      tpu.enqueue_dma source(%dma_start3A_17 : memref<640x80xf32, #tpu.memory_space<hbm>>) target(%arg7 : memref<640x80xf32, #tpu.memory_space<vmem>>) target_semaphore(%run_scoped3A_14 : memref<!tpu.dma_semaphore, #tpu.memory_space<semaphore_mem>>)
      %dma_wait3A = arith.constant 0 : i32
      %dma_wait3A_18 = tpu.memref_slice %arg2[%mul3A_4, %dma_wait3A] : memref<20480x80xf32, #tpu.memory_space<hbm>> -> memref<640x80xf32, #tpu.memory_space<hbm>>
      %dma_wait3A_19 = arith.constant 0 : i32
      %dma_wait3A_20 = tpu.memref_slice %arg2[%mul3A_4, %dma_wait3A_19] : memref<20480x80xf32, #tpu.memory_space<hbm>> -> memref<640x80xf32, #tpu.memory_space<hbm>>
      tpu.wait_dma2 semaphore(%run_scoped3A_14 : memref<!tpu.dma_semaphore, #tpu.memory_space<semaphore_mem>>) src(%dma_wait3A_20 : memref<640x80xf32, #tpu.memory_space<hbm>>) dst(%arg7 : memref<640x80xf32, #tpu.memory_space<vmem>>)
      tpu.yield
    }) : () -> ()
    %run_scoped3A = arith.constant 0 : i32
    "tpu.region"() ({
      %run_scoped3A_14 = tpu.sem_alloc : memref<!tpu.dma_semaphore, #tpu.memory_space<semaphore_mem>>
      %dma_start3A = arith.constant 0 : i32
      %dma_start3A_15 = arith.constant 0 : i32
      %dma_start3A_16 = tpu.memref_slice %arg7[%dma_start3A, %dma_start3A_15] : memref<640x80xf32, #tpu.memory_space<vmem>> -> memref<128x80xf32, #tpu.memory_space<vmem>>
      %dma_start3A_17 = arith.constant 0 : i32
      %dma_start3A_18 = tpu.memref_slice %arg6[%run_scoped3A, %dma_start3A_17] : memref<5x128xi32, #tpu.memory_space<vmem>> -> memref<1x128xi32, #tpu.memory_space<vmem>>
      %dma_start3A_19 = tpu.memref_squeeze %dma_start3A_18 : memref<1x128xi32, #tpu.memory_space<vmem>> -> memref<128xi32, #tpu.memory_space<vmem>>
      %dma_start3A_20 = arith.constant 0 : i32
      %dma_start3A_21 = arith.constant 0 : i32
      %dma_start3A_22 = tpu.memref_slice %arg8[%dma_start3A_20, %dma_start3A_21] : memref<10240x80xf32, #tpu.memory_space<vmem_shared>> -> memref<10240x80xf32, #tpu.memory_space<vmem_shared>>
      tpu.enqueue_indirect_dma source(%dma_start3A_16 : memref<128x80xf32, #tpu.memory_space<vmem>>) target(%dma_start3A_22 : memref<10240x80xf32, #tpu.memory_space<vmem_shared>>) offsets(%dma_start3A_19 : memref<128xi32, #tpu.memory_space<vmem>>) semaphore(%run_scoped3A_14 : memref<!tpu.dma_semaphore, #tpu.memory_space<semaphore_mem>>) {add = true}
      %dma_wait3A = arith.constant 0 : i32
      %dma_wait3A_23 = arith.constant 0 : i32
      %dma_wait3A_24 = tpu.memref_slice %arg7[%dma_wait3A, %dma_wait3A_23] : memref<640x80xf32, #tpu.memory_space<vmem>> -> memref<128x80xf32, #tpu.memory_space<vmem>>
      %dma_wait3A_25 = arith.constant 0 : i32
      %dma_wait3A_26 = tpu.memref_slice %arg6[%run_scoped3A, %dma_wait3A_25] : memref<5x128xi32, #tpu.memory_space<vmem>> -> memref<1x128xi32, #tpu.memory_space<vmem>>
      %dma_wait3A_27 = tpu.memref_squeeze %dma_wait3A_26 : memref<1x128xi32, #tpu.memory_space<vmem>> -> memref<128xi32, #tpu.memory_space<vmem>>
      %dma_wait3A_28 = arith.constant 0 : i32
      %dma_wait3A_29 = arith.constant 0 : i32
      %dma_wait3A_30 = tpu.memref_slice %arg8[%dma_wait3A_28, %dma_wait3A_29] : memref<10240x80xf32, #tpu.memory_space<vmem_shared>> -> memref<10240x80xf32, #tpu.memory_space<vmem_shared>>
      tpu.wait_indirect_dma semaphore(%run_scoped3A_14 : memref<!tpu.dma_semaphore, #tpu.memory_space<semaphore_mem>>) src(%dma_wait3A_24 : memref<128x80xf32, #tpu.memory_space<vmem>>) dst(%dma_wait3A_30 : memref<10240x80xf32, #tpu.memory_space<vmem_shared>>)
      tpu.yield
    }) : () -> ()
    %run_scoped3A_5 = arith.constant 1 : i32
    "tpu.region"() ({
      %run_scoped3A_14 = tpu.sem_alloc : memref<!tpu.dma_semaphore, #tpu.memory_space<semaphore_mem>>
      %dma_start3A = arith.constant 128 : i32
      %dma_start3A_15 = arith.constant 0 : i32
      %dma_start3A_16 = tpu.memref_slice %arg7[%dma_start3A, %dma_start3A_15] : memref<640x80xf32, #tpu.memory_space<vmem>> -> memref<128x80xf32, #tpu.memory_space<vmem>>
      %dma_start3A_17 = arith.constant 0 : i32
      %dma_start3A_18 = tpu.memref_slice %arg6[%run_scoped3A_5, %dma_start3A_17] : memref<5x128xi32, #tpu.memory_space<vmem>> -> memref<1x128xi32, #tpu.memory_space<vmem>>
      %dma_start3A_19 = tpu.memref_squeeze %dma_start3A_18 : memref<1x128xi32, #tpu.memory_space<vmem>> -> memref<128xi32, #tpu.memory_space<vmem>>
      %dma_start3A_20 = arith.constant 0 : i32
      %dma_start3A_21 = arith.constant 0 : i32
      %dma_start3A_22 = tpu.memref_slice %arg8[%dma_start3A_20, %dma_start3A_21] : memref<10240x80xf32, #tpu.memory_space<vmem_shared>> -> memref<10240x80xf32, #tpu.memory_space<vmem_shared>>
      tpu.enqueue_indirect_dma source(%dma_start3A_16 : memref<128x80xf32, #tpu.memory_space<vmem>>) target(%dma_start3A_22 : memref<10240x80xf32, #tpu.memory_space<vmem_shared>>) offsets(%dma_start3A_19 : memref<128xi32, #tpu.memory_space<vmem>>) semaphore(%run_scoped3A_14 : memref<!tpu.dma_semaphore, #tpu.memory_space<semaphore_mem>>) {add = true}
      %dma_wait3A = arith.constant 128 : i32
      %dma_wait3A_23 = arith.constant 0 : i32
      %dma_wait3A_24 = tpu.memref_slice %arg7[%dma_wait3A, %dma_wait3A_23] : memref<640x80xf32, #tpu.memory_space<vmem>> -> memref<128x80xf32, #tpu.memory_space<vmem>>
      %dma_wait3A_25 = arith.constant 0 : i32
      %dma_wait3A_26 = tpu.memref_slice %arg6[%run_scoped3A_5, %dma_wait3A_25] : memref<5x128xi32, #tpu.memory_space<vmem>> -> memref<1x128xi32, #tpu.memory_space<vmem>>
      %dma_wait3A_27 = tpu.memref_squeeze %dma_wait3A_26 : memref<1x128xi32, #tpu.memory_space<vmem>> -> memref<128xi32, #tpu.memory_space<vmem>>
      %dma_wait3A_28 = arith.constant 0 : i32
      %dma_wait3A_29 = arith.constant 0 : i32
      %dma_wait3A_30 = tpu.memref_slice %arg8[%dma_wait3A_28, %dma_wait3A_29] : memref<10240x80xf32, #tpu.memory_space<vmem_shared>> -> memref<10240x80xf32, #tpu.memory_space<vmem_shared>>
      tpu.wait_indirect_dma semaphore(%run_scoped3A_14 : memref<!tpu.dma_semaphore, #tpu.memory_space<semaphore_mem>>) src(%dma_wait3A_24 : memref<128x80xf32, #tpu.memory_space<vmem>>) dst(%dma_wait3A_30 : memref<10240x80xf32, #tpu.memory_space<vmem_shared>>)
      tpu.yield
    }) : () -> ()
    %run_scoped3A_6 = arith.constant 2 : i32
    "tpu.region"() ({
      %run_scoped3A_14 = tpu.sem_alloc : memref<!tpu.dma_semaphore, #tpu.memory_space<semaphore_mem>>
      %dma_start3A = arith.constant 256 : i32
      %dma_start3A_15 = arith.constant 0 : i32
      %dma_start3A_16 = tpu.memref_slice %arg7[%dma_start3A, %dma_start3A_15] : memref<640x80xf32, #tpu.memory_space<vmem>> -> memref<128x80xf32, #tpu.memory_space<vmem>>
      %dma_start3A_17 = arith.constant 0 : i32
      %dma_start3A_18 = tpu.memref_slice %arg6[%run_scoped3A_6, %dma_start3A_17] : memref<5x128xi32, #tpu.memory_space<vmem>> -> memref<1x128xi32, #tpu.memory_space<vmem>>
      %dma_start3A_19 = tpu.memref_squeeze %dma_start3A_18 : memref<1x128xi32, #tpu.memory_space<vmem>> -> memref<128xi32, #tpu.memory_space<vmem>>
      %dma_start3A_20 = arith.constant 0 : i32
      %dma_start3A_21 = arith.constant 0 : i32
      %dma_start3A_22 = tpu.memref_slice %arg8[%dma_start3A_20, %dma_start3A_21] : memref<10240x80xf32, #tpu.memory_space<vmem_shared>> -> memref<10240x80xf32, #tpu.memory_space<vmem_shared>>
      tpu.enqueue_indirect_dma source(%dma_start3A_16 : memref<128x80xf32, #tpu.memory_space<vmem>>) target(%dma_start3A_22 : memref<10240x80xf32, #tpu.memory_space<vmem_shared>>) offsets(%dma_start3A_19 : memref<128xi32, #tpu.memory_space<vmem>>) semaphore(%run_scoped3A_14 : memref<!tpu.dma_semaphore, #tpu.memory_space<semaphore_mem>>) {add = true}
      %dma_wait3A = arith.constant 256 : i32
      %dma_wait3A_23 = arith.constant 0 : i32
      %dma_wait3A_24 = tpu.memref_slice %arg7[%dma_wait3A, %dma_wait3A_23] : memref<640x80xf32, #tpu.memory_space<vmem>> -> memref<128x80xf32, #tpu.memory_space<vmem>>
      %dma_wait3A_25 = arith.constant 0 : i32
      %dma_wait3A_26 = tpu.memref_slice %arg6[%run_scoped3A_6, %dma_wait3A_25] : memref<5x128xi32, #tpu.memory_space<vmem>> -> memref<1x128xi32, #tpu.memory_space<vmem>>
      %dma_wait3A_27 = tpu.memref_squeeze %dma_wait3A_26 : memref<1x128xi32, #tpu.memory_space<vmem>> -> memref<128xi32, #tpu.memory_space<vmem>>
      %dma_wait3A_28 = arith.constant 0 : i32
      %dma_wait3A_29 = arith.constant 0 : i32
      %dma_wait3A_30 = tpu.memref_slice %arg8[%dma_wait3A_28, %dma_wait3A_29] : memref<10240x80xf32, #tpu.memory_space<vmem_shared>> -> memref<10240x80xf32, #tpu.memory_space<vmem_shared>>
      tpu.wait_indirect_dma semaphore(%run_scoped3A_14 : memref<!tpu.dma_semaphore, #tpu.memory_space<semaphore_mem>>) src(%dma_wait3A_24 : memref<128x80xf32, #tpu.memory_space<vmem>>) dst(%dma_wait3A_30 : memref<10240x80xf32, #tpu.memory_space<vmem_shared>>)
      tpu.yield
    }) : () -> ()
    %run_scoped3A_7 = arith.constant 3 : i32
    "tpu.region"() ({
      %run_scoped3A_14 = tpu.sem_alloc : memref<!tpu.dma_semaphore, #tpu.memory_space<semaphore_mem>>
      %dma_start3A = arith.constant 384 : i32
      %dma_start3A_15 = arith.constant 0 : i32
      %dma_start3A_16 = tpu.memref_slice %arg7[%dma_start3A, %dma_start3A_15] : memref<640x80xf32, #tpu.memory_space<vmem>> -> memref<128x80xf32, #tpu.memory_space<vmem>>
      %dma_start3A_17 = arith.constant 0 : i32
      %dma_start3A_18 = tpu.memref_slice %arg6[%run_scoped3A_7, %dma_start3A_17] : memref<5x128xi32, #tpu.memory_space<vmem>> -> memref<1x128xi32, #tpu.memory_space<vmem>>
      %dma_start3A_19 = tpu.memref_squeeze %dma_start3A_18 : memref<1x128xi32, #tpu.memory_space<vmem>> -> memref<128xi32, #tpu.memory_space<vmem>>
      %dma_start3A_20 = arith.constant 0 : i32
      %dma_start3A_21 = arith.constant 0 : i32
      %dma_start3A_22 = tpu.memref_slice %arg8[%dma_start3A_20, %dma_start3A_21] : memref<10240x80xf32, #tpu.memory_space<vmem_shared>> -> memref<10240x80xf32, #tpu.memory_space<vmem_shared>>
      tpu.enqueue_indirect_dma source(%dma_start3A_16 : memref<128x80xf32, #tpu.memory_space<vmem>>) target(%dma_start3A_22 : memref<10240x80xf32, #tpu.memory_space<vmem_shared>>) offsets(%dma_start3A_19 : memref<128xi32, #tpu.memory_space<vmem>>) semaphore(%run_scoped3A_14 : memref<!tpu.dma_semaphore, #tpu.memory_space<semaphore_mem>>) {add = true}
      %dma_wait3A = arith.constant 384 : i32
      %dma_wait3A_23 = arith.constant 0 : i32
      %dma_wait3A_24 = tpu.memref_slice %arg7[%dma_wait3A, %dma_wait3A_23] : memref<640x80xf32, #tpu.memory_space<vmem>> -> memref<128x80xf32, #tpu.memory_space<vmem>>
      %dma_wait3A_25 = arith.constant 0 : i32
      %dma_wait3A_26 = tpu.memref_slice %arg6[%run_scoped3A_7, %dma_wait3A_25] : memref<5x128xi32, #tpu.memory_space<vmem>> -> memref<1x128xi32, #tpu.memory_space<vmem>>
      %dma_wait3A_27 = tpu.memref_squeeze %dma_wait3A_26 : memref<1x128xi32, #tpu.memory_space<vmem>> -> memref<128xi32, #tpu.memory_space<vmem>>
      %dma_wait3A_28 = arith.constant 0 : i32
      %dma_wait3A_29 = arith.constant 0 : i32
      %dma_wait3A_30 = tpu.memref_slice %arg8[%dma_wait3A_28, %dma_wait3A_29] : memref<10240x80xf32, #tpu.memory_space<vmem_shared>> -> memref<10240x80xf32, #tpu.memory_space<vmem_shared>>
      tpu.wait_indirect_dma semaphore(%run_scoped3A_14 : memref<!tpu.dma_semaphore, #tpu.memory_space<semaphore_mem>>) src(%dma_wait3A_24 : memref<128x80xf32, #tpu.memory_space<vmem>>) dst(%dma_wait3A_30 : memref<10240x80xf32, #tpu.memory_space<vmem_shared>>)
      tpu.yield
    }) : () -> ()
    %run_scoped3A_8 = arith.constant 4 : i32
    "tpu.region"() ({
      %run_scoped3A_14 = tpu.sem_alloc : memref<!tpu.dma_semaphore, #tpu.memory_space<semaphore_mem>>
      %dma_start3A = arith.constant 512 : i32
      %dma_start3A_15 = arith.constant 0 : i32
      %dma_start3A_16 = tpu.memref_slice %arg7[%dma_start3A, %dma_start3A_15] : memref<640x80xf32, #tpu.memory_space<vmem>> -> memref<128x80xf32, #tpu.memory_space<vmem>>
      %dma_start3A_17 = arith.constant 0 : i32
      %dma_start3A_18 = tpu.memref_slice %arg6[%run_scoped3A_8, %dma_start3A_17] : memref<5x128xi32, #tpu.memory_space<vmem>> -> memref<1x128xi32, #tpu.memory_space<vmem>>
      %dma_start3A_19 = tpu.memref_squeeze %dma_start3A_18 : memref<1x128xi32, #tpu.memory_space<vmem>> -> memref<128xi32, #tpu.memory_space<vmem>>
      %dma_start3A_20 = arith.constant 0 : i32
      %dma_start3A_21 = arith.constant 0 : i32
      %dma_start3A_22 = tpu.memref_slice %arg8[%dma_start3A_20, %dma_start3A_21] : memref<10240x80xf32, #tpu.memory_space<vmem_shared>> -> memref<10240x80xf32, #tpu.memory_space<vmem_shared>>
      tpu.enqueue_indirect_dma source(%dma_start3A_16 : memref<128x80xf32, #tpu.memory_space<vmem>>) target(%dma_start3A_22 : memref<10240x80xf32, #tpu.memory_space<vmem_shared>>) offsets(%dma_start3A_19 : memref<128xi32, #tpu.memory_space<vmem>>) semaphore(%run_scoped3A_14 : memref<!tpu.dma_semaphore, #tpu.memory_space<semaphore_mem>>) {add = true}
      %dma_wait3A = arith.constant 512 : i32
      %dma_wait3A_23 = arith.constant 0 : i32
      %dma_wait3A_24 = tpu.memref_slice %arg7[%dma_wait3A, %dma_wait3A_23] : memref<640x80xf32, #tpu.memory_space<vmem>> -> memref<128x80xf32, #tpu.memory_space<vmem>>
      %dma_wait3A_25 = arith.constant 0 : i32
      %dma_wait3A_26 = tpu.memref_slice %arg6[%run_scoped3A_8, %dma_wait3A_25] : memref<5x128xi32, #tpu.memory_space<vmem>> -> memref<1x128xi32, #tpu.memory_space<vmem>>
      %dma_wait3A_27 = tpu.memref_squeeze %dma_wait3A_26 : memref<1x128xi32, #tpu.memory_space<vmem>> -> memref<128xi32, #tpu.memory_space<vmem>>
      %dma_wait3A_28 = arith.constant 0 : i32
      %dma_wait3A_29 = arith.constant 0 : i32
      %dma_wait3A_30 = tpu.memref_slice %arg8[%dma_wait3A_28, %dma_wait3A_29] : memref<10240x80xf32, #tpu.memory_space<vmem_shared>> -> memref<10240x80xf32, #tpu.memory_space<vmem_shared>>
      tpu.wait_indirect_dma semaphore(%run_scoped3A_14 : memref<!tpu.dma_semaphore, #tpu.memory_space<semaphore_mem>>) src(%dma_wait3A_24 : memref<128x80xf32, #tpu.memory_space<vmem>>) dst(%dma_wait3A_30 : memref<10240x80xf32, #tpu.memory_space<vmem_shared>>)
      tpu.yield
    }) : () -> ()
    %barrier3A_9 = arith.constant 0 : index
    tpu.barrier barrier_id(%barrier3A_9)
    %mul3A_10 = arith.constant 640 : i32
    %mul3A_11 = arith.muli %arg1, %mul3A_10 : i32
    %mul3A_12 = arith.constant 640 : i32
    %mul3A_13 = arith.muli %arg1, %mul3A_12 : i32
    "tpu.region"() ({
      %run_scoped3A_14 = tpu.sem_alloc : memref<!tpu.dma_semaphore, #tpu.memory_space<semaphore_mem>>
      %dma_start3A = arith.constant 0 : i32
      %dma_start3A_15 = arith.constant 0 : i32
      %dma_start3A_16 = tpu.memref_slice %arg5[%arg0, %dma_start3A, %dma_start3A_15] : memref<2x10240x80xf32, #tpu.memory_space<hbm>> -> memref<1x10240x80xf32, #tpu.memory_space<hbm>>
      %dma_start3A_17 = tpu.memref_squeeze %dma_start3A_16 : memref<1x10240x80xf32, #tpu.memory_space<hbm>> -> memref<10240x80xf32, #tpu.memory_space<hbm>>
      %dma_start3A_18 = arith.constant 0 : i32
      %dma_start3A_19 = tpu.memref_slice %dma_start3A_17[%mul3A_13, %dma_start3A_18] : memref<10240x80xf32, #tpu.memory_space<hbm>> -> memref<640x80xf32, #tpu.memory_space<hbm>>
      %dma_start3A_20 = arith.constant 0 : i32
      %dma_start3A_21 = tpu.memref_slice %arg8[%mul3A_11, %dma_start3A_20] : memref<10240x80xf32, #tpu.memory_space<vmem_shared>> -> memref<640x80xf32, #tpu.memory_space<vmem_shared>>
      tpu.enqueue_dma source(%dma_start3A_21 : memref<640x80xf32, #tpu.memory_space<vmem_shared>>) target(%dma_start3A_19 : memref<640x80xf32, #tpu.memory_space<hbm>>) target_semaphore(%run_scoped3A_14 : memref<!tpu.dma_semaphore, #tpu.memory_space<semaphore_mem>>)
      %dma_wait3A = arith.constant 0 : i32
      %dma_wait3A_22 = arith.constant 0 : i32
      %dma_wait3A_23 = tpu.memref_slice %arg5[%arg0, %dma_wait3A, %dma_wait3A_22] : memref<2x10240x80xf32, #tpu.memory_space<hbm>> -> memref<1x10240x80xf32, #tpu.memory_space<hbm>>
      %dma_wait3A_24 = tpu.memref_squeeze %dma_wait3A_23 : memref<1x10240x80xf32, #tpu.memory_space<hbm>> -> memref<10240x80xf32, #tpu.memory_space<hbm>>
      %dma_wait3A_25 = arith.constant 0 : i32
      %dma_wait3A_26 = tpu.memref_slice %dma_wait3A_24[%mul3A_13, %dma_wait3A_25] : memref<10240x80xf32, #tpu.memory_space<hbm>> -> memref<640x80xf32, #tpu.memory_space<hbm>>
      %dma_wait3A_27 = arith.constant 0 : i32
      %dma_wait3A_28 = tpu.memref_slice %arg8[%mul3A_11, %dma_wait3A_27] : memref<10240x80xf32, #tpu.memory_space<vmem_shared>> -> memref<640x80xf32, #tpu.memory_space<vmem_shared>>
      tpu.wait_dma2 semaphore(%run_scoped3A_14 : memref<!tpu.dma_semaphore, #tpu.memory_space<semaphore_mem>>) src(%dma_wait3A_28 : memref<640x80xf32, #tpu.memory_space<vmem_shared>>) dst(%dma_wait3A_26 : memref<640x80xf32, #tpu.memory_space<hbm>>)
      tpu.yield
    }) : () -> ()
    return
  }
}

module attributes {stable_mosaic.version = 14 : i64} {
  func.func @_edge_body(%arg0: i32, %arg1: memref<16x256xf32, #tpu.memory_space<vmem>>, %arg2: memref<256x64xf32, #tpu.memory_space<vmem>>, %arg3: memref<256x64xf32, #tpu.memory_space<vmem>>, %arg4: memref<64x64x16xf32, #tpu.memory_space<vmem>>, %arg5: memref<64x64x1xf32, #tpu.memory_space<vmem>>, %arg6: memref<64x64xf32, #tpu.memory_space<vmem>>, %arg7: memref<1x64xf32, #tpu.memory_space<vmem>>, %arg8: memref<64x1xf32, #tpu.memory_space<vmem>>, %arg9: memref<64x1xf32, #tpu.memory_space<vmem>>, %arg10: memref<1x1xf32, #tpu.memory_space<vmem>>, %arg11: memref<256x80xf32, #tpu.memory_space<vmem>>) attributes {dimension_semantics = [#tpu.dimension_semantics<arbitrary>], iteration_bounds = array<i64: 80>, scalar_prefetch = 0 : i64, scratch_operands = 0 : i64, tpu.core_type = #tpu.core_type<tc>, window_params = [{transform_indices = @transform_0, window_bounds = array<i64: 16, 256>}, {transform_indices = @transform_1, window_bounds = array<i64: 256, 64>}, {transform_indices = @transform_2, window_bounds = array<i64: 256, 64>}, {pipeline_mode = #tpu.pipeline_mode<synchronous>, transform_indices = @transform_3, window_bounds = array<i64: 64, 64, 16>}, {pipeline_mode = #tpu.pipeline_mode<synchronous>, transform_indices = @transform_4, window_bounds = array<i64: 64, 64, 1>}, {pipeline_mode = #tpu.pipeline_mode<synchronous>, transform_indices = @transform_5, window_bounds = array<i64: 64, 64>}, {pipeline_mode = #tpu.pipeline_mode<synchronous>, transform_indices = @transform_6, window_bounds = array<i64: 1, 64>}, {pipeline_mode = #tpu.pipeline_mode<synchronous>, transform_indices = @transform_7, window_bounds = array<i64: 64, 1>}, {pipeline_mode = #tpu.pipeline_mode<synchronous>, transform_indices = @transform_8, window_bounds = array<i64: 64, 1>}, {pipeline_mode = #tpu.pipeline_mode<synchronous>, transform_indices = @transform_9, window_bounds = array<i64: 1, 1>}, {transform_indices = @transform_10, window_bounds = array<i64: 256, 80>}]} {
    %get3A = arith.constant 0 : index
    %get3A_0 = arith.constant 0 : index
    %get3A_1 = vector.load %arg1[%get3A, %get3A_0] : memref<16x256xf32, #tpu.memory_space<vmem>>, vector<16x256xf32>
    %get3A_2 = arith.constant 0 : index
    %get3A_3 = arith.constant 0 : index
    %get3A_4 = vector.load %arg3[%get3A_2, %get3A_3] : memref<256x64xf32, #tpu.memory_space<vmem>>, vector<256x64xf32>
    %transpose3A = tpu.transpose %get3A_4, [1, 0] : vector<256x64xf32> -> vector<64x256xf32>
    %broadcast_in_dim3A = arith.constant 0.000000e+00 : f32
    %broadcast_in_dim3A_5 = vector.broadcast %broadcast_in_dim3A : f32 to vector<64x256xf32>
    %get3A_6 = arith.constant 0 : index
    %get3A_7 = arith.constant 0 : index
    %get3A_8 = arith.constant 0 : index
    %get3A_9 = vector.load %arg4[%get3A_6, %get3A_7, %get3A_8] : memref<64x64x16xf32, #tpu.memory_space<vmem>>, vector<1x64x16xf32>
    %get3A_10 = vector.shape_cast %get3A_9 : vector<1x64x16xf32> to vector<64x16xf32>
    %dot_general3A = arith.constant dense<0.000000e+00> : vector<64x256xf32>
    %dot_general3A_11 = tpu.matmul %get3A_10, %get3A_1, %dot_general3A {dimension_numbers = #tpu.dot_dimension_numbers<[1], [0], [0], [1], [0, 0, 1, 1], [], []>, transpose_lhs_hint = false} : vector<64x16xf32>, vector<16x256xf32>, vector<64x256xf32> -> vector<64x256xf32>
    %get3A_12 = arith.constant 0 : index
    %get3A_13 = arith.constant 0 : index
    %get3A_14 = arith.constant 0 : index
    %get3A_15 = vector.load %arg5[%get3A_12, %get3A_13, %get3A_14] : memref<64x64x1xf32, #tpu.memory_space<vmem>>, vector<1x64x1xf32>
    %get3A_16 = vector.shape_cast %get3A_15 : vector<1x64x1xf32> to vector<64x1xf32>
    %add3A = vector.broadcast %get3A_16 : vector<64x1xf32> to vector<64x256xf32>
    %add3A_17 = arith.addf %dot_general3A_11, %add3A : vector<64x256xf32>
    %max3A = arith.constant 0.000000e+00 : f32
    %max3A_18 = vector.broadcast %max3A : f32 to vector<64x256xf32>
    %max3A_19 = arith.maximumf %add3A_17, %max3A_18 : vector<64x256xf32>
    %slice3A = vector.extract_strided_slice %transpose3A {offsets = [0, 0], sizes = [1, 256], strides = [1, 1]} : vector<64x256xf32> to vector<1x256xf32>
    %mul3A = vector.broadcast %slice3A : vector<1x256xf32> to vector<64x256xf32>
    %mul3A_20 = arith.mulf %mul3A, %max3A_19 : vector<64x256xf32>
    %add3A_21 = arith.addf %broadcast_in_dim3A_5, %mul3A_20 : vector<64x256xf32>
    %get3A_22 = arith.constant 1 : index
    %get3A_23 = arith.constant 0 : index
    %get3A_24 = arith.constant 0 : index
    %get3A_25 = vector.load %arg4[%get3A_22, %get3A_23, %get3A_24] : memref<64x64x16xf32, #tpu.memory_space<vmem>>, vector<1x64x16xf32>
    %get3A_26 = vector.shape_cast %get3A_25 : vector<1x64x16xf32> to vector<64x16xf32>
    %dot_general3A_27 = arith.constant dense<0.000000e+00> : vector<64x256xf32>
    %dot_general3A_28 = tpu.matmul %get3A_26, %get3A_1, %dot_general3A_27 {dimension_numbers = #tpu.dot_dimension_numbers<[1], [0], [0], [1], [0, 0, 1, 1], [], []>, transpose_lhs_hint = false} : vector<64x16xf32>, vector<16x256xf32>, vector<64x256xf32> -> vector<64x256xf32>
    %get3A_29 = arith.constant 1 : index
    %get3A_30 = arith.constant 0 : index
    %get3A_31 = arith.constant 0 : index
    %get3A_32 = vector.load %arg5[%get3A_29, %get3A_30, %get3A_31] : memref<64x64x1xf32, #tpu.memory_space<vmem>>, vector<1x64x1xf32>
    %get3A_33 = vector.shape_cast %get3A_32 : vector<1x64x1xf32> to vector<64x1xf32>
    %add3A_34 = vector.broadcast %get3A_33 : vector<64x1xf32> to vector<64x256xf32>
    %add3A_35 = arith.addf %dot_general3A_28, %add3A_34 : vector<64x256xf32>
    %max3A_36 = arith.constant 0.000000e+00 : f32
    %max3A_37 = vector.broadcast %max3A_36 : f32 to vector<64x256xf32>
    %max3A_38 = arith.maximumf %add3A_35, %max3A_37 : vector<64x256xf32>
    %slice3A_39 = vector.extract_strided_slice %transpose3A {offsets = [1, 0], sizes = [1, 256], strides = [1, 1]} : vector<64x256xf32> to vector<1x256xf32>
    %mul3A_40 = vector.broadcast %slice3A_39 : vector<1x256xf32> to vector<64x256xf32>
    %mul3A_41 = arith.mulf %mul3A_40, %max3A_38 : vector<64x256xf32>
    %add3A_42 = arith.addf %add3A_21, %mul3A_41 : vector<64x256xf32>
    %get3A_43 = arith.constant 2 : index
    %get3A_44 = arith.constant 0 : index
    %get3A_45 = arith.constant 0 : index
    %get3A_46 = vector.load %arg4[%get3A_43, %get3A_44, %get3A_45] : memref<64x64x16xf32, #tpu.memory_space<vmem>>, vector<1x64x16xf32>
    %get3A_47 = vector.shape_cast %get3A_46 : vector<1x64x16xf32> to vector<64x16xf32>
    %dot_general3A_48 = arith.constant dense<0.000000e+00> : vector<64x256xf32>
    %dot_general3A_49 = tpu.matmul %get3A_47, %get3A_1, %dot_general3A_48 {dimension_numbers = #tpu.dot_dimension_numbers<[1], [0], [0], [1], [0, 0, 1, 1], [], []>, transpose_lhs_hint = false} : vector<64x16xf32>, vector<16x256xf32>, vector<64x256xf32> -> vector<64x256xf32>
    %get3A_50 = arith.constant 2 : index
    %get3A_51 = arith.constant 0 : index
    %get3A_52 = arith.constant 0 : index
    %get3A_53 = vector.load %arg5[%get3A_50, %get3A_51, %get3A_52] : memref<64x64x1xf32, #tpu.memory_space<vmem>>, vector<1x64x1xf32>
    %get3A_54 = vector.shape_cast %get3A_53 : vector<1x64x1xf32> to vector<64x1xf32>
    %add3A_55 = vector.broadcast %get3A_54 : vector<64x1xf32> to vector<64x256xf32>
    %add3A_56 = arith.addf %dot_general3A_49, %add3A_55 : vector<64x256xf32>
    %max3A_57 = arith.constant 0.000000e+00 : f32
    %max3A_58 = vector.broadcast %max3A_57 : f32 to vector<64x256xf32>
    %max3A_59 = arith.maximumf %add3A_56, %max3A_58 : vector<64x256xf32>
    %slice3A_60 = vector.extract_strided_slice %transpose3A {offsets = [2, 0], sizes = [1, 256], strides = [1, 1]} : vector<64x256xf32> to vector<1x256xf32>
    %mul3A_61 = vector.broadcast %slice3A_60 : vector<1x256xf32> to vector<64x256xf32>
    %mul3A_62 = arith.mulf %mul3A_61, %max3A_59 : vector<64x256xf32>
    %add3A_63 = arith.addf %add3A_42, %mul3A_62 : vector<64x256xf32>
    %get3A_64 = arith.constant 3 : index
    %get3A_65 = arith.constant 0 : index
    %get3A_66 = arith.constant 0 : index
    %get3A_67 = vector.load %arg4[%get3A_64, %get3A_65, %get3A_66] : memref<64x64x16xf32, #tpu.memory_space<vmem>>, vector<1x64x16xf32>
    %get3A_68 = vector.shape_cast %get3A_67 : vector<1x64x16xf32> to vector<64x16xf32>
    %dot_general3A_69 = arith.constant dense<0.000000e+00> : vector<64x256xf32>
    %dot_general3A_70 = tpu.matmul %get3A_68, %get3A_1, %dot_general3A_69 {dimension_numbers = #tpu.dot_dimension_numbers<[1], [0], [0], [1], [0, 0, 1, 1], [], []>, transpose_lhs_hint = false} : vector<64x16xf32>, vector<16x256xf32>, vector<64x256xf32> -> vector<64x256xf32>
    %get3A_71 = arith.constant 3 : index
    %get3A_72 = arith.constant 0 : index
    %get3A_73 = arith.constant 0 : index
    %get3A_74 = vector.load %arg5[%get3A_71, %get3A_72, %get3A_73] : memref<64x64x1xf32, #tpu.memory_space<vmem>>, vector<1x64x1xf32>
    %get3A_75 = vector.shape_cast %get3A_74 : vector<1x64x1xf32> to vector<64x1xf32>
    %add3A_76 = vector.broadcast %get3A_75 : vector<64x1xf32> to vector<64x256xf32>
    %add3A_77 = arith.addf %dot_general3A_70, %add3A_76 : vector<64x256xf32>
    %max3A_78 = arith.constant 0.000000e+00 : f32
    %max3A_79 = vector.broadcast %max3A_78 : f32 to vector<64x256xf32>
    %max3A_80 = arith.maximumf %add3A_77, %max3A_79 : vector<64x256xf32>
    %slice3A_81 = vector.extract_strided_slice %transpose3A {offsets = [3, 0], sizes = [1, 256], strides = [1, 1]} : vector<64x256xf32> to vector<1x256xf32>
    %mul3A_82 = vector.broadcast %slice3A_81 : vector<1x256xf32> to vector<64x256xf32>
    %mul3A_83 = arith.mulf %mul3A_82, %max3A_80 : vector<64x256xf32>
    %add3A_84 = arith.addf %add3A_63, %mul3A_83 : vector<64x256xf32>
    %get3A_85 = arith.constant 4 : index
    %get3A_86 = arith.constant 0 : index
    %get3A_87 = arith.constant 0 : index
    %get3A_88 = vector.load %arg4[%get3A_85, %get3A_86, %get3A_87] : memref<64x64x16xf32, #tpu.memory_space<vmem>>, vector<1x64x16xf32>
    %get3A_89 = vector.shape_cast %get3A_88 : vector<1x64x16xf32> to vector<64x16xf32>
    %dot_general3A_90 = arith.constant dense<0.000000e+00> : vector<64x256xf32>
    %dot_general3A_91 = tpu.matmul %get3A_89, %get3A_1, %dot_general3A_90 {dimension_numbers = #tpu.dot_dimension_numbers<[1], [0], [0], [1], [0, 0, 1, 1], [], []>, transpose_lhs_hint = false} : vector<64x16xf32>, vector<16x256xf32>, vector<64x256xf32> -> vector<64x256xf32>
    %get3A_92 = arith.constant 4 : index
    %get3A_93 = arith.constant 0 : index
    %get3A_94 = arith.constant 0 : index
    %get3A_95 = vector.load %arg5[%get3A_92, %get3A_93, %get3A_94] : memref<64x64x1xf32, #tpu.memory_space<vmem>>, vector<1x64x1xf32>
    %get3A_96 = vector.shape_cast %get3A_95 : vector<1x64x1xf32> to vector<64x1xf32>
    %add3A_97 = vector.broadcast %get3A_96 : vector<64x1xf32> to vector<64x256xf32>
    %add3A_98 = arith.addf %dot_general3A_91, %add3A_97 : vector<64x256xf32>
    %max3A_99 = arith.constant 0.000000e+00 : f32
    %max3A_100 = vector.broadcast %max3A_99 : f32 to vector<64x256xf32>
    %max3A_101 = arith.maximumf %add3A_98, %max3A_100 : vector<64x256xf32>
    %slice3A_102 = vector.extract_strided_slice %transpose3A {offsets = [4, 0], sizes = [1, 256], strides = [1, 1]} : vector<64x256xf32> to vector<1x256xf32>
    %mul3A_103 = vector.broadcast %slice3A_102 : vector<1x256xf32> to vector<64x256xf32>
    %mul3A_104 = arith.mulf %mul3A_103, %max3A_101 : vector<64x256xf32>
    %add3A_105 = arith.addf %add3A_84, %mul3A_104 : vector<64x256xf32>
    %get3A_106 = arith.constant 5 : index
    %get3A_107 = arith.constant 0 : index
    %get3A_108 = arith.constant 0 : index
    %get3A_109 = vector.load %arg4[%get3A_106, %get3A_107, %get3A_108] : memref<64x64x16xf32, #tpu.memory_space<vmem>>, vector<1x64x16xf32>
    %get3A_110 = vector.shape_cast %get3A_109 : vector<1x64x16xf32> to vector<64x16xf32>
    %dot_general3A_111 = arith.constant dense<0.000000e+00> : vector<64x256xf32>
    %dot_general3A_112 = tpu.matmul %get3A_110, %get3A_1, %dot_general3A_111 {dimension_numbers = #tpu.dot_dimension_numbers<[1], [0], [0], [1], [0, 0, 1, 1], [], []>, transpose_lhs_hint = false} : vector<64x16xf32>, vector<16x256xf32>, vector<64x256xf32> -> vector<64x256xf32>
    %get3A_113 = arith.constant 5 : index
    %get3A_114 = arith.constant 0 : index
    %get3A_115 = arith.constant 0 : index
    %get3A_116 = vector.load %arg5[%get3A_113, %get3A_114, %get3A_115] : memref<64x64x1xf32, #tpu.memory_space<vmem>>, vector<1x64x1xf32>
    %get3A_117 = vector.shape_cast %get3A_116 : vector<1x64x1xf32> to vector<64x1xf32>
    %add3A_118 = vector.broadcast %get3A_117 : vector<64x1xf32> to vector<64x256xf32>
    %add3A_119 = arith.addf %dot_general3A_112, %add3A_118 : vector<64x256xf32>
    %max3A_120 = arith.constant 0.000000e+00 : f32
    %max3A_121 = vector.broadcast %max3A_120 : f32 to vector<64x256xf32>
    %max3A_122 = arith.maximumf %add3A_119, %max3A_121 : vector<64x256xf32>
    %slice3A_123 = vector.extract_strided_slice %transpose3A {offsets = [5, 0], sizes = [1, 256], strides = [1, 1]} : vector<64x256xf32> to vector<1x256xf32>
    %mul3A_124 = vector.broadcast %slice3A_123 : vector<1x256xf32> to vector<64x256xf32>
    %mul3A_125 = arith.mulf %mul3A_124, %max3A_122 : vector<64x256xf32>
    %add3A_126 = arith.addf %add3A_105, %mul3A_125 : vector<64x256xf32>
    %get3A_127 = arith.constant 6 : index
    %get3A_128 = arith.constant 0 : index
    %get3A_129 = arith.constant 0 : index
    %get3A_130 = vector.load %arg4[%get3A_127, %get3A_128, %get3A_129] : memref<64x64x16xf32, #tpu.memory_space<vmem>>, vector<1x64x16xf32>
    %get3A_131 = vector.shape_cast %get3A_130 : vector<1x64x16xf32> to vector<64x16xf32>
    %dot_general3A_132 = arith.constant dense<0.000000e+00> : vector<64x256xf32>
    %dot_general3A_133 = tpu.matmul %get3A_131, %get3A_1, %dot_general3A_132 {dimension_numbers = #tpu.dot_dimension_numbers<[1], [0], [0], [1], [0, 0, 1, 1], [], []>, transpose_lhs_hint = false} : vector<64x16xf32>, vector<16x256xf32>, vector<64x256xf32> -> vector<64x256xf32>
    %get3A_134 = arith.constant 6 : index
    %get3A_135 = arith.constant 0 : index
    %get3A_136 = arith.constant 0 : index
    %get3A_137 = vector.load %arg5[%get3A_134, %get3A_135, %get3A_136] : memref<64x64x1xf32, #tpu.memory_space<vmem>>, vector<1x64x1xf32>
    %get3A_138 = vector.shape_cast %get3A_137 : vector<1x64x1xf32> to vector<64x1xf32>
    %add3A_139 = vector.broadcast %get3A_138 : vector<64x1xf32> to vector<64x256xf32>
    %add3A_140 = arith.addf %dot_general3A_133, %add3A_139 : vector<64x256xf32>
    %max3A_141 = arith.constant 0.000000e+00 : f32
    %max3A_142 = vector.broadcast %max3A_141 : f32 to vector<64x256xf32>
    %max3A_143 = arith.maximumf %add3A_140, %max3A_142 : vector<64x256xf32>
    %slice3A_144 = vector.extract_strided_slice %transpose3A {offsets = [6, 0], sizes = [1, 256], strides = [1, 1]} : vector<64x256xf32> to vector<1x256xf32>
    %mul3A_145 = vector.broadcast %slice3A_144 : vector<1x256xf32> to vector<64x256xf32>
    %mul3A_146 = arith.mulf %mul3A_145, %max3A_143 : vector<64x256xf32>
    %add3A_147 = arith.addf %add3A_126, %mul3A_146 : vector<64x256xf32>
    %get3A_148 = arith.constant 7 : index
    %get3A_149 = arith.constant 0 : index
    %get3A_150 = arith.constant 0 : index
    %get3A_151 = vector.load %arg4[%get3A_148, %get3A_149, %get3A_150] : memref<64x64x16xf32, #tpu.memory_space<vmem>>, vector<1x64x16xf32>
    %get3A_152 = vector.shape_cast %get3A_151 : vector<1x64x16xf32> to vector<64x16xf32>
    %dot_general3A_153 = arith.constant dense<0.000000e+00> : vector<64x256xf32>
    %dot_general3A_154 = tpu.matmul %get3A_152, %get3A_1, %dot_general3A_153 {dimension_numbers = #tpu.dot_dimension_numbers<[1], [0], [0], [1], [0, 0, 1, 1], [], []>, transpose_lhs_hint = false} : vector<64x16xf32>, vector<16x256xf32>, vector<64x256xf32> -> vector<64x256xf32>
    %get3A_155 = arith.constant 7 : index
    %get3A_156 = arith.constant 0 : index
    %get3A_157 = arith.constant 0 : index
    %get3A_158 = vector.load %arg5[%get3A_155, %get3A_156, %get3A_157] : memref<64x64x1xf32, #tpu.memory_space<vmem>>, vector<1x64x1xf32>
    %get3A_159 = vector.shape_cast %get3A_158 : vector<1x64x1xf32> to vector<64x1xf32>
    %add3A_160 = vector.broadcast %get3A_159 : vector<64x1xf32> to vector<64x256xf32>
    %add3A_161 = arith.addf %dot_general3A_154, %add3A_160 : vector<64x256xf32>
    %max3A_162 = arith.constant 0.000000e+00 : f32
    %max3A_163 = vector.broadcast %max3A_162 : f32 to vector<64x256xf32>
    %max3A_164 = arith.maximumf %add3A_161, %max3A_163 : vector<64x256xf32>
    %slice3A_165 = vector.extract_strided_slice %transpose3A {offsets = [7, 0], sizes = [1, 256], strides = [1, 1]} : vector<64x256xf32> to vector<1x256xf32>
    %mul3A_166 = vector.broadcast %slice3A_165 : vector<1x256xf32> to vector<64x256xf32>
    %mul3A_167 = arith.mulf %mul3A_166, %max3A_164 : vector<64x256xf32>
    %add3A_168 = arith.addf %add3A_147, %mul3A_167 : vector<64x256xf32>
    %get3A_169 = arith.constant 8 : index
    %get3A_170 = arith.constant 0 : index
    %get3A_171 = arith.constant 0 : index
    %get3A_172 = vector.load %arg4[%get3A_169, %get3A_170, %get3A_171] : memref<64x64x16xf32, #tpu.memory_space<vmem>>, vector<1x64x16xf32>
    %get3A_173 = vector.shape_cast %get3A_172 : vector<1x64x16xf32> to vector<64x16xf32>
    %dot_general3A_174 = arith.constant dense<0.000000e+00> : vector<64x256xf32>
    %dot_general3A_175 = tpu.matmul %get3A_173, %get3A_1, %dot_general3A_174 {dimension_numbers = #tpu.dot_dimension_numbers<[1], [0], [0], [1], [0, 0, 1, 1], [], []>, transpose_lhs_hint = false} : vector<64x16xf32>, vector<16x256xf32>, vector<64x256xf32> -> vector<64x256xf32>
    %get3A_176 = arith.constant 8 : index
    %get3A_177 = arith.constant 0 : index
    %get3A_178 = arith.constant 0 : index
    %get3A_179 = vector.load %arg5[%get3A_176, %get3A_177, %get3A_178] : memref<64x64x1xf32, #tpu.memory_space<vmem>>, vector<1x64x1xf32>
    %get3A_180 = vector.shape_cast %get3A_179 : vector<1x64x1xf32> to vector<64x1xf32>
    %add3A_181 = vector.broadcast %get3A_180 : vector<64x1xf32> to vector<64x256xf32>
    %add3A_182 = arith.addf %dot_general3A_175, %add3A_181 : vector<64x256xf32>
    %max3A_183 = arith.constant 0.000000e+00 : f32
    %max3A_184 = vector.broadcast %max3A_183 : f32 to vector<64x256xf32>
    %max3A_185 = arith.maximumf %add3A_182, %max3A_184 : vector<64x256xf32>
    %slice3A_186 = vector.extract_strided_slice %transpose3A {offsets = [8, 0], sizes = [1, 256], strides = [1, 1]} : vector<64x256xf32> to vector<1x256xf32>
    %mul3A_187 = vector.broadcast %slice3A_186 : vector<1x256xf32> to vector<64x256xf32>
    %mul3A_188 = arith.mulf %mul3A_187, %max3A_185 : vector<64x256xf32>
    %add3A_189 = arith.addf %add3A_168, %mul3A_188 : vector<64x256xf32>
    %get3A_190 = arith.constant 9 : index
    %get3A_191 = arith.constant 0 : index
    %get3A_192 = arith.constant 0 : index
    %get3A_193 = vector.load %arg4[%get3A_190, %get3A_191, %get3A_192] : memref<64x64x16xf32, #tpu.memory_space<vmem>>, vector<1x64x16xf32>
    %get3A_194 = vector.shape_cast %get3A_193 : vector<1x64x16xf32> to vector<64x16xf32>
    %dot_general3A_195 = arith.constant dense<0.000000e+00> : vector<64x256xf32>
    %dot_general3A_196 = tpu.matmul %get3A_194, %get3A_1, %dot_general3A_195 {dimension_numbers = #tpu.dot_dimension_numbers<[1], [0], [0], [1], [0, 0, 1, 1], [], []>, transpose_lhs_hint = false} : vector<64x16xf32>, vector<16x256xf32>, vector<64x256xf32> -> vector<64x256xf32>
    %get3A_197 = arith.constant 9 : index
    %get3A_198 = arith.constant 0 : index
    %get3A_199 = arith.constant 0 : index
    %get3A_200 = vector.load %arg5[%get3A_197, %get3A_198, %get3A_199] : memref<64x64x1xf32, #tpu.memory_space<vmem>>, vector<1x64x1xf32>
    %get3A_201 = vector.shape_cast %get3A_200 : vector<1x64x1xf32> to vector<64x1xf32>
    %add3A_202 = vector.broadcast %get3A_201 : vector<64x1xf32> to vector<64x256xf32>
    %add3A_203 = arith.addf %dot_general3A_196, %add3A_202 : vector<64x256xf32>
    %max3A_204 = arith.constant 0.000000e+00 : f32
    %max3A_205 = vector.broadcast %max3A_204 : f32 to vector<64x256xf32>
    %max3A_206 = arith.maximumf %add3A_203, %max3A_205 : vector<64x256xf32>
    %slice3A_207 = vector.extract_strided_slice %transpose3A {offsets = [9, 0], sizes = [1, 256], strides = [1, 1]} : vector<64x256xf32> to vector<1x256xf32>
    %mul3A_208 = vector.broadcast %slice3A_207 : vector<1x256xf32> to vector<64x256xf32>
    %mul3A_209 = arith.mulf %mul3A_208, %max3A_206 : vector<64x256xf32>
    %add3A_210 = arith.addf %add3A_189, %mul3A_209 : vector<64x256xf32>
    %get3A_211 = arith.constant 10 : index
    %get3A_212 = arith.constant 0 : index
    %get3A_213 = arith.constant 0 : index
    %get3A_214 = vector.load %arg4[%get3A_211, %get3A_212, %get3A_213] : memref<64x64x16xf32, #tpu.memory_space<vmem>>, vector<1x64x16xf32>
    %get3A_215 = vector.shape_cast %get3A_214 : vector<1x64x16xf32> to vector<64x16xf32>
    %dot_general3A_216 = arith.constant dense<0.000000e+00> : vector<64x256xf32>
    %dot_general3A_217 = tpu.matmul %get3A_215, %get3A_1, %dot_general3A_216 {dimension_numbers = #tpu.dot_dimension_numbers<[1], [0], [0], [1], [0, 0, 1, 1], [], []>, transpose_lhs_hint = false} : vector<64x16xf32>, vector<16x256xf32>, vector<64x256xf32> -> vector<64x256xf32>
    %get3A_218 = arith.constant 10 : index
    %get3A_219 = arith.constant 0 : index
    %get3A_220 = arith.constant 0 : index
    %get3A_221 = vector.load %arg5[%get3A_218, %get3A_219, %get3A_220] : memref<64x64x1xf32, #tpu.memory_space<vmem>>, vector<1x64x1xf32>
    %get3A_222 = vector.shape_cast %get3A_221 : vector<1x64x1xf32> to vector<64x1xf32>
    %add3A_223 = vector.broadcast %get3A_222 : vector<64x1xf32> to vector<64x256xf32>
    %add3A_224 = arith.addf %dot_general3A_217, %add3A_223 : vector<64x256xf32>
    %max3A_225 = arith.constant 0.000000e+00 : f32
    %max3A_226 = vector.broadcast %max3A_225 : f32 to vector<64x256xf32>
    %max3A_227 = arith.maximumf %add3A_224, %max3A_226 : vector<64x256xf32>
    %slice3A_228 = vector.extract_strided_slice %transpose3A {offsets = [10, 0], sizes = [1, 256], strides = [1, 1]} : vector<64x256xf32> to vector<1x256xf32>
    %mul3A_229 = vector.broadcast %slice3A_228 : vector<1x256xf32> to vector<64x256xf32>
    %mul3A_230 = arith.mulf %mul3A_229, %max3A_227 : vector<64x256xf32>
    %add3A_231 = arith.addf %add3A_210, %mul3A_230 : vector<64x256xf32>
    %get3A_232 = arith.constant 11 : index
    %get3A_233 = arith.constant 0 : index
    %get3A_234 = arith.constant 0 : index
    %get3A_235 = vector.load %arg4[%get3A_232, %get3A_233, %get3A_234] : memref<64x64x16xf32, #tpu.memory_space<vmem>>, vector<1x64x16xf32>
    %get3A_236 = vector.shape_cast %get3A_235 : vector<1x64x16xf32> to vector<64x16xf32>
    %dot_general3A_237 = arith.constant dense<0.000000e+00> : vector<64x256xf32>
    %dot_general3A_238 = tpu.matmul %get3A_236, %get3A_1, %dot_general3A_237 {dimension_numbers = #tpu.dot_dimension_numbers<[1], [0], [0], [1], [0, 0, 1, 1], [], []>, transpose_lhs_hint = false} : vector<64x16xf32>, vector<16x256xf32>, vector<64x256xf32> -> vector<64x256xf32>
    %get3A_239 = arith.constant 11 : index
    %get3A_240 = arith.constant 0 : index
    %get3A_241 = arith.constant 0 : index
    %get3A_242 = vector.load %arg5[%get3A_239, %get3A_240, %get3A_241] : memref<64x64x1xf32, #tpu.memory_space<vmem>>, vector<1x64x1xf32>
    %get3A_243 = vector.shape_cast %get3A_242 : vector<1x64x1xf32> to vector<64x1xf32>
    %add3A_244 = vector.broadcast %get3A_243 : vector<64x1xf32> to vector<64x256xf32>
    %add3A_245 = arith.addf %dot_general3A_238, %add3A_244 : vector<64x256xf32>
    %max3A_246 = arith.constant 0.000000e+00 : f32
    %max3A_247 = vector.broadcast %max3A_246 : f32 to vector<64x256xf32>
    %max3A_248 = arith.maximumf %add3A_245, %max3A_247 : vector<64x256xf32>
    %slice3A_249 = vector.extract_strided_slice %transpose3A {offsets = [11, 0], sizes = [1, 256], strides = [1, 1]} : vector<64x256xf32> to vector<1x256xf32>
    %mul3A_250 = vector.broadcast %slice3A_249 : vector<1x256xf32> to vector<64x256xf32>
    %mul3A_251 = arith.mulf %mul3A_250, %max3A_248 : vector<64x256xf32>
    %add3A_252 = arith.addf %add3A_231, %mul3A_251 : vector<64x256xf32>
    %get3A_253 = arith.constant 12 : index
    %get3A_254 = arith.constant 0 : index
    %get3A_255 = arith.constant 0 : index
    %get3A_256 = vector.load %arg4[%get3A_253, %get3A_254, %get3A_255] : memref<64x64x16xf32, #tpu.memory_space<vmem>>, vector<1x64x16xf32>
    %get3A_257 = vector.shape_cast %get3A_256 : vector<1x64x16xf32> to vector<64x16xf32>
    %dot_general3A_258 = arith.constant dense<0.000000e+00> : vector<64x256xf32>
    %dot_general3A_259 = tpu.matmul %get3A_257, %get3A_1, %dot_general3A_258 {dimension_numbers = #tpu.dot_dimension_numbers<[1], [0], [0], [1], [0, 0, 1, 1], [], []>, transpose_lhs_hint = false} : vector<64x16xf32>, vector<16x256xf32>, vector<64x256xf32> -> vector<64x256xf32>
    %get3A_260 = arith.constant 12 : index
    %get3A_261 = arith.constant 0 : index
    %get3A_262 = arith.constant 0 : index
    %get3A_263 = vector.load %arg5[%get3A_260, %get3A_261, %get3A_262] : memref<64x64x1xf32, #tpu.memory_space<vmem>>, vector<1x64x1xf32>
    %get3A_264 = vector.shape_cast %get3A_263 : vector<1x64x1xf32> to vector<64x1xf32>
    %add3A_265 = vector.broadcast %get3A_264 : vector<64x1xf32> to vector<64x256xf32>
    %add3A_266 = arith.addf %dot_general3A_259, %add3A_265 : vector<64x256xf32>
    %max3A_267 = arith.constant 0.000000e+00 : f32
    %max3A_268 = vector.broadcast %max3A_267 : f32 to vector<64x256xf32>
    %max3A_269 = arith.maximumf %add3A_266, %max3A_268 : vector<64x256xf32>
    %slice3A_270 = vector.extract_strided_slice %transpose3A {offsets = [12, 0], sizes = [1, 256], strides = [1, 1]} : vector<64x256xf32> to vector<1x256xf32>
    %mul3A_271 = vector.broadcast %slice3A_270 : vector<1x256xf32> to vector<64x256xf32>
    %mul3A_272 = arith.mulf %mul3A_271, %max3A_269 : vector<64x256xf32>
    %add3A_273 = arith.addf %add3A_252, %mul3A_272 : vector<64x256xf32>
    %get3A_274 = arith.constant 13 : index
    %get3A_275 = arith.constant 0 : index
    %get3A_276 = arith.constant 0 : index
    %get3A_277 = vector.load %arg4[%get3A_274, %get3A_275, %get3A_276] : memref<64x64x16xf32, #tpu.memory_space<vmem>>, vector<1x64x16xf32>
    %get3A_278 = vector.shape_cast %get3A_277 : vector<1x64x16xf32> to vector<64x16xf32>
    %dot_general3A_279 = arith.constant dense<0.000000e+00> : vector<64x256xf32>
    %dot_general3A_280 = tpu.matmul %get3A_278, %get3A_1, %dot_general3A_279 {dimension_numbers = #tpu.dot_dimension_numbers<[1], [0], [0], [1], [0, 0, 1, 1], [], []>, transpose_lhs_hint = false} : vector<64x16xf32>, vector<16x256xf32>, vector<64x256xf32> -> vector<64x256xf32>
    %get3A_281 = arith.constant 13 : index
    %get3A_282 = arith.constant 0 : index
    %get3A_283 = arith.constant 0 : index
    %get3A_284 = vector.load %arg5[%get3A_281, %get3A_282, %get3A_283] : memref<64x64x1xf32, #tpu.memory_space<vmem>>, vector<1x64x1xf32>
    %get3A_285 = vector.shape_cast %get3A_284 : vector<1x64x1xf32> to vector<64x1xf32>
    %add3A_286 = vector.broadcast %get3A_285 : vector<64x1xf32> to vector<64x256xf32>
    %add3A_287 = arith.addf %dot_general3A_280, %add3A_286 : vector<64x256xf32>
    %max3A_288 = arith.constant 0.000000e+00 : f32
    %max3A_289 = vector.broadcast %max3A_288 : f32 to vector<64x256xf32>
    %max3A_290 = arith.maximumf %add3A_287, %max3A_289 : vector<64x256xf32>
    %slice3A_291 = vector.extract_strided_slice %transpose3A {offsets = [13, 0], sizes = [1, 256], strides = [1, 1]} : vector<64x256xf32> to vector<1x256xf32>
    %mul3A_292 = vector.broadcast %slice3A_291 : vector<1x256xf32> to vector<64x256xf32>
    %mul3A_293 = arith.mulf %mul3A_292, %max3A_290 : vector<64x256xf32>
    %add3A_294 = arith.addf %add3A_273, %mul3A_293 : vector<64x256xf32>
    %get3A_295 = arith.constant 14 : index
    %get3A_296 = arith.constant 0 : index
    %get3A_297 = arith.constant 0 : index
    %get3A_298 = vector.load %arg4[%get3A_295, %get3A_296, %get3A_297] : memref<64x64x16xf32, #tpu.memory_space<vmem>>, vector<1x64x16xf32>
    %get3A_299 = vector.shape_cast %get3A_298 : vector<1x64x16xf32> to vector<64x16xf32>
    %dot_general3A_300 = arith.constant dense<0.000000e+00> : vector<64x256xf32>
    %dot_general3A_301 = tpu.matmul %get3A_299, %get3A_1, %dot_general3A_300 {dimension_numbers = #tpu.dot_dimension_numbers<[1], [0], [0], [1], [0, 0, 1, 1], [], []>, transpose_lhs_hint = false} : vector<64x16xf32>, vector<16x256xf32>, vector<64x256xf32> -> vector<64x256xf32>
    %get3A_302 = arith.constant 14 : index
    %get3A_303 = arith.constant 0 : index
    %get3A_304 = arith.constant 0 : index
    %get3A_305 = vector.load %arg5[%get3A_302, %get3A_303, %get3A_304] : memref<64x64x1xf32, #tpu.memory_space<vmem>>, vector<1x64x1xf32>
    %get3A_306 = vector.shape_cast %get3A_305 : vector<1x64x1xf32> to vector<64x1xf32>
    %add3A_307 = vector.broadcast %get3A_306 : vector<64x1xf32> to vector<64x256xf32>
    %add3A_308 = arith.addf %dot_general3A_301, %add3A_307 : vector<64x256xf32>
    %max3A_309 = arith.constant 0.000000e+00 : f32
    %max3A_310 = vector.broadcast %max3A_309 : f32 to vector<64x256xf32>
    %max3A_311 = arith.maximumf %add3A_308, %max3A_310 : vector<64x256xf32>
    %slice3A_312 = vector.extract_strided_slice %transpose3A {offsets = [14, 0], sizes = [1, 256], strides = [1, 1]} : vector<64x256xf32> to vector<1x256xf32>
    %mul3A_313 = vector.broadcast %slice3A_312 : vector<1x256xf32> to vector<64x256xf32>
    %mul3A_314 = arith.mulf %mul3A_313, %max3A_311 : vector<64x256xf32>
    %add3A_315 = arith.addf %add3A_294, %mul3A_314 : vector<64x256xf32>
    %get3A_316 = arith.constant 15 : index
    %get3A_317 = arith.constant 0 : index
    %get3A_318 = arith.constant 0 : index
    %get3A_319 = vector.load %arg4[%get3A_316, %get3A_317, %get3A_318] : memref<64x64x16xf32, #tpu.memory_space<vmem>>, vector<1x64x16xf32>
    %get3A_320 = vector.shape_cast %get3A_319 : vector<1x64x16xf32> to vector<64x16xf32>
    %dot_general3A_321 = arith.constant dense<0.000000e+00> : vector<64x256xf32>
    %dot_general3A_322 = tpu.matmul %get3A_320, %get3A_1, %dot_general3A_321 {dimension_numbers = #tpu.dot_dimension_numbers<[1], [0], [0], [1], [0, 0, 1, 1], [], []>, transpose_lhs_hint = false} : vector<64x16xf32>, vector<16x256xf32>, vector<64x256xf32> -> vector<64x256xf32>
    %get3A_323 = arith.constant 15 : index
    %get3A_324 = arith.constant 0 : index
    %get3A_325 = arith.constant 0 : index
    %get3A_326 = vector.load %arg5[%get3A_323, %get3A_324, %get3A_325] : memref<64x64x1xf32, #tpu.memory_space<vmem>>, vector<1x64x1xf32>
    %get3A_327 = vector.shape_cast %get3A_326 : vector<1x64x1xf32> to vector<64x1xf32>
    %add3A_328 = vector.broadcast %get3A_327 : vector<64x1xf32> to vector<64x256xf32>
    %add3A_329 = arith.addf %dot_general3A_322, %add3A_328 : vector<64x256xf32>
    %max3A_330 = arith.constant 0.000000e+00 : f32
    %max3A_331 = vector.broadcast %max3A_330 : f32 to vector<64x256xf32>
    %max3A_332 = arith.maximumf %add3A_329, %max3A_331 : vector<64x256xf32>
    %slice3A_333 = vector.extract_strided_slice %transpose3A {offsets = [15, 0], sizes = [1, 256], strides = [1, 1]} : vector<64x256xf32> to vector<1x256xf32>
    %mul3A_334 = vector.broadcast %slice3A_333 : vector<1x256xf32> to vector<64x256xf32>
    %mul3A_335 = arith.mulf %mul3A_334, %max3A_332 : vector<64x256xf32>
    %add3A_336 = arith.addf %add3A_315, %mul3A_335 : vector<64x256xf32>
    %get3A_337 = arith.constant 16 : index
    %get3A_338 = arith.constant 0 : index
    %get3A_339 = arith.constant 0 : index
    %get3A_340 = vector.load %arg4[%get3A_337, %get3A_338, %get3A_339] : memref<64x64x16xf32, #tpu.memory_space<vmem>>, vector<1x64x16xf32>
    %get3A_341 = vector.shape_cast %get3A_340 : vector<1x64x16xf32> to vector<64x16xf32>
    %dot_general3A_342 = arith.constant dense<0.000000e+00> : vector<64x256xf32>
    %dot_general3A_343 = tpu.matmul %get3A_341, %get3A_1, %dot_general3A_342 {dimension_numbers = #tpu.dot_dimension_numbers<[1], [0], [0], [1], [0, 0, 1, 1], [], []>, transpose_lhs_hint = false} : vector<64x16xf32>, vector<16x256xf32>, vector<64x256xf32> -> vector<64x256xf32>
    %get3A_344 = arith.constant 16 : index
    %get3A_345 = arith.constant 0 : index
    %get3A_346 = arith.constant 0 : index
    %get3A_347 = vector.load %arg5[%get3A_344, %get3A_345, %get3A_346] : memref<64x64x1xf32, #tpu.memory_space<vmem>>, vector<1x64x1xf32>
    %get3A_348 = vector.shape_cast %get3A_347 : vector<1x64x1xf32> to vector<64x1xf32>
    %add3A_349 = vector.broadcast %get3A_348 : vector<64x1xf32> to vector<64x256xf32>
    %add3A_350 = arith.addf %dot_general3A_343, %add3A_349 : vector<64x256xf32>
    %max3A_351 = arith.constant 0.000000e+00 : f32
    %max3A_352 = vector.broadcast %max3A_351 : f32 to vector<64x256xf32>
    %max3A_353 = arith.maximumf %add3A_350, %max3A_352 : vector<64x256xf32>
    %slice3A_354 = vector.extract_strided_slice %transpose3A {offsets = [16, 0], sizes = [1, 256], strides = [1, 1]} : vector<64x256xf32> to vector<1x256xf32>
    %mul3A_355 = vector.broadcast %slice3A_354 : vector<1x256xf32> to vector<64x256xf32>
    %mul3A_356 = arith.mulf %mul3A_355, %max3A_353 : vector<64x256xf32>
    %add3A_357 = arith.addf %add3A_336, %mul3A_356 : vector<64x256xf32>
    %get3A_358 = arith.constant 17 : index
    %get3A_359 = arith.constant 0 : index
    %get3A_360 = arith.constant 0 : index
    %get3A_361 = vector.load %arg4[%get3A_358, %get3A_359, %get3A_360] : memref<64x64x16xf32, #tpu.memory_space<vmem>>, vector<1x64x16xf32>
    %get3A_362 = vector.shape_cast %get3A_361 : vector<1x64x16xf32> to vector<64x16xf32>
    %dot_general3A_363 = arith.constant dense<0.000000e+00> : vector<64x256xf32>
    %dot_general3A_364 = tpu.matmul %get3A_362, %get3A_1, %dot_general3A_363 {dimension_numbers = #tpu.dot_dimension_numbers<[1], [0], [0], [1], [0, 0, 1, 1], [], []>, transpose_lhs_hint = false} : vector<64x16xf32>, vector<16x256xf32>, vector<64x256xf32> -> vector<64x256xf32>
    %get3A_365 = arith.constant 17 : index
    %get3A_366 = arith.constant 0 : index
    %get3A_367 = arith.constant 0 : index
    %get3A_368 = vector.load %arg5[%get3A_365, %get3A_366, %get3A_367] : memref<64x64x1xf32, #tpu.memory_space<vmem>>, vector<1x64x1xf32>
    %get3A_369 = vector.shape_cast %get3A_368 : vector<1x64x1xf32> to vector<64x1xf32>
    %add3A_370 = vector.broadcast %get3A_369 : vector<64x1xf32> to vector<64x256xf32>
    %add3A_371 = arith.addf %dot_general3A_364, %add3A_370 : vector<64x256xf32>
    %max3A_372 = arith.constant 0.000000e+00 : f32
    %max3A_373 = vector.broadcast %max3A_372 : f32 to vector<64x256xf32>
    %max3A_374 = arith.maximumf %add3A_371, %max3A_373 : vector<64x256xf32>
    %slice3A_375 = vector.extract_strided_slice %transpose3A {offsets = [17, 0], sizes = [1, 256], strides = [1, 1]} : vector<64x256xf32> to vector<1x256xf32>
    %mul3A_376 = vector.broadcast %slice3A_375 : vector<1x256xf32> to vector<64x256xf32>
    %mul3A_377 = arith.mulf %mul3A_376, %max3A_374 : vector<64x256xf32>
    %add3A_378 = arith.addf %add3A_357, %mul3A_377 : vector<64x256xf32>
    %get3A_379 = arith.constant 18 : index
    %get3A_380 = arith.constant 0 : index
    %get3A_381 = arith.constant 0 : index
    %get3A_382 = vector.load %arg4[%get3A_379, %get3A_380, %get3A_381] : memref<64x64x16xf32, #tpu.memory_space<vmem>>, vector<1x64x16xf32>
    %get3A_383 = vector.shape_cast %get3A_382 : vector<1x64x16xf32> to vector<64x16xf32>
    %dot_general3A_384 = arith.constant dense<0.000000e+00> : vector<64x256xf32>
    %dot_general3A_385 = tpu.matmul %get3A_383, %get3A_1, %dot_general3A_384 {dimension_numbers = #tpu.dot_dimension_numbers<[1], [0], [0], [1], [0, 0, 1, 1], [], []>, transpose_lhs_hint = false} : vector<64x16xf32>, vector<16x256xf32>, vector<64x256xf32> -> vector<64x256xf32>
    %get3A_386 = arith.constant 18 : index
    %get3A_387 = arith.constant 0 : index
    %get3A_388 = arith.constant 0 : index
    %get3A_389 = vector.load %arg5[%get3A_386, %get3A_387, %get3A_388] : memref<64x64x1xf32, #tpu.memory_space<vmem>>, vector<1x64x1xf32>
    %get3A_390 = vector.shape_cast %get3A_389 : vector<1x64x1xf32> to vector<64x1xf32>
    %add3A_391 = vector.broadcast %get3A_390 : vector<64x1xf32> to vector<64x256xf32>
    %add3A_392 = arith.addf %dot_general3A_385, %add3A_391 : vector<64x256xf32>
    %max3A_393 = arith.constant 0.000000e+00 : f32
    %max3A_394 = vector.broadcast %max3A_393 : f32 to vector<64x256xf32>
    %max3A_395 = arith.maximumf %add3A_392, %max3A_394 : vector<64x256xf32>
    %slice3A_396 = vector.extract_strided_slice %transpose3A {offsets = [18, 0], sizes = [1, 256], strides = [1, 1]} : vector<64x256xf32> to vector<1x256xf32>
    %mul3A_397 = vector.broadcast %slice3A_396 : vector<1x256xf32> to vector<64x256xf32>
    %mul3A_398 = arith.mulf %mul3A_397, %max3A_395 : vector<64x256xf32>
    %add3A_399 = arith.addf %add3A_378, %mul3A_398 : vector<64x256xf32>
    %get3A_400 = arith.constant 19 : index
    %get3A_401 = arith.constant 0 : index
    %get3A_402 = arith.constant 0 : index
    %get3A_403 = vector.load %arg4[%get3A_400, %get3A_401, %get3A_402] : memref<64x64x16xf32, #tpu.memory_space<vmem>>, vector<1x64x16xf32>
    %get3A_404 = vector.shape_cast %get3A_403 : vector<1x64x16xf32> to vector<64x16xf32>
    %dot_general3A_405 = arith.constant dense<0.000000e+00> : vector<64x256xf32>
    %dot_general3A_406 = tpu.matmul %get3A_404, %get3A_1, %dot_general3A_405 {dimension_numbers = #tpu.dot_dimension_numbers<[1], [0], [0], [1], [0, 0, 1, 1], [], []>, transpose_lhs_hint = false} : vector<64x16xf32>, vector<16x256xf32>, vector<64x256xf32> -> vector<64x256xf32>
    %get3A_407 = arith.constant 19 : index
    %get3A_408 = arith.constant 0 : index
    %get3A_409 = arith.constant 0 : index
    %get3A_410 = vector.load %arg5[%get3A_407, %get3A_408, %get3A_409] : memref<64x64x1xf32, #tpu.memory_space<vmem>>, vector<1x64x1xf32>
    %get3A_411 = vector.shape_cast %get3A_410 : vector<1x64x1xf32> to vector<64x1xf32>
    %add3A_412 = vector.broadcast %get3A_411 : vector<64x1xf32> to vector<64x256xf32>
    %add3A_413 = arith.addf %dot_general3A_406, %add3A_412 : vector<64x256xf32>
    %max3A_414 = arith.constant 0.000000e+00 : f32
    %max3A_415 = vector.broadcast %max3A_414 : f32 to vector<64x256xf32>
    %max3A_416 = arith.maximumf %add3A_413, %max3A_415 : vector<64x256xf32>
    %slice3A_417 = vector.extract_strided_slice %transpose3A {offsets = [19, 0], sizes = [1, 256], strides = [1, 1]} : vector<64x256xf32> to vector<1x256xf32>
    %mul3A_418 = vector.broadcast %slice3A_417 : vector<1x256xf32> to vector<64x256xf32>
    %mul3A_419 = arith.mulf %mul3A_418, %max3A_416 : vector<64x256xf32>
    %add3A_420 = arith.addf %add3A_399, %mul3A_419 : vector<64x256xf32>
    %get3A_421 = arith.constant 20 : index
    %get3A_422 = arith.constant 0 : index
    %get3A_423 = arith.constant 0 : index
    %get3A_424 = vector.load %arg4[%get3A_421, %get3A_422, %get3A_423] : memref<64x64x16xf32, #tpu.memory_space<vmem>>, vector<1x64x16xf32>
    %get3A_425 = vector.shape_cast %get3A_424 : vector<1x64x16xf32> to vector<64x16xf32>
    %dot_general3A_426 = arith.constant dense<0.000000e+00> : vector<64x256xf32>
    %dot_general3A_427 = tpu.matmul %get3A_425, %get3A_1, %dot_general3A_426 {dimension_numbers = #tpu.dot_dimension_numbers<[1], [0], [0], [1], [0, 0, 1, 1], [], []>, transpose_lhs_hint = false} : vector<64x16xf32>, vector<16x256xf32>, vector<64x256xf32> -> vector<64x256xf32>
    %get3A_428 = arith.constant 20 : index
    %get3A_429 = arith.constant 0 : index
    %get3A_430 = arith.constant 0 : index
    %get3A_431 = vector.load %arg5[%get3A_428, %get3A_429, %get3A_430] : memref<64x64x1xf32, #tpu.memory_space<vmem>>, vector<1x64x1xf32>
    %get3A_432 = vector.shape_cast %get3A_431 : vector<1x64x1xf32> to vector<64x1xf32>
    %add3A_433 = vector.broadcast %get3A_432 : vector<64x1xf32> to vector<64x256xf32>
    %add3A_434 = arith.addf %dot_general3A_427, %add3A_433 : vector<64x256xf32>
    %max3A_435 = arith.constant 0.000000e+00 : f32
    %max3A_436 = vector.broadcast %max3A_435 : f32 to vector<64x256xf32>
    %max3A_437 = arith.maximumf %add3A_434, %max3A_436 : vector<64x256xf32>
    %slice3A_438 = vector.extract_strided_slice %transpose3A {offsets = [20, 0], sizes = [1, 256], strides = [1, 1]} : vector<64x256xf32> to vector<1x256xf32>
    %mul3A_439 = vector.broadcast %slice3A_438 : vector<1x256xf32> to vector<64x256xf32>
    %mul3A_440 = arith.mulf %mul3A_439, %max3A_437 : vector<64x256xf32>
    %add3A_441 = arith.addf %add3A_420, %mul3A_440 : vector<64x256xf32>
    %get3A_442 = arith.constant 21 : index
    %get3A_443 = arith.constant 0 : index
    %get3A_444 = arith.constant 0 : index
    %get3A_445 = vector.load %arg4[%get3A_442, %get3A_443, %get3A_444] : memref<64x64x16xf32, #tpu.memory_space<vmem>>, vector<1x64x16xf32>
    %get3A_446 = vector.shape_cast %get3A_445 : vector<1x64x16xf32> to vector<64x16xf32>
    %dot_general3A_447 = arith.constant dense<0.000000e+00> : vector<64x256xf32>
    %dot_general3A_448 = tpu.matmul %get3A_446, %get3A_1, %dot_general3A_447 {dimension_numbers = #tpu.dot_dimension_numbers<[1], [0], [0], [1], [0, 0, 1, 1], [], []>, transpose_lhs_hint = false} : vector<64x16xf32>, vector<16x256xf32>, vector<64x256xf32> -> vector<64x256xf32>
    %get3A_449 = arith.constant 21 : index
    %get3A_450 = arith.constant 0 : index
    %get3A_451 = arith.constant 0 : index
    %get3A_452 = vector.load %arg5[%get3A_449, %get3A_450, %get3A_451] : memref<64x64x1xf32, #tpu.memory_space<vmem>>, vector<1x64x1xf32>
    %get3A_453 = vector.shape_cast %get3A_452 : vector<1x64x1xf32> to vector<64x1xf32>
    %add3A_454 = vector.broadcast %get3A_453 : vector<64x1xf32> to vector<64x256xf32>
    %add3A_455 = arith.addf %dot_general3A_448, %add3A_454 : vector<64x256xf32>
    %max3A_456 = arith.constant 0.000000e+00 : f32
    %max3A_457 = vector.broadcast %max3A_456 : f32 to vector<64x256xf32>
    %max3A_458 = arith.maximumf %add3A_455, %max3A_457 : vector<64x256xf32>
    %slice3A_459 = vector.extract_strided_slice %transpose3A {offsets = [21, 0], sizes = [1, 256], strides = [1, 1]} : vector<64x256xf32> to vector<1x256xf32>
    %mul3A_460 = vector.broadcast %slice3A_459 : vector<1x256xf32> to vector<64x256xf32>
    %mul3A_461 = arith.mulf %mul3A_460, %max3A_458 : vector<64x256xf32>
    %add3A_462 = arith.addf %add3A_441, %mul3A_461 : vector<64x256xf32>
    %get3A_463 = arith.constant 22 : index
    %get3A_464 = arith.constant 0 : index
    %get3A_465 = arith.constant 0 : index
    %get3A_466 = vector.load %arg4[%get3A_463, %get3A_464, %get3A_465] : memref<64x64x16xf32, #tpu.memory_space<vmem>>, vector<1x64x16xf32>
    %get3A_467 = vector.shape_cast %get3A_466 : vector<1x64x16xf32> to vector<64x16xf32>
    %dot_general3A_468 = arith.constant dense<0.000000e+00> : vector<64x256xf32>
    %dot_general3A_469 = tpu.matmul %get3A_467, %get3A_1, %dot_general3A_468 {dimension_numbers = #tpu.dot_dimension_numbers<[1], [0], [0], [1], [0, 0, 1, 1], [], []>, transpose_lhs_hint = false} : vector<64x16xf32>, vector<16x256xf32>, vector<64x256xf32> -> vector<64x256xf32>
    %get3A_470 = arith.constant 22 : index
    %get3A_471 = arith.constant 0 : index
    %get3A_472 = arith.constant 0 : index
    %get3A_473 = vector.load %arg5[%get3A_470, %get3A_471, %get3A_472] : memref<64x64x1xf32, #tpu.memory_space<vmem>>, vector<1x64x1xf32>
    %get3A_474 = vector.shape_cast %get3A_473 : vector<1x64x1xf32> to vector<64x1xf32>
    %add3A_475 = vector.broadcast %get3A_474 : vector<64x1xf32> to vector<64x256xf32>
    %add3A_476 = arith.addf %dot_general3A_469, %add3A_475 : vector<64x256xf32>
    %max3A_477 = arith.constant 0.000000e+00 : f32
    %max3A_478 = vector.broadcast %max3A_477 : f32 to vector<64x256xf32>
    %max3A_479 = arith.maximumf %add3A_476, %max3A_478 : vector<64x256xf32>
    %slice3A_480 = vector.extract_strided_slice %transpose3A {offsets = [22, 0], sizes = [1, 256], strides = [1, 1]} : vector<64x256xf32> to vector<1x256xf32>
    %mul3A_481 = vector.broadcast %slice3A_480 : vector<1x256xf32> to vector<64x256xf32>
    %mul3A_482 = arith.mulf %mul3A_481, %max3A_479 : vector<64x256xf32>
    %add3A_483 = arith.addf %add3A_462, %mul3A_482 : vector<64x256xf32>
    %get3A_484 = arith.constant 23 : index
    %get3A_485 = arith.constant 0 : index
    %get3A_486 = arith.constant 0 : index
    %get3A_487 = vector.load %arg4[%get3A_484, %get3A_485, %get3A_486] : memref<64x64x16xf32, #tpu.memory_space<vmem>>, vector<1x64x16xf32>
    %get3A_488 = vector.shape_cast %get3A_487 : vector<1x64x16xf32> to vector<64x16xf32>
    %dot_general3A_489 = arith.constant dense<0.000000e+00> : vector<64x256xf32>
    %dot_general3A_490 = tpu.matmul %get3A_488, %get3A_1, %dot_general3A_489 {dimension_numbers = #tpu.dot_dimension_numbers<[1], [0], [0], [1], [0, 0, 1, 1], [], []>, transpose_lhs_hint = false} : vector<64x16xf32>, vector<16x256xf32>, vector<64x256xf32> -> vector<64x256xf32>
    %get3A_491 = arith.constant 23 : index
    %get3A_492 = arith.constant 0 : index
    %get3A_493 = arith.constant 0 : index
    %get3A_494 = vector.load %arg5[%get3A_491, %get3A_492, %get3A_493] : memref<64x64x1xf32, #tpu.memory_space<vmem>>, vector<1x64x1xf32>
    %get3A_495 = vector.shape_cast %get3A_494 : vector<1x64x1xf32> to vector<64x1xf32>
    %add3A_496 = vector.broadcast %get3A_495 : vector<64x1xf32> to vector<64x256xf32>
    %add3A_497 = arith.addf %dot_general3A_490, %add3A_496 : vector<64x256xf32>
    %max3A_498 = arith.constant 0.000000e+00 : f32
    %max3A_499 = vector.broadcast %max3A_498 : f32 to vector<64x256xf32>
    %max3A_500 = arith.maximumf %add3A_497, %max3A_499 : vector<64x256xf32>
    %slice3A_501 = vector.extract_strided_slice %transpose3A {offsets = [23, 0], sizes = [1, 256], strides = [1, 1]} : vector<64x256xf32> to vector<1x256xf32>
    %mul3A_502 = vector.broadcast %slice3A_501 : vector<1x256xf32> to vector<64x256xf32>
    %mul3A_503 = arith.mulf %mul3A_502, %max3A_500 : vector<64x256xf32>
    %add3A_504 = arith.addf %add3A_483, %mul3A_503 : vector<64x256xf32>
    %get3A_505 = arith.constant 24 : index
    %get3A_506 = arith.constant 0 : index
    %get3A_507 = arith.constant 0 : index
    %get3A_508 = vector.load %arg4[%get3A_505, %get3A_506, %get3A_507] : memref<64x64x16xf32, #tpu.memory_space<vmem>>, vector<1x64x16xf32>
    %get3A_509 = vector.shape_cast %get3A_508 : vector<1x64x16xf32> to vector<64x16xf32>
    %dot_general3A_510 = arith.constant dense<0.000000e+00> : vector<64x256xf32>
    %dot_general3A_511 = tpu.matmul %get3A_509, %get3A_1, %dot_general3A_510 {dimension_numbers = #tpu.dot_dimension_numbers<[1], [0], [0], [1], [0, 0, 1, 1], [], []>, transpose_lhs_hint = false} : vector<64x16xf32>, vector<16x256xf32>, vector<64x256xf32> -> vector<64x256xf32>
    %get3A_512 = arith.constant 24 : index
    %get3A_513 = arith.constant 0 : index
    %get3A_514 = arith.constant 0 : index
    %get3A_515 = vector.load %arg5[%get3A_512, %get3A_513, %get3A_514] : memref<64x64x1xf32, #tpu.memory_space<vmem>>, vector<1x64x1xf32>
    %get3A_516 = vector.shape_cast %get3A_515 : vector<1x64x1xf32> to vector<64x1xf32>
    %add3A_517 = vector.broadcast %get3A_516 : vector<64x1xf32> to vector<64x256xf32>
    %add3A_518 = arith.addf %dot_general3A_511, %add3A_517 : vector<64x256xf32>
    %max3A_519 = arith.constant 0.000000e+00 : f32
    %max3A_520 = vector.broadcast %max3A_519 : f32 to vector<64x256xf32>
    %max3A_521 = arith.maximumf %add3A_518, %max3A_520 : vector<64x256xf32>
    %slice3A_522 = vector.extract_strided_slice %transpose3A {offsets = [24, 0], sizes = [1, 256], strides = [1, 1]} : vector<64x256xf32> to vector<1x256xf32>
    %mul3A_523 = vector.broadcast %slice3A_522 : vector<1x256xf32> to vector<64x256xf32>
    %mul3A_524 = arith.mulf %mul3A_523, %max3A_521 : vector<64x256xf32>
    %add3A_525 = arith.addf %add3A_504, %mul3A_524 : vector<64x256xf32>
    %get3A_526 = arith.constant 25 : index
    %get3A_527 = arith.constant 0 : index
    %get3A_528 = arith.constant 0 : index
    %get3A_529 = vector.load %arg4[%get3A_526, %get3A_527, %get3A_528] : memref<64x64x16xf32, #tpu.memory_space<vmem>>, vector<1x64x16xf32>
    %get3A_530 = vector.shape_cast %get3A_529 : vector<1x64x16xf32> to vector<64x16xf32>
    %dot_general3A_531 = arith.constant dense<0.000000e+00> : vector<64x256xf32>
    %dot_general3A_532 = tpu.matmul %get3A_530, %get3A_1, %dot_general3A_531 {dimension_numbers = #tpu.dot_dimension_numbers<[1], [0], [0], [1], [0, 0, 1, 1], [], []>, transpose_lhs_hint = false} : vector<64x16xf32>, vector<16x256xf32>, vector<64x256xf32> -> vector<64x256xf32>
    %get3A_533 = arith.constant 25 : index
    %get3A_534 = arith.constant 0 : index
    %get3A_535 = arith.constant 0 : index
    %get3A_536 = vector.load %arg5[%get3A_533, %get3A_534, %get3A_535] : memref<64x64x1xf32, #tpu.memory_space<vmem>>, vector<1x64x1xf32>
    %get3A_537 = vector.shape_cast %get3A_536 : vector<1x64x1xf32> to vector<64x1xf32>
    %add3A_538 = vector.broadcast %get3A_537 : vector<64x1xf32> to vector<64x256xf32>
    %add3A_539 = arith.addf %dot_general3A_532, %add3A_538 : vector<64x256xf32>
    %max3A_540 = arith.constant 0.000000e+00 : f32
    %max3A_541 = vector.broadcast %max3A_540 : f32 to vector<64x256xf32>
    %max3A_542 = arith.maximumf %add3A_539, %max3A_541 : vector<64x256xf32>
    %slice3A_543 = vector.extract_strided_slice %transpose3A {offsets = [25, 0], sizes = [1, 256], strides = [1, 1]} : vector<64x256xf32> to vector<1x256xf32>
    %mul3A_544 = vector.broadcast %slice3A_543 : vector<1x256xf32> to vector<64x256xf32>
    %mul3A_545 = arith.mulf %mul3A_544, %max3A_542 : vector<64x256xf32>
    %add3A_546 = arith.addf %add3A_525, %mul3A_545 : vector<64x256xf32>
    %get3A_547 = arith.constant 26 : index
    %get3A_548 = arith.constant 0 : index
    %get3A_549 = arith.constant 0 : index
    %get3A_550 = vector.load %arg4[%get3A_547, %get3A_548, %get3A_549] : memref<64x64x16xf32, #tpu.memory_space<vmem>>, vector<1x64x16xf32>
    %get3A_551 = vector.shape_cast %get3A_550 : vector<1x64x16xf32> to vector<64x16xf32>
    %dot_general3A_552 = arith.constant dense<0.000000e+00> : vector<64x256xf32>
    %dot_general3A_553 = tpu.matmul %get3A_551, %get3A_1, %dot_general3A_552 {dimension_numbers = #tpu.dot_dimension_numbers<[1], [0], [0], [1], [0, 0, 1, 1], [], []>, transpose_lhs_hint = false} : vector<64x16xf32>, vector<16x256xf32>, vector<64x256xf32> -> vector<64x256xf32>
    %get3A_554 = arith.constant 26 : index
    %get3A_555 = arith.constant 0 : index
    %get3A_556 = arith.constant 0 : index
    %get3A_557 = vector.load %arg5[%get3A_554, %get3A_555, %get3A_556] : memref<64x64x1xf32, #tpu.memory_space<vmem>>, vector<1x64x1xf32>
    %get3A_558 = vector.shape_cast %get3A_557 : vector<1x64x1xf32> to vector<64x1xf32>
    %add3A_559 = vector.broadcast %get3A_558 : vector<64x1xf32> to vector<64x256xf32>
    %add3A_560 = arith.addf %dot_general3A_553, %add3A_559 : vector<64x256xf32>
    %max3A_561 = arith.constant 0.000000e+00 : f32
    %max3A_562 = vector.broadcast %max3A_561 : f32 to vector<64x256xf32>
    %max3A_563 = arith.maximumf %add3A_560, %max3A_562 : vector<64x256xf32>
    %slice3A_564 = vector.extract_strided_slice %transpose3A {offsets = [26, 0], sizes = [1, 256], strides = [1, 1]} : vector<64x256xf32> to vector<1x256xf32>
    %mul3A_565 = vector.broadcast %slice3A_564 : vector<1x256xf32> to vector<64x256xf32>
    %mul3A_566 = arith.mulf %mul3A_565, %max3A_563 : vector<64x256xf32>
    %add3A_567 = arith.addf %add3A_546, %mul3A_566 : vector<64x256xf32>
    %get3A_568 = arith.constant 27 : index
    %get3A_569 = arith.constant 0 : index
    %get3A_570 = arith.constant 0 : index
    %get3A_571 = vector.load %arg4[%get3A_568, %get3A_569, %get3A_570] : memref<64x64x16xf32, #tpu.memory_space<vmem>>, vector<1x64x16xf32>
    %get3A_572 = vector.shape_cast %get3A_571 : vector<1x64x16xf32> to vector<64x16xf32>
    %dot_general3A_573 = arith.constant dense<0.000000e+00> : vector<64x256xf32>
    %dot_general3A_574 = tpu.matmul %get3A_572, %get3A_1, %dot_general3A_573 {dimension_numbers = #tpu.dot_dimension_numbers<[1], [0], [0], [1], [0, 0, 1, 1], [], []>, transpose_lhs_hint = false} : vector<64x16xf32>, vector<16x256xf32>, vector<64x256xf32> -> vector<64x256xf32>
    %get3A_575 = arith.constant 27 : index
    %get3A_576 = arith.constant 0 : index
    %get3A_577 = arith.constant 0 : index
    %get3A_578 = vector.load %arg5[%get3A_575, %get3A_576, %get3A_577] : memref<64x64x1xf32, #tpu.memory_space<vmem>>, vector<1x64x1xf32>
    %get3A_579 = vector.shape_cast %get3A_578 : vector<1x64x1xf32> to vector<64x1xf32>
    %add3A_580 = vector.broadcast %get3A_579 : vector<64x1xf32> to vector<64x256xf32>
    %add3A_581 = arith.addf %dot_general3A_574, %add3A_580 : vector<64x256xf32>
    %max3A_582 = arith.constant 0.000000e+00 : f32
    %max3A_583 = vector.broadcast %max3A_582 : f32 to vector<64x256xf32>
    %max3A_584 = arith.maximumf %add3A_581, %max3A_583 : vector<64x256xf32>
    %slice3A_585 = vector.extract_strided_slice %transpose3A {offsets = [27, 0], sizes = [1, 256], strides = [1, 1]} : vector<64x256xf32> to vector<1x256xf32>
    %mul3A_586 = vector.broadcast %slice3A_585 : vector<1x256xf32> to vector<64x256xf32>
    %mul3A_587 = arith.mulf %mul3A_586, %max3A_584 : vector<64x256xf32>
    %add3A_588 = arith.addf %add3A_567, %mul3A_587 : vector<64x256xf32>
    %get3A_589 = arith.constant 28 : index
    %get3A_590 = arith.constant 0 : index
    %get3A_591 = arith.constant 0 : index
    %get3A_592 = vector.load %arg4[%get3A_589, %get3A_590, %get3A_591] : memref<64x64x16xf32, #tpu.memory_space<vmem>>, vector<1x64x16xf32>
    %get3A_593 = vector.shape_cast %get3A_592 : vector<1x64x16xf32> to vector<64x16xf32>
    %dot_general3A_594 = arith.constant dense<0.000000e+00> : vector<64x256xf32>
    %dot_general3A_595 = tpu.matmul %get3A_593, %get3A_1, %dot_general3A_594 {dimension_numbers = #tpu.dot_dimension_numbers<[1], [0], [0], [1], [0, 0, 1, 1], [], []>, transpose_lhs_hint = false} : vector<64x16xf32>, vector<16x256xf32>, vector<64x256xf32> -> vector<64x256xf32>
    %get3A_596 = arith.constant 28 : index
    %get3A_597 = arith.constant 0 : index
    %get3A_598 = arith.constant 0 : index
    %get3A_599 = vector.load %arg5[%get3A_596, %get3A_597, %get3A_598] : memref<64x64x1xf32, #tpu.memory_space<vmem>>, vector<1x64x1xf32>
    %get3A_600 = vector.shape_cast %get3A_599 : vector<1x64x1xf32> to vector<64x1xf32>
    %add3A_601 = vector.broadcast %get3A_600 : vector<64x1xf32> to vector<64x256xf32>
    %add3A_602 = arith.addf %dot_general3A_595, %add3A_601 : vector<64x256xf32>
    %max3A_603 = arith.constant 0.000000e+00 : f32
    %max3A_604 = vector.broadcast %max3A_603 : f32 to vector<64x256xf32>
    %max3A_605 = arith.maximumf %add3A_602, %max3A_604 : vector<64x256xf32>
    %slice3A_606 = vector.extract_strided_slice %transpose3A {offsets = [28, 0], sizes = [1, 256], strides = [1, 1]} : vector<64x256xf32> to vector<1x256xf32>
    %mul3A_607 = vector.broadcast %slice3A_606 : vector<1x256xf32> to vector<64x256xf32>
    %mul3A_608 = arith.mulf %mul3A_607, %max3A_605 : vector<64x256xf32>
    %add3A_609 = arith.addf %add3A_588, %mul3A_608 : vector<64x256xf32>
    %get3A_610 = arith.constant 29 : index
    %get3A_611 = arith.constant 0 : index
    %get3A_612 = arith.constant 0 : index
    %get3A_613 = vector.load %arg4[%get3A_610, %get3A_611, %get3A_612] : memref<64x64x16xf32, #tpu.memory_space<vmem>>, vector<1x64x16xf32>
    %get3A_614 = vector.shape_cast %get3A_613 : vector<1x64x16xf32> to vector<64x16xf32>
    %dot_general3A_615 = arith.constant dense<0.000000e+00> : vector<64x256xf32>
    %dot_general3A_616 = tpu.matmul %get3A_614, %get3A_1, %dot_general3A_615 {dimension_numbers = #tpu.dot_dimension_numbers<[1], [0], [0], [1], [0, 0, 1, 1], [], []>, transpose_lhs_hint = false} : vector<64x16xf32>, vector<16x256xf32>, vector<64x256xf32> -> vector<64x256xf32>
    %get3A_617 = arith.constant 29 : index
    %get3A_618 = arith.constant 0 : index
    %get3A_619 = arith.constant 0 : index
    %get3A_620 = vector.load %arg5[%get3A_617, %get3A_618, %get3A_619] : memref<64x64x1xf32, #tpu.memory_space<vmem>>, vector<1x64x1xf32>
    %get3A_621 = vector.shape_cast %get3A_620 : vector<1x64x1xf32> to vector<64x1xf32>
    %add3A_622 = vector.broadcast %get3A_621 : vector<64x1xf32> to vector<64x256xf32>
    %add3A_623 = arith.addf %dot_general3A_616, %add3A_622 : vector<64x256xf32>
    %max3A_624 = arith.constant 0.000000e+00 : f32
    %max3A_625 = vector.broadcast %max3A_624 : f32 to vector<64x256xf32>
    %max3A_626 = arith.maximumf %add3A_623, %max3A_625 : vector<64x256xf32>
    %slice3A_627 = vector.extract_strided_slice %transpose3A {offsets = [29, 0], sizes = [1, 256], strides = [1, 1]} : vector<64x256xf32> to vector<1x256xf32>
    %mul3A_628 = vector.broadcast %slice3A_627 : vector<1x256xf32> to vector<64x256xf32>
    %mul3A_629 = arith.mulf %mul3A_628, %max3A_626 : vector<64x256xf32>
    %add3A_630 = arith.addf %add3A_609, %mul3A_629 : vector<64x256xf32>
    %get3A_631 = arith.constant 30 : index
    %get3A_632 = arith.constant 0 : index
    %get3A_633 = arith.constant 0 : index
    %get3A_634 = vector.load %arg4[%get3A_631, %get3A_632, %get3A_633] : memref<64x64x16xf32, #tpu.memory_space<vmem>>, vector<1x64x16xf32>
    %get3A_635 = vector.shape_cast %get3A_634 : vector<1x64x16xf32> to vector<64x16xf32>
    %dot_general3A_636 = arith.constant dense<0.000000e+00> : vector<64x256xf32>
    %dot_general3A_637 = tpu.matmul %get3A_635, %get3A_1, %dot_general3A_636 {dimension_numbers = #tpu.dot_dimension_numbers<[1], [0], [0], [1], [0, 0, 1, 1], [], []>, transpose_lhs_hint = false} : vector<64x16xf32>, vector<16x256xf32>, vector<64x256xf32> -> vector<64x256xf32>
    %get3A_638 = arith.constant 30 : index
    %get3A_639 = arith.constant 0 : index
    %get3A_640 = arith.constant 0 : index
    %get3A_641 = vector.load %arg5[%get3A_638, %get3A_639, %get3A_640] : memref<64x64x1xf32, #tpu.memory_space<vmem>>, vector<1x64x1xf32>
    %get3A_642 = vector.shape_cast %get3A_641 : vector<1x64x1xf32> to vector<64x1xf32>
    %add3A_643 = vector.broadcast %get3A_642 : vector<64x1xf32> to vector<64x256xf32>
    %add3A_644 = arith.addf %dot_general3A_637, %add3A_643 : vector<64x256xf32>
    %max3A_645 = arith.constant 0.000000e+00 : f32
    %max3A_646 = vector.broadcast %max3A_645 : f32 to vector<64x256xf32>
    %max3A_647 = arith.maximumf %add3A_644, %max3A_646 : vector<64x256xf32>
    %slice3A_648 = vector.extract_strided_slice %transpose3A {offsets = [30, 0], sizes = [1, 256], strides = [1, 1]} : vector<64x256xf32> to vector<1x256xf32>
    %mul3A_649 = vector.broadcast %slice3A_648 : vector<1x256xf32> to vector<64x256xf32>
    %mul3A_650 = arith.mulf %mul3A_649, %max3A_647 : vector<64x256xf32>
    %add3A_651 = arith.addf %add3A_630, %mul3A_650 : vector<64x256xf32>
    %get3A_652 = arith.constant 31 : index
    %get3A_653 = arith.constant 0 : index
    %get3A_654 = arith.constant 0 : index
    %get3A_655 = vector.load %arg4[%get3A_652, %get3A_653, %get3A_654] : memref<64x64x16xf32, #tpu.memory_space<vmem>>, vector<1x64x16xf32>
    %get3A_656 = vector.shape_cast %get3A_655 : vector<1x64x16xf32> to vector<64x16xf32>
    %dot_general3A_657 = arith.constant dense<0.000000e+00> : vector<64x256xf32>
    %dot_general3A_658 = tpu.matmul %get3A_656, %get3A_1, %dot_general3A_657 {dimension_numbers = #tpu.dot_dimension_numbers<[1], [0], [0], [1], [0, 0, 1, 1], [], []>, transpose_lhs_hint = false} : vector<64x16xf32>, vector<16x256xf32>, vector<64x256xf32> -> vector<64x256xf32>
    %get3A_659 = arith.constant 31 : index
    %get3A_660 = arith.constant 0 : index
    %get3A_661 = arith.constant 0 : index
    %get3A_662 = vector.load %arg5[%get3A_659, %get3A_660, %get3A_661] : memref<64x64x1xf32, #tpu.memory_space<vmem>>, vector<1x64x1xf32>
    %get3A_663 = vector.shape_cast %get3A_662 : vector<1x64x1xf32> to vector<64x1xf32>
    %add3A_664 = vector.broadcast %get3A_663 : vector<64x1xf32> to vector<64x256xf32>
    %add3A_665 = arith.addf %dot_general3A_658, %add3A_664 : vector<64x256xf32>
    %max3A_666 = arith.constant 0.000000e+00 : f32
    %max3A_667 = vector.broadcast %max3A_666 : f32 to vector<64x256xf32>
    %max3A_668 = arith.maximumf %add3A_665, %max3A_667 : vector<64x256xf32>
    %slice3A_669 = vector.extract_strided_slice %transpose3A {offsets = [31, 0], sizes = [1, 256], strides = [1, 1]} : vector<64x256xf32> to vector<1x256xf32>
    %mul3A_670 = vector.broadcast %slice3A_669 : vector<1x256xf32> to vector<64x256xf32>
    %mul3A_671 = arith.mulf %mul3A_670, %max3A_668 : vector<64x256xf32>
    %add3A_672 = arith.addf %add3A_651, %mul3A_671 : vector<64x256xf32>
    %get3A_673 = arith.constant 32 : index
    %get3A_674 = arith.constant 0 : index
    %get3A_675 = arith.constant 0 : index
    %get3A_676 = vector.load %arg4[%get3A_673, %get3A_674, %get3A_675] : memref<64x64x16xf32, #tpu.memory_space<vmem>>, vector<1x64x16xf32>
    %get3A_677 = vector.shape_cast %get3A_676 : vector<1x64x16xf32> to vector<64x16xf32>
    %dot_general3A_678 = arith.constant dense<0.000000e+00> : vector<64x256xf32>
    %dot_general3A_679 = tpu.matmul %get3A_677, %get3A_1, %dot_general3A_678 {dimension_numbers = #tpu.dot_dimension_numbers<[1], [0], [0], [1], [0, 0, 1, 1], [], []>, transpose_lhs_hint = false} : vector<64x16xf32>, vector<16x256xf32>, vector<64x256xf32> -> vector<64x256xf32>
    %get3A_680 = arith.constant 32 : index
    %get3A_681 = arith.constant 0 : index
    %get3A_682 = arith.constant 0 : index
    %get3A_683 = vector.load %arg5[%get3A_680, %get3A_681, %get3A_682] : memref<64x64x1xf32, #tpu.memory_space<vmem>>, vector<1x64x1xf32>
    %get3A_684 = vector.shape_cast %get3A_683 : vector<1x64x1xf32> to vector<64x1xf32>
    %add3A_685 = vector.broadcast %get3A_684 : vector<64x1xf32> to vector<64x256xf32>
    %add3A_686 = arith.addf %dot_general3A_679, %add3A_685 : vector<64x256xf32>
    %max3A_687 = arith.constant 0.000000e+00 : f32
    %max3A_688 = vector.broadcast %max3A_687 : f32 to vector<64x256xf32>
    %max3A_689 = arith.maximumf %add3A_686, %max3A_688 : vector<64x256xf32>
    %slice3A_690 = vector.extract_strided_slice %transpose3A {offsets = [32, 0], sizes = [1, 256], strides = [1, 1]} : vector<64x256xf32> to vector<1x256xf32>
    %mul3A_691 = vector.broadcast %slice3A_690 : vector<1x256xf32> to vector<64x256xf32>
    %mul3A_692 = arith.mulf %mul3A_691, %max3A_689 : vector<64x256xf32>
    %add3A_693 = arith.addf %add3A_672, %mul3A_692 : vector<64x256xf32>
    %get3A_694 = arith.constant 33 : index
    %get3A_695 = arith.constant 0 : index
    %get3A_696 = arith.constant 0 : index
    %get3A_697 = vector.load %arg4[%get3A_694, %get3A_695, %get3A_696] : memref<64x64x16xf32, #tpu.memory_space<vmem>>, vector<1x64x16xf32>
    %get3A_698 = vector.shape_cast %get3A_697 : vector<1x64x16xf32> to vector<64x16xf32>
    %dot_general3A_699 = arith.constant dense<0.000000e+00> : vector<64x256xf32>
    %dot_general3A_700 = tpu.matmul %get3A_698, %get3A_1, %dot_general3A_699 {dimension_numbers = #tpu.dot_dimension_numbers<[1], [0], [0], [1], [0, 0, 1, 1], [], []>, transpose_lhs_hint = false} : vector<64x16xf32>, vector<16x256xf32>, vector<64x256xf32> -> vector<64x256xf32>
    %get3A_701 = arith.constant 33 : index
    %get3A_702 = arith.constant 0 : index
    %get3A_703 = arith.constant 0 : index
    %get3A_704 = vector.load %arg5[%get3A_701, %get3A_702, %get3A_703] : memref<64x64x1xf32, #tpu.memory_space<vmem>>, vector<1x64x1xf32>
    %get3A_705 = vector.shape_cast %get3A_704 : vector<1x64x1xf32> to vector<64x1xf32>
    %add3A_706 = vector.broadcast %get3A_705 : vector<64x1xf32> to vector<64x256xf32>
    %add3A_707 = arith.addf %dot_general3A_700, %add3A_706 : vector<64x256xf32>
    %max3A_708 = arith.constant 0.000000e+00 : f32
    %max3A_709 = vector.broadcast %max3A_708 : f32 to vector<64x256xf32>
    %max3A_710 = arith.maximumf %add3A_707, %max3A_709 : vector<64x256xf32>
    %slice3A_711 = vector.extract_strided_slice %transpose3A {offsets = [33, 0], sizes = [1, 256], strides = [1, 1]} : vector<64x256xf32> to vector<1x256xf32>
    %mul3A_712 = vector.broadcast %slice3A_711 : vector<1x256xf32> to vector<64x256xf32>
    %mul3A_713 = arith.mulf %mul3A_712, %max3A_710 : vector<64x256xf32>
    %add3A_714 = arith.addf %add3A_693, %mul3A_713 : vector<64x256xf32>
    %get3A_715 = arith.constant 34 : index
    %get3A_716 = arith.constant 0 : index
    %get3A_717 = arith.constant 0 : index
    %get3A_718 = vector.load %arg4[%get3A_715, %get3A_716, %get3A_717] : memref<64x64x16xf32, #tpu.memory_space<vmem>>, vector<1x64x16xf32>
    %get3A_719 = vector.shape_cast %get3A_718 : vector<1x64x16xf32> to vector<64x16xf32>
    %dot_general3A_720 = arith.constant dense<0.000000e+00> : vector<64x256xf32>
    %dot_general3A_721 = tpu.matmul %get3A_719, %get3A_1, %dot_general3A_720 {dimension_numbers = #tpu.dot_dimension_numbers<[1], [0], [0], [1], [0, 0, 1, 1], [], []>, transpose_lhs_hint = false} : vector<64x16xf32>, vector<16x256xf32>, vector<64x256xf32> -> vector<64x256xf32>
    %get3A_722 = arith.constant 34 : index
    %get3A_723 = arith.constant 0 : index
    %get3A_724 = arith.constant 0 : index
    %get3A_725 = vector.load %arg5[%get3A_722, %get3A_723, %get3A_724] : memref<64x64x1xf32, #tpu.memory_space<vmem>>, vector<1x64x1xf32>
    %get3A_726 = vector.shape_cast %get3A_725 : vector<1x64x1xf32> to vector<64x1xf32>
    %add3A_727 = vector.broadcast %get3A_726 : vector<64x1xf32> to vector<64x256xf32>
    %add3A_728 = arith.addf %dot_general3A_721, %add3A_727 : vector<64x256xf32>
    %max3A_729 = arith.constant 0.000000e+00 : f32
    %max3A_730 = vector.broadcast %max3A_729 : f32 to vector<64x256xf32>
    %max3A_731 = arith.maximumf %add3A_728, %max3A_730 : vector<64x256xf32>
    %slice3A_732 = vector.extract_strided_slice %transpose3A {offsets = [34, 0], sizes = [1, 256], strides = [1, 1]} : vector<64x256xf32> to vector<1x256xf32>
    %mul3A_733 = vector.broadcast %slice3A_732 : vector<1x256xf32> to vector<64x256xf32>
    %mul3A_734 = arith.mulf %mul3A_733, %max3A_731 : vector<64x256xf32>
    %add3A_735 = arith.addf %add3A_714, %mul3A_734 : vector<64x256xf32>
    %get3A_736 = arith.constant 35 : index
    %get3A_737 = arith.constant 0 : index
    %get3A_738 = arith.constant 0 : index
    %get3A_739 = vector.load %arg4[%get3A_736, %get3A_737, %get3A_738] : memref<64x64x16xf32, #tpu.memory_space<vmem>>, vector<1x64x16xf32>
    %get3A_740 = vector.shape_cast %get3A_739 : vector<1x64x16xf32> to vector<64x16xf32>
    %dot_general3A_741 = arith.constant dense<0.000000e+00> : vector<64x256xf32>
    %dot_general3A_742 = tpu.matmul %get3A_740, %get3A_1, %dot_general3A_741 {dimension_numbers = #tpu.dot_dimension_numbers<[1], [0], [0], [1], [0, 0, 1, 1], [], []>, transpose_lhs_hint = false} : vector<64x16xf32>, vector<16x256xf32>, vector<64x256xf32> -> vector<64x256xf32>
    %get3A_743 = arith.constant 35 : index
    %get3A_744 = arith.constant 0 : index
    %get3A_745 = arith.constant 0 : index
    %get3A_746 = vector.load %arg5[%get3A_743, %get3A_744, %get3A_745] : memref<64x64x1xf32, #tpu.memory_space<vmem>>, vector<1x64x1xf32>
    %get3A_747 = vector.shape_cast %get3A_746 : vector<1x64x1xf32> to vector<64x1xf32>
    %add3A_748 = vector.broadcast %get3A_747 : vector<64x1xf32> to vector<64x256xf32>
    %add3A_749 = arith.addf %dot_general3A_742, %add3A_748 : vector<64x256xf32>
    %max3A_750 = arith.constant 0.000000e+00 : f32
    %max3A_751 = vector.broadcast %max3A_750 : f32 to vector<64x256xf32>
    %max3A_752 = arith.maximumf %add3A_749, %max3A_751 : vector<64x256xf32>
    %slice3A_753 = vector.extract_strided_slice %transpose3A {offsets = [35, 0], sizes = [1, 256], strides = [1, 1]} : vector<64x256xf32> to vector<1x256xf32>
    %mul3A_754 = vector.broadcast %slice3A_753 : vector<1x256xf32> to vector<64x256xf32>
    %mul3A_755 = arith.mulf %mul3A_754, %max3A_752 : vector<64x256xf32>
    %add3A_756 = arith.addf %add3A_735, %mul3A_755 : vector<64x256xf32>
    %get3A_757 = arith.constant 36 : index
    %get3A_758 = arith.constant 0 : index
    %get3A_759 = arith.constant 0 : index
    %get3A_760 = vector.load %arg4[%get3A_757, %get3A_758, %get3A_759] : memref<64x64x16xf32, #tpu.memory_space<vmem>>, vector<1x64x16xf32>
    %get3A_761 = vector.shape_cast %get3A_760 : vector<1x64x16xf32> to vector<64x16xf32>
    %dot_general3A_762 = arith.constant dense<0.000000e+00> : vector<64x256xf32>
    %dot_general3A_763 = tpu.matmul %get3A_761, %get3A_1, %dot_general3A_762 {dimension_numbers = #tpu.dot_dimension_numbers<[1], [0], [0], [1], [0, 0, 1, 1], [], []>, transpose_lhs_hint = false} : vector<64x16xf32>, vector<16x256xf32>, vector<64x256xf32> -> vector<64x256xf32>
    %get3A_764 = arith.constant 36 : index
    %get3A_765 = arith.constant 0 : index
    %get3A_766 = arith.constant 0 : index
    %get3A_767 = vector.load %arg5[%get3A_764, %get3A_765, %get3A_766] : memref<64x64x1xf32, #tpu.memory_space<vmem>>, vector<1x64x1xf32>
    %get3A_768 = vector.shape_cast %get3A_767 : vector<1x64x1xf32> to vector<64x1xf32>
    %add3A_769 = vector.broadcast %get3A_768 : vector<64x1xf32> to vector<64x256xf32>
    %add3A_770 = arith.addf %dot_general3A_763, %add3A_769 : vector<64x256xf32>
    %max3A_771 = arith.constant 0.000000e+00 : f32
    %max3A_772 = vector.broadcast %max3A_771 : f32 to vector<64x256xf32>
    %max3A_773 = arith.maximumf %add3A_770, %max3A_772 : vector<64x256xf32>
    %slice3A_774 = vector.extract_strided_slice %transpose3A {offsets = [36, 0], sizes = [1, 256], strides = [1, 1]} : vector<64x256xf32> to vector<1x256xf32>
    %mul3A_775 = vector.broadcast %slice3A_774 : vector<1x256xf32> to vector<64x256xf32>
    %mul3A_776 = arith.mulf %mul3A_775, %max3A_773 : vector<64x256xf32>
    %add3A_777 = arith.addf %add3A_756, %mul3A_776 : vector<64x256xf32>
    %get3A_778 = arith.constant 37 : index
    %get3A_779 = arith.constant 0 : index
    %get3A_780 = arith.constant 0 : index
    %get3A_781 = vector.load %arg4[%get3A_778, %get3A_779, %get3A_780] : memref<64x64x16xf32, #tpu.memory_space<vmem>>, vector<1x64x16xf32>
    %get3A_782 = vector.shape_cast %get3A_781 : vector<1x64x16xf32> to vector<64x16xf32>
    %dot_general3A_783 = arith.constant dense<0.000000e+00> : vector<64x256xf32>
    %dot_general3A_784 = tpu.matmul %get3A_782, %get3A_1, %dot_general3A_783 {dimension_numbers = #tpu.dot_dimension_numbers<[1], [0], [0], [1], [0, 0, 1, 1], [], []>, transpose_lhs_hint = false} : vector<64x16xf32>, vector<16x256xf32>, vector<64x256xf32> -> vector<64x256xf32>
    %get3A_785 = arith.constant 37 : index
    %get3A_786 = arith.constant 0 : index
    %get3A_787 = arith.constant 0 : index
    %get3A_788 = vector.load %arg5[%get3A_785, %get3A_786, %get3A_787] : memref<64x64x1xf32, #tpu.memory_space<vmem>>, vector<1x64x1xf32>
    %get3A_789 = vector.shape_cast %get3A_788 : vector<1x64x1xf32> to vector<64x1xf32>
    %add3A_790 = vector.broadcast %get3A_789 : vector<64x1xf32> to vector<64x256xf32>
    %add3A_791 = arith.addf %dot_general3A_784, %add3A_790 : vector<64x256xf32>
    %max3A_792 = arith.constant 0.000000e+00 : f32
    %max3A_793 = vector.broadcast %max3A_792 : f32 to vector<64x256xf32>
    %max3A_794 = arith.maximumf %add3A_791, %max3A_793 : vector<64x256xf32>
    %slice3A_795 = vector.extract_strided_slice %transpose3A {offsets = [37, 0], sizes = [1, 256], strides = [1, 1]} : vector<64x256xf32> to vector<1x256xf32>
    %mul3A_796 = vector.broadcast %slice3A_795 : vector<1x256xf32> to vector<64x256xf32>
    %mul3A_797 = arith.mulf %mul3A_796, %max3A_794 : vector<64x256xf32>
    %add3A_798 = arith.addf %add3A_777, %mul3A_797 : vector<64x256xf32>
    %get3A_799 = arith.constant 38 : index
    %get3A_800 = arith.constant 0 : index
    %get3A_801 = arith.constant 0 : index
    %get3A_802 = vector.load %arg4[%get3A_799, %get3A_800, %get3A_801] : memref<64x64x16xf32, #tpu.memory_space<vmem>>, vector<1x64x16xf32>
    %get3A_803 = vector.shape_cast %get3A_802 : vector<1x64x16xf32> to vector<64x16xf32>
    %dot_general3A_804 = arith.constant dense<0.000000e+00> : vector<64x256xf32>
    %dot_general3A_805 = tpu.matmul %get3A_803, %get3A_1, %dot_general3A_804 {dimension_numbers = #tpu.dot_dimension_numbers<[1], [0], [0], [1], [0, 0, 1, 1], [], []>, transpose_lhs_hint = false} : vector<64x16xf32>, vector<16x256xf32>, vector<64x256xf32> -> vector<64x256xf32>
    %get3A_806 = arith.constant 38 : index
    %get3A_807 = arith.constant 0 : index
    %get3A_808 = arith.constant 0 : index
    %get3A_809 = vector.load %arg5[%get3A_806, %get3A_807, %get3A_808] : memref<64x64x1xf32, #tpu.memory_space<vmem>>, vector<1x64x1xf32>
    %get3A_810 = vector.shape_cast %get3A_809 : vector<1x64x1xf32> to vector<64x1xf32>
    %add3A_811 = vector.broadcast %get3A_810 : vector<64x1xf32> to vector<64x256xf32>
    %add3A_812 = arith.addf %dot_general3A_805, %add3A_811 : vector<64x256xf32>
    %max3A_813 = arith.constant 0.000000e+00 : f32
    %max3A_814 = vector.broadcast %max3A_813 : f32 to vector<64x256xf32>
    %max3A_815 = arith.maximumf %add3A_812, %max3A_814 : vector<64x256xf32>
    %slice3A_816 = vector.extract_strided_slice %transpose3A {offsets = [38, 0], sizes = [1, 256], strides = [1, 1]} : vector<64x256xf32> to vector<1x256xf32>
    %mul3A_817 = vector.broadcast %slice3A_816 : vector<1x256xf32> to vector<64x256xf32>
    %mul3A_818 = arith.mulf %mul3A_817, %max3A_815 : vector<64x256xf32>
    %add3A_819 = arith.addf %add3A_798, %mul3A_818 : vector<64x256xf32>
    %get3A_820 = arith.constant 39 : index
    %get3A_821 = arith.constant 0 : index
    %get3A_822 = arith.constant 0 : index
    %get3A_823 = vector.load %arg4[%get3A_820, %get3A_821, %get3A_822] : memref<64x64x16xf32, #tpu.memory_space<vmem>>, vector<1x64x16xf32>
    %get3A_824 = vector.shape_cast %get3A_823 : vector<1x64x16xf32> to vector<64x16xf32>
    %dot_general3A_825 = arith.constant dense<0.000000e+00> : vector<64x256xf32>
    %dot_general3A_826 = tpu.matmul %get3A_824, %get3A_1, %dot_general3A_825 {dimension_numbers = #tpu.dot_dimension_numbers<[1], [0], [0], [1], [0, 0, 1, 1], [], []>, transpose_lhs_hint = false} : vector<64x16xf32>, vector<16x256xf32>, vector<64x256xf32> -> vector<64x256xf32>
    %get3A_827 = arith.constant 39 : index
    %get3A_828 = arith.constant 0 : index
    %get3A_829 = arith.constant 0 : index
    %get3A_830 = vector.load %arg5[%get3A_827, %get3A_828, %get3A_829] : memref<64x64x1xf32, #tpu.memory_space<vmem>>, vector<1x64x1xf32>
    %get3A_831 = vector.shape_cast %get3A_830 : vector<1x64x1xf32> to vector<64x1xf32>
    %add3A_832 = vector.broadcast %get3A_831 : vector<64x1xf32> to vector<64x256xf32>
    %add3A_833 = arith.addf %dot_general3A_826, %add3A_832 : vector<64x256xf32>
    %max3A_834 = arith.constant 0.000000e+00 : f32
    %max3A_835 = vector.broadcast %max3A_834 : f32 to vector<64x256xf32>
    %max3A_836 = arith.maximumf %add3A_833, %max3A_835 : vector<64x256xf32>
    %slice3A_837 = vector.extract_strided_slice %transpose3A {offsets = [39, 0], sizes = [1, 256], strides = [1, 1]} : vector<64x256xf32> to vector<1x256xf32>
    %mul3A_838 = vector.broadcast %slice3A_837 : vector<1x256xf32> to vector<64x256xf32>
    %mul3A_839 = arith.mulf %mul3A_838, %max3A_836 : vector<64x256xf32>
    %add3A_840 = arith.addf %add3A_819, %mul3A_839 : vector<64x256xf32>
    %get3A_841 = arith.constant 40 : index
    %get3A_842 = arith.constant 0 : index
    %get3A_843 = arith.constant 0 : index
    %get3A_844 = vector.load %arg4[%get3A_841, %get3A_842, %get3A_843] : memref<64x64x16xf32, #tpu.memory_space<vmem>>, vector<1x64x16xf32>
    %get3A_845 = vector.shape_cast %get3A_844 : vector<1x64x16xf32> to vector<64x16xf32>
    %dot_general3A_846 = arith.constant dense<0.000000e+00> : vector<64x256xf32>
    %dot_general3A_847 = tpu.matmul %get3A_845, %get3A_1, %dot_general3A_846 {dimension_numbers = #tpu.dot_dimension_numbers<[1], [0], [0], [1], [0, 0, 1, 1], [], []>, transpose_lhs_hint = false} : vector<64x16xf32>, vector<16x256xf32>, vector<64x256xf32> -> vector<64x256xf32>
    %get3A_848 = arith.constant 40 : index
    %get3A_849 = arith.constant 0 : index
    %get3A_850 = arith.constant 0 : index
    %get3A_851 = vector.load %arg5[%get3A_848, %get3A_849, %get3A_850] : memref<64x64x1xf32, #tpu.memory_space<vmem>>, vector<1x64x1xf32>
    %get3A_852 = vector.shape_cast %get3A_851 : vector<1x64x1xf32> to vector<64x1xf32>
    %add3A_853 = vector.broadcast %get3A_852 : vector<64x1xf32> to vector<64x256xf32>
    %add3A_854 = arith.addf %dot_general3A_847, %add3A_853 : vector<64x256xf32>
    %max3A_855 = arith.constant 0.000000e+00 : f32
    %max3A_856 = vector.broadcast %max3A_855 : f32 to vector<64x256xf32>
    %max3A_857 = arith.maximumf %add3A_854, %max3A_856 : vector<64x256xf32>
    %slice3A_858 = vector.extract_strided_slice %transpose3A {offsets = [40, 0], sizes = [1, 256], strides = [1, 1]} : vector<64x256xf32> to vector<1x256xf32>
    %mul3A_859 = vector.broadcast %slice3A_858 : vector<1x256xf32> to vector<64x256xf32>
    %mul3A_860 = arith.mulf %mul3A_859, %max3A_857 : vector<64x256xf32>
    %add3A_861 = arith.addf %add3A_840, %mul3A_860 : vector<64x256xf32>
    %get3A_862 = arith.constant 41 : index
    %get3A_863 = arith.constant 0 : index
    %get3A_864 = arith.constant 0 : index
    %get3A_865 = vector.load %arg4[%get3A_862, %get3A_863, %get3A_864] : memref<64x64x16xf32, #tpu.memory_space<vmem>>, vector<1x64x16xf32>
    %get3A_866 = vector.shape_cast %get3A_865 : vector<1x64x16xf32> to vector<64x16xf32>
    %dot_general3A_867 = arith.constant dense<0.000000e+00> : vector<64x256xf32>
    %dot_general3A_868 = tpu.matmul %get3A_866, %get3A_1, %dot_general3A_867 {dimension_numbers = #tpu.dot_dimension_numbers<[1], [0], [0], [1], [0, 0, 1, 1], [], []>, transpose_lhs_hint = false} : vector<64x16xf32>, vector<16x256xf32>, vector<64x256xf32> -> vector<64x256xf32>
    %get3A_869 = arith.constant 41 : index
    %get3A_870 = arith.constant 0 : index
    %get3A_871 = arith.constant 0 : index
    %get3A_872 = vector.load %arg5[%get3A_869, %get3A_870, %get3A_871] : memref<64x64x1xf32, #tpu.memory_space<vmem>>, vector<1x64x1xf32>
    %get3A_873 = vector.shape_cast %get3A_872 : vector<1x64x1xf32> to vector<64x1xf32>
    %add3A_874 = vector.broadcast %get3A_873 : vector<64x1xf32> to vector<64x256xf32>
    %add3A_875 = arith.addf %dot_general3A_868, %add3A_874 : vector<64x256xf32>
    %max3A_876 = arith.constant 0.000000e+00 : f32
    %max3A_877 = vector.broadcast %max3A_876 : f32 to vector<64x256xf32>
    %max3A_878 = arith.maximumf %add3A_875, %max3A_877 : vector<64x256xf32>
    %slice3A_879 = vector.extract_strided_slice %transpose3A {offsets = [41, 0], sizes = [1, 256], strides = [1, 1]} : vector<64x256xf32> to vector<1x256xf32>
    %mul3A_880 = vector.broadcast %slice3A_879 : vector<1x256xf32> to vector<64x256xf32>
    %mul3A_881 = arith.mulf %mul3A_880, %max3A_878 : vector<64x256xf32>
    %add3A_882 = arith.addf %add3A_861, %mul3A_881 : vector<64x256xf32>
    %get3A_883 = arith.constant 42 : index
    %get3A_884 = arith.constant 0 : index
    %get3A_885 = arith.constant 0 : index
    %get3A_886 = vector.load %arg4[%get3A_883, %get3A_884, %get3A_885] : memref<64x64x16xf32, #tpu.memory_space<vmem>>, vector<1x64x16xf32>
    %get3A_887 = vector.shape_cast %get3A_886 : vector<1x64x16xf32> to vector<64x16xf32>
    %dot_general3A_888 = arith.constant dense<0.000000e+00> : vector<64x256xf32>
    %dot_general3A_889 = tpu.matmul %get3A_887, %get3A_1, %dot_general3A_888 {dimension_numbers = #tpu.dot_dimension_numbers<[1], [0], [0], [1], [0, 0, 1, 1], [], []>, transpose_lhs_hint = false} : vector<64x16xf32>, vector<16x256xf32>, vector<64x256xf32> -> vector<64x256xf32>
    %get3A_890 = arith.constant 42 : index
    %get3A_891 = arith.constant 0 : index
    %get3A_892 = arith.constant 0 : index
    %get3A_893 = vector.load %arg5[%get3A_890, %get3A_891, %get3A_892] : memref<64x64x1xf32, #tpu.memory_space<vmem>>, vector<1x64x1xf32>
    %get3A_894 = vector.shape_cast %get3A_893 : vector<1x64x1xf32> to vector<64x1xf32>
    %add3A_895 = vector.broadcast %get3A_894 : vector<64x1xf32> to vector<64x256xf32>
    %add3A_896 = arith.addf %dot_general3A_889, %add3A_895 : vector<64x256xf32>
    %max3A_897 = arith.constant 0.000000e+00 : f32
    %max3A_898 = vector.broadcast %max3A_897 : f32 to vector<64x256xf32>
    %max3A_899 = arith.maximumf %add3A_896, %max3A_898 : vector<64x256xf32>
    %slice3A_900 = vector.extract_strided_slice %transpose3A {offsets = [42, 0], sizes = [1, 256], strides = [1, 1]} : vector<64x256xf32> to vector<1x256xf32>
    %mul3A_901 = vector.broadcast %slice3A_900 : vector<1x256xf32> to vector<64x256xf32>
    %mul3A_902 = arith.mulf %mul3A_901, %max3A_899 : vector<64x256xf32>
    %add3A_903 = arith.addf %add3A_882, %mul3A_902 : vector<64x256xf32>
    %get3A_904 = arith.constant 43 : index
    %get3A_905 = arith.constant 0 : index
    %get3A_906 = arith.constant 0 : index
    %get3A_907 = vector.load %arg4[%get3A_904, %get3A_905, %get3A_906] : memref<64x64x16xf32, #tpu.memory_space<vmem>>, vector<1x64x16xf32>
    %get3A_908 = vector.shape_cast %get3A_907 : vector<1x64x16xf32> to vector<64x16xf32>
    %dot_general3A_909 = arith.constant dense<0.000000e+00> : vector<64x256xf32>
    %dot_general3A_910 = tpu.matmul %get3A_908, %get3A_1, %dot_general3A_909 {dimension_numbers = #tpu.dot_dimension_numbers<[1], [0], [0], [1], [0, 0, 1, 1], [], []>, transpose_lhs_hint = false} : vector<64x16xf32>, vector<16x256xf32>, vector<64x256xf32> -> vector<64x256xf32>
    %get3A_911 = arith.constant 43 : index
    %get3A_912 = arith.constant 0 : index
    %get3A_913 = arith.constant 0 : index
    %get3A_914 = vector.load %arg5[%get3A_911, %get3A_912, %get3A_913] : memref<64x64x1xf32, #tpu.memory_space<vmem>>, vector<1x64x1xf32>
    %get3A_915 = vector.shape_cast %get3A_914 : vector<1x64x1xf32> to vector<64x1xf32>
    %add3A_916 = vector.broadcast %get3A_915 : vector<64x1xf32> to vector<64x256xf32>
    %add3A_917 = arith.addf %dot_general3A_910, %add3A_916 : vector<64x256xf32>
    %max3A_918 = arith.constant 0.000000e+00 : f32
    %max3A_919 = vector.broadcast %max3A_918 : f32 to vector<64x256xf32>
    %max3A_920 = arith.maximumf %add3A_917, %max3A_919 : vector<64x256xf32>
    %slice3A_921 = vector.extract_strided_slice %transpose3A {offsets = [43, 0], sizes = [1, 256], strides = [1, 1]} : vector<64x256xf32> to vector<1x256xf32>
    %mul3A_922 = vector.broadcast %slice3A_921 : vector<1x256xf32> to vector<64x256xf32>
    %mul3A_923 = arith.mulf %mul3A_922, %max3A_920 : vector<64x256xf32>
    %add3A_924 = arith.addf %add3A_903, %mul3A_923 : vector<64x256xf32>
    %get3A_925 = arith.constant 44 : index
    %get3A_926 = arith.constant 0 : index
    %get3A_927 = arith.constant 0 : index
    %get3A_928 = vector.load %arg4[%get3A_925, %get3A_926, %get3A_927] : memref<64x64x16xf32, #tpu.memory_space<vmem>>, vector<1x64x16xf32>
    %get3A_929 = vector.shape_cast %get3A_928 : vector<1x64x16xf32> to vector<64x16xf32>
    %dot_general3A_930 = arith.constant dense<0.000000e+00> : vector<64x256xf32>
    %dot_general3A_931 = tpu.matmul %get3A_929, %get3A_1, %dot_general3A_930 {dimension_numbers = #tpu.dot_dimension_numbers<[1], [0], [0], [1], [0, 0, 1, 1], [], []>, transpose_lhs_hint = false} : vector<64x16xf32>, vector<16x256xf32>, vector<64x256xf32> -> vector<64x256xf32>
    %get3A_932 = arith.constant 44 : index
    %get3A_933 = arith.constant 0 : index
    %get3A_934 = arith.constant 0 : index
    %get3A_935 = vector.load %arg5[%get3A_932, %get3A_933, %get3A_934] : memref<64x64x1xf32, #tpu.memory_space<vmem>>, vector<1x64x1xf32>
    %get3A_936 = vector.shape_cast %get3A_935 : vector<1x64x1xf32> to vector<64x1xf32>
    %add3A_937 = vector.broadcast %get3A_936 : vector<64x1xf32> to vector<64x256xf32>
    %add3A_938 = arith.addf %dot_general3A_931, %add3A_937 : vector<64x256xf32>
    %max3A_939 = arith.constant 0.000000e+00 : f32
    %max3A_940 = vector.broadcast %max3A_939 : f32 to vector<64x256xf32>
    %max3A_941 = arith.maximumf %add3A_938, %max3A_940 : vector<64x256xf32>
    %slice3A_942 = vector.extract_strided_slice %transpose3A {offsets = [44, 0], sizes = [1, 256], strides = [1, 1]} : vector<64x256xf32> to vector<1x256xf32>
    %mul3A_943 = vector.broadcast %slice3A_942 : vector<1x256xf32> to vector<64x256xf32>
    %mul3A_944 = arith.mulf %mul3A_943, %max3A_941 : vector<64x256xf32>
    %add3A_945 = arith.addf %add3A_924, %mul3A_944 : vector<64x256xf32>
    %get3A_946 = arith.constant 45 : index
    %get3A_947 = arith.constant 0 : index
    %get3A_948 = arith.constant 0 : index
    %get3A_949 = vector.load %arg4[%get3A_946, %get3A_947, %get3A_948] : memref<64x64x16xf32, #tpu.memory_space<vmem>>, vector<1x64x16xf32>
    %get3A_950 = vector.shape_cast %get3A_949 : vector<1x64x16xf32> to vector<64x16xf32>
    %dot_general3A_951 = arith.constant dense<0.000000e+00> : vector<64x256xf32>
    %dot_general3A_952 = tpu.matmul %get3A_950, %get3A_1, %dot_general3A_951 {dimension_numbers = #tpu.dot_dimension_numbers<[1], [0], [0], [1], [0, 0, 1, 1], [], []>, transpose_lhs_hint = false} : vector<64x16xf32>, vector<16x256xf32>, vector<64x256xf32> -> vector<64x256xf32>
    %get3A_953 = arith.constant 45 : index
    %get3A_954 = arith.constant 0 : index
    %get3A_955 = arith.constant 0 : index
    %get3A_956 = vector.load %arg5[%get3A_953, %get3A_954, %get3A_955] : memref<64x64x1xf32, #tpu.memory_space<vmem>>, vector<1x64x1xf32>
    %get3A_957 = vector.shape_cast %get3A_956 : vector<1x64x1xf32> to vector<64x1xf32>
    %add3A_958 = vector.broadcast %get3A_957 : vector<64x1xf32> to vector<64x256xf32>
    %add3A_959 = arith.addf %dot_general3A_952, %add3A_958 : vector<64x256xf32>
    %max3A_960 = arith.constant 0.000000e+00 : f32
    %max3A_961 = vector.broadcast %max3A_960 : f32 to vector<64x256xf32>
    %max3A_962 = arith.maximumf %add3A_959, %max3A_961 : vector<64x256xf32>
    %slice3A_963 = vector.extract_strided_slice %transpose3A {offsets = [45, 0], sizes = [1, 256], strides = [1, 1]} : vector<64x256xf32> to vector<1x256xf32>
    %mul3A_964 = vector.broadcast %slice3A_963 : vector<1x256xf32> to vector<64x256xf32>
    %mul3A_965 = arith.mulf %mul3A_964, %max3A_962 : vector<64x256xf32>
    %add3A_966 = arith.addf %add3A_945, %mul3A_965 : vector<64x256xf32>
    %get3A_967 = arith.constant 46 : index
    %get3A_968 = arith.constant 0 : index
    %get3A_969 = arith.constant 0 : index
    %get3A_970 = vector.load %arg4[%get3A_967, %get3A_968, %get3A_969] : memref<64x64x16xf32, #tpu.memory_space<vmem>>, vector<1x64x16xf32>
    %get3A_971 = vector.shape_cast %get3A_970 : vector<1x64x16xf32> to vector<64x16xf32>
    %dot_general3A_972 = arith.constant dense<0.000000e+00> : vector<64x256xf32>
    %dot_general3A_973 = tpu.matmul %get3A_971, %get3A_1, %dot_general3A_972 {dimension_numbers = #tpu.dot_dimension_numbers<[1], [0], [0], [1], [0, 0, 1, 1], [], []>, transpose_lhs_hint = false} : vector<64x16xf32>, vector<16x256xf32>, vector<64x256xf32> -> vector<64x256xf32>
    %get3A_974 = arith.constant 46 : index
    %get3A_975 = arith.constant 0 : index
    %get3A_976 = arith.constant 0 : index
    %get3A_977 = vector.load %arg5[%get3A_974, %get3A_975, %get3A_976] : memref<64x64x1xf32, #tpu.memory_space<vmem>>, vector<1x64x1xf32>
    %get3A_978 = vector.shape_cast %get3A_977 : vector<1x64x1xf32> to vector<64x1xf32>
    %add3A_979 = vector.broadcast %get3A_978 : vector<64x1xf32> to vector<64x256xf32>
    %add3A_980 = arith.addf %dot_general3A_973, %add3A_979 : vector<64x256xf32>
    %max3A_981 = arith.constant 0.000000e+00 : f32
    %max3A_982 = vector.broadcast %max3A_981 : f32 to vector<64x256xf32>
    %max3A_983 = arith.maximumf %add3A_980, %max3A_982 : vector<64x256xf32>
    %slice3A_984 = vector.extract_strided_slice %transpose3A {offsets = [46, 0], sizes = [1, 256], strides = [1, 1]} : vector<64x256xf32> to vector<1x256xf32>
    %mul3A_985 = vector.broadcast %slice3A_984 : vector<1x256xf32> to vector<64x256xf32>
    %mul3A_986 = arith.mulf %mul3A_985, %max3A_983 : vector<64x256xf32>
    %add3A_987 = arith.addf %add3A_966, %mul3A_986 : vector<64x256xf32>
    %get3A_988 = arith.constant 47 : index
    %get3A_989 = arith.constant 0 : index
    %get3A_990 = arith.constant 0 : index
    %get3A_991 = vector.load %arg4[%get3A_988, %get3A_989, %get3A_990] : memref<64x64x16xf32, #tpu.memory_space<vmem>>, vector<1x64x16xf32>
    %get3A_992 = vector.shape_cast %get3A_991 : vector<1x64x16xf32> to vector<64x16xf32>
    %dot_general3A_993 = arith.constant dense<0.000000e+00> : vector<64x256xf32>
    %dot_general3A_994 = tpu.matmul %get3A_992, %get3A_1, %dot_general3A_993 {dimension_numbers = #tpu.dot_dimension_numbers<[1], [0], [0], [1], [0, 0, 1, 1], [], []>, transpose_lhs_hint = false} : vector<64x16xf32>, vector<16x256xf32>, vector<64x256xf32> -> vector<64x256xf32>
    %get3A_995 = arith.constant 47 : index
    %get3A_996 = arith.constant 0 : index
    %get3A_997 = arith.constant 0 : index
    %get3A_998 = vector.load %arg5[%get3A_995, %get3A_996, %get3A_997] : memref<64x64x1xf32, #tpu.memory_space<vmem>>, vector<1x64x1xf32>
    %get3A_999 = vector.shape_cast %get3A_998 : vector<1x64x1xf32> to vector<64x1xf32>
    %add3A_1000 = vector.broadcast %get3A_999 : vector<64x1xf32> to vector<64x256xf32>
    %add3A_1001 = arith.addf %dot_general3A_994, %add3A_1000 : vector<64x256xf32>
    %max3A_1002 = arith.constant 0.000000e+00 : f32
    %max3A_1003 = vector.broadcast %max3A_1002 : f32 to vector<64x256xf32>
    %max3A_1004 = arith.maximumf %add3A_1001, %max3A_1003 : vector<64x256xf32>
    %slice3A_1005 = vector.extract_strided_slice %transpose3A {offsets = [47, 0], sizes = [1, 256], strides = [1, 1]} : vector<64x256xf32> to vector<1x256xf32>
    %mul3A_1006 = vector.broadcast %slice3A_1005 : vector<1x256xf32> to vector<64x256xf32>
    %mul3A_1007 = arith.mulf %mul3A_1006, %max3A_1004 : vector<64x256xf32>
    %add3A_1008 = arith.addf %add3A_987, %mul3A_1007 : vector<64x256xf32>
    %get3A_1009 = arith.constant 48 : index
    %get3A_1010 = arith.constant 0 : index
    %get3A_1011 = arith.constant 0 : index
    %get3A_1012 = vector.load %arg4[%get3A_1009, %get3A_1010, %get3A_1011] : memref<64x64x16xf32, #tpu.memory_space<vmem>>, vector<1x64x16xf32>
    %get3A_1013 = vector.shape_cast %get3A_1012 : vector<1x64x16xf32> to vector<64x16xf32>
    %dot_general3A_1014 = arith.constant dense<0.000000e+00> : vector<64x256xf32>
    %dot_general3A_1015 = tpu.matmul %get3A_1013, %get3A_1, %dot_general3A_1014 {dimension_numbers = #tpu.dot_dimension_numbers<[1], [0], [0], [1], [0, 0, 1, 1], [], []>, transpose_lhs_hint = false} : vector<64x16xf32>, vector<16x256xf32>, vector<64x256xf32> -> vector<64x256xf32>
    %get3A_1016 = arith.constant 48 : index
    %get3A_1017 = arith.constant 0 : index
    %get3A_1018 = arith.constant 0 : index
    %get3A_1019 = vector.load %arg5[%get3A_1016, %get3A_1017, %get3A_1018] : memref<64x64x1xf32, #tpu.memory_space<vmem>>, vector<1x64x1xf32>
    %get3A_1020 = vector.shape_cast %get3A_1019 : vector<1x64x1xf32> to vector<64x1xf32>
    %add3A_1021 = vector.broadcast %get3A_1020 : vector<64x1xf32> to vector<64x256xf32>
    %add3A_1022 = arith.addf %dot_general3A_1015, %add3A_1021 : vector<64x256xf32>
    %max3A_1023 = arith.constant 0.000000e+00 : f32
    %max3A_1024 = vector.broadcast %max3A_1023 : f32 to vector<64x256xf32>
    %max3A_1025 = arith.maximumf %add3A_1022, %max3A_1024 : vector<64x256xf32>
    %slice3A_1026 = vector.extract_strided_slice %transpose3A {offsets = [48, 0], sizes = [1, 256], strides = [1, 1]} : vector<64x256xf32> to vector<1x256xf32>
    %mul3A_1027 = vector.broadcast %slice3A_1026 : vector<1x256xf32> to vector<64x256xf32>
    %mul3A_1028 = arith.mulf %mul3A_1027, %max3A_1025 : vector<64x256xf32>
    %add3A_1029 = arith.addf %add3A_1008, %mul3A_1028 : vector<64x256xf32>
    %get3A_1030 = arith.constant 49 : index
    %get3A_1031 = arith.constant 0 : index
    %get3A_1032 = arith.constant 0 : index
    %get3A_1033 = vector.load %arg4[%get3A_1030, %get3A_1031, %get3A_1032] : memref<64x64x16xf32, #tpu.memory_space<vmem>>, vector<1x64x16xf32>
    %get3A_1034 = vector.shape_cast %get3A_1033 : vector<1x64x16xf32> to vector<64x16xf32>
    %dot_general3A_1035 = arith.constant dense<0.000000e+00> : vector<64x256xf32>
    %dot_general3A_1036 = tpu.matmul %get3A_1034, %get3A_1, %dot_general3A_1035 {dimension_numbers = #tpu.dot_dimension_numbers<[1], [0], [0], [1], [0, 0, 1, 1], [], []>, transpose_lhs_hint = false} : vector<64x16xf32>, vector<16x256xf32>, vector<64x256xf32> -> vector<64x256xf32>
    %get3A_1037 = arith.constant 49 : index
    %get3A_1038 = arith.constant 0 : index
    %get3A_1039 = arith.constant 0 : index
    %get3A_1040 = vector.load %arg5[%get3A_1037, %get3A_1038, %get3A_1039] : memref<64x64x1xf32, #tpu.memory_space<vmem>>, vector<1x64x1xf32>
    %get3A_1041 = vector.shape_cast %get3A_1040 : vector<1x64x1xf32> to vector<64x1xf32>
    %add3A_1042 = vector.broadcast %get3A_1041 : vector<64x1xf32> to vector<64x256xf32>
    %add3A_1043 = arith.addf %dot_general3A_1036, %add3A_1042 : vector<64x256xf32>
    %max3A_1044 = arith.constant 0.000000e+00 : f32
    %max3A_1045 = vector.broadcast %max3A_1044 : f32 to vector<64x256xf32>
    %max3A_1046 = arith.maximumf %add3A_1043, %max3A_1045 : vector<64x256xf32>
    %slice3A_1047 = vector.extract_strided_slice %transpose3A {offsets = [49, 0], sizes = [1, 256], strides = [1, 1]} : vector<64x256xf32> to vector<1x256xf32>
    %mul3A_1048 = vector.broadcast %slice3A_1047 : vector<1x256xf32> to vector<64x256xf32>
    %mul3A_1049 = arith.mulf %mul3A_1048, %max3A_1046 : vector<64x256xf32>
    %add3A_1050 = arith.addf %add3A_1029, %mul3A_1049 : vector<64x256xf32>
    %get3A_1051 = arith.constant 50 : index
    %get3A_1052 = arith.constant 0 : index
    %get3A_1053 = arith.constant 0 : index
    %get3A_1054 = vector.load %arg4[%get3A_1051, %get3A_1052, %get3A_1053] : memref<64x64x16xf32, #tpu.memory_space<vmem>>, vector<1x64x16xf32>
    %get3A_1055 = vector.shape_cast %get3A_1054 : vector<1x64x16xf32> to vector<64x16xf32>
    %dot_general3A_1056 = arith.constant dense<0.000000e+00> : vector<64x256xf32>
    %dot_general3A_1057 = tpu.matmul %get3A_1055, %get3A_1, %dot_general3A_1056 {dimension_numbers = #tpu.dot_dimension_numbers<[1], [0], [0], [1], [0, 0, 1, 1], [], []>, transpose_lhs_hint = false} : vector<64x16xf32>, vector<16x256xf32>, vector<64x256xf32> -> vector<64x256xf32>
    %get3A_1058 = arith.constant 50 : index
    %get3A_1059 = arith.constant 0 : index
    %get3A_1060 = arith.constant 0 : index
    %get3A_1061 = vector.load %arg5[%get3A_1058, %get3A_1059, %get3A_1060] : memref<64x64x1xf32, #tpu.memory_space<vmem>>, vector<1x64x1xf32>
    %get3A_1062 = vector.shape_cast %get3A_1061 : vector<1x64x1xf32> to vector<64x1xf32>
    %add3A_1063 = vector.broadcast %get3A_1062 : vector<64x1xf32> to vector<64x256xf32>
    %add3A_1064 = arith.addf %dot_general3A_1057, %add3A_1063 : vector<64x256xf32>
    %max3A_1065 = arith.constant 0.000000e+00 : f32
    %max3A_1066 = vector.broadcast %max3A_1065 : f32 to vector<64x256xf32>
    %max3A_1067 = arith.maximumf %add3A_1064, %max3A_1066 : vector<64x256xf32>
    %slice3A_1068 = vector.extract_strided_slice %transpose3A {offsets = [50, 0], sizes = [1, 256], strides = [1, 1]} : vector<64x256xf32> to vector<1x256xf32>
    %mul3A_1069 = vector.broadcast %slice3A_1068 : vector<1x256xf32> to vector<64x256xf32>
    %mul3A_1070 = arith.mulf %mul3A_1069, %max3A_1067 : vector<64x256xf32>
    %add3A_1071 = arith.addf %add3A_1050, %mul3A_1070 : vector<64x256xf32>
    %get3A_1072 = arith.constant 51 : index
    %get3A_1073 = arith.constant 0 : index
    %get3A_1074 = arith.constant 0 : index
    %get3A_1075 = vector.load %arg4[%get3A_1072, %get3A_1073, %get3A_1074] : memref<64x64x16xf32, #tpu.memory_space<vmem>>, vector<1x64x16xf32>
    %get3A_1076 = vector.shape_cast %get3A_1075 : vector<1x64x16xf32> to vector<64x16xf32>
    %dot_general3A_1077 = arith.constant dense<0.000000e+00> : vector<64x256xf32>
    %dot_general3A_1078 = tpu.matmul %get3A_1076, %get3A_1, %dot_general3A_1077 {dimension_numbers = #tpu.dot_dimension_numbers<[1], [0], [0], [1], [0, 0, 1, 1], [], []>, transpose_lhs_hint = false} : vector<64x16xf32>, vector<16x256xf32>, vector<64x256xf32> -> vector<64x256xf32>
    %get3A_1079 = arith.constant 51 : index
    %get3A_1080 = arith.constant 0 : index
    %get3A_1081 = arith.constant 0 : index
    %get3A_1082 = vector.load %arg5[%get3A_1079, %get3A_1080, %get3A_1081] : memref<64x64x1xf32, #tpu.memory_space<vmem>>, vector<1x64x1xf32>
    %get3A_1083 = vector.shape_cast %get3A_1082 : vector<1x64x1xf32> to vector<64x1xf32>
    %add3A_1084 = vector.broadcast %get3A_1083 : vector<64x1xf32> to vector<64x256xf32>
    %add3A_1085 = arith.addf %dot_general3A_1078, %add3A_1084 : vector<64x256xf32>
    %max3A_1086 = arith.constant 0.000000e+00 : f32
    %max3A_1087 = vector.broadcast %max3A_1086 : f32 to vector<64x256xf32>
    %max3A_1088 = arith.maximumf %add3A_1085, %max3A_1087 : vector<64x256xf32>
    %slice3A_1089 = vector.extract_strided_slice %transpose3A {offsets = [51, 0], sizes = [1, 256], strides = [1, 1]} : vector<64x256xf32> to vector<1x256xf32>
    %mul3A_1090 = vector.broadcast %slice3A_1089 : vector<1x256xf32> to vector<64x256xf32>
    %mul3A_1091 = arith.mulf %mul3A_1090, %max3A_1088 : vector<64x256xf32>
    %add3A_1092 = arith.addf %add3A_1071, %mul3A_1091 : vector<64x256xf32>
    %get3A_1093 = arith.constant 52 : index
    %get3A_1094 = arith.constant 0 : index
    %get3A_1095 = arith.constant 0 : index
    %get3A_1096 = vector.load %arg4[%get3A_1093, %get3A_1094, %get3A_1095] : memref<64x64x16xf32, #tpu.memory_space<vmem>>, vector<1x64x16xf32>
    %get3A_1097 = vector.shape_cast %get3A_1096 : vector<1x64x16xf32> to vector<64x16xf32>
    %dot_general3A_1098 = arith.constant dense<0.000000e+00> : vector<64x256xf32>
    %dot_general3A_1099 = tpu.matmul %get3A_1097, %get3A_1, %dot_general3A_1098 {dimension_numbers = #tpu.dot_dimension_numbers<[1], [0], [0], [1], [0, 0, 1, 1], [], []>, transpose_lhs_hint = false} : vector<64x16xf32>, vector<16x256xf32>, vector<64x256xf32> -> vector<64x256xf32>
    %get3A_1100 = arith.constant 52 : index
    %get3A_1101 = arith.constant 0 : index
    %get3A_1102 = arith.constant 0 : index
    %get3A_1103 = vector.load %arg5[%get3A_1100, %get3A_1101, %get3A_1102] : memref<64x64x1xf32, #tpu.memory_space<vmem>>, vector<1x64x1xf32>
    %get3A_1104 = vector.shape_cast %get3A_1103 : vector<1x64x1xf32> to vector<64x1xf32>
    %add3A_1105 = vector.broadcast %get3A_1104 : vector<64x1xf32> to vector<64x256xf32>
    %add3A_1106 = arith.addf %dot_general3A_1099, %add3A_1105 : vector<64x256xf32>
    %max3A_1107 = arith.constant 0.000000e+00 : f32
    %max3A_1108 = vector.broadcast %max3A_1107 : f32 to vector<64x256xf32>
    %max3A_1109 = arith.maximumf %add3A_1106, %max3A_1108 : vector<64x256xf32>
    %slice3A_1110 = vector.extract_strided_slice %transpose3A {offsets = [52, 0], sizes = [1, 256], strides = [1, 1]} : vector<64x256xf32> to vector<1x256xf32>
    %mul3A_1111 = vector.broadcast %slice3A_1110 : vector<1x256xf32> to vector<64x256xf32>
    %mul3A_1112 = arith.mulf %mul3A_1111, %max3A_1109 : vector<64x256xf32>
    %add3A_1113 = arith.addf %add3A_1092, %mul3A_1112 : vector<64x256xf32>
    %get3A_1114 = arith.constant 53 : index
    %get3A_1115 = arith.constant 0 : index
    %get3A_1116 = arith.constant 0 : index
    %get3A_1117 = vector.load %arg4[%get3A_1114, %get3A_1115, %get3A_1116] : memref<64x64x16xf32, #tpu.memory_space<vmem>>, vector<1x64x16xf32>
    %get3A_1118 = vector.shape_cast %get3A_1117 : vector<1x64x16xf32> to vector<64x16xf32>
    %dot_general3A_1119 = arith.constant dense<0.000000e+00> : vector<64x256xf32>
    %dot_general3A_1120 = tpu.matmul %get3A_1118, %get3A_1, %dot_general3A_1119 {dimension_numbers = #tpu.dot_dimension_numbers<[1], [0], [0], [1], [0, 0, 1, 1], [], []>, transpose_lhs_hint = false} : vector<64x16xf32>, vector<16x256xf32>, vector<64x256xf32> -> vector<64x256xf32>
    %get3A_1121 = arith.constant 53 : index
    %get3A_1122 = arith.constant 0 : index
    %get3A_1123 = arith.constant 0 : index
    %get3A_1124 = vector.load %arg5[%get3A_1121, %get3A_1122, %get3A_1123] : memref<64x64x1xf32, #tpu.memory_space<vmem>>, vector<1x64x1xf32>
    %get3A_1125 = vector.shape_cast %get3A_1124 : vector<1x64x1xf32> to vector<64x1xf32>
    %add3A_1126 = vector.broadcast %get3A_1125 : vector<64x1xf32> to vector<64x256xf32>
    %add3A_1127 = arith.addf %dot_general3A_1120, %add3A_1126 : vector<64x256xf32>
    %max3A_1128 = arith.constant 0.000000e+00 : f32
    %max3A_1129 = vector.broadcast %max3A_1128 : f32 to vector<64x256xf32>
    %max3A_1130 = arith.maximumf %add3A_1127, %max3A_1129 : vector<64x256xf32>
    %slice3A_1131 = vector.extract_strided_slice %transpose3A {offsets = [53, 0], sizes = [1, 256], strides = [1, 1]} : vector<64x256xf32> to vector<1x256xf32>
    %mul3A_1132 = vector.broadcast %slice3A_1131 : vector<1x256xf32> to vector<64x256xf32>
    %mul3A_1133 = arith.mulf %mul3A_1132, %max3A_1130 : vector<64x256xf32>
    %add3A_1134 = arith.addf %add3A_1113, %mul3A_1133 : vector<64x256xf32>
    %get3A_1135 = arith.constant 54 : index
    %get3A_1136 = arith.constant 0 : index
    %get3A_1137 = arith.constant 0 : index
    %get3A_1138 = vector.load %arg4[%get3A_1135, %get3A_1136, %get3A_1137] : memref<64x64x16xf32, #tpu.memory_space<vmem>>, vector<1x64x16xf32>
    %get3A_1139 = vector.shape_cast %get3A_1138 : vector<1x64x16xf32> to vector<64x16xf32>
    %dot_general3A_1140 = arith.constant dense<0.000000e+00> : vector<64x256xf32>
    %dot_general3A_1141 = tpu.matmul %get3A_1139, %get3A_1, %dot_general3A_1140 {dimension_numbers = #tpu.dot_dimension_numbers<[1], [0], [0], [1], [0, 0, 1, 1], [], []>, transpose_lhs_hint = false} : vector<64x16xf32>, vector<16x256xf32>, vector<64x256xf32> -> vector<64x256xf32>
    %get3A_1142 = arith.constant 54 : index
    %get3A_1143 = arith.constant 0 : index
    %get3A_1144 = arith.constant 0 : index
    %get3A_1145 = vector.load %arg5[%get3A_1142, %get3A_1143, %get3A_1144] : memref<64x64x1xf32, #tpu.memory_space<vmem>>, vector<1x64x1xf32>
    %get3A_1146 = vector.shape_cast %get3A_1145 : vector<1x64x1xf32> to vector<64x1xf32>
    %add3A_1147 = vector.broadcast %get3A_1146 : vector<64x1xf32> to vector<64x256xf32>
    %add3A_1148 = arith.addf %dot_general3A_1141, %add3A_1147 : vector<64x256xf32>
    %max3A_1149 = arith.constant 0.000000e+00 : f32
    %max3A_1150 = vector.broadcast %max3A_1149 : f32 to vector<64x256xf32>
    %max3A_1151 = arith.maximumf %add3A_1148, %max3A_1150 : vector<64x256xf32>
    %slice3A_1152 = vector.extract_strided_slice %transpose3A {offsets = [54, 0], sizes = [1, 256], strides = [1, 1]} : vector<64x256xf32> to vector<1x256xf32>
    %mul3A_1153 = vector.broadcast %slice3A_1152 : vector<1x256xf32> to vector<64x256xf32>
    %mul3A_1154 = arith.mulf %mul3A_1153, %max3A_1151 : vector<64x256xf32>
    %add3A_1155 = arith.addf %add3A_1134, %mul3A_1154 : vector<64x256xf32>
    %get3A_1156 = arith.constant 55 : index
    %get3A_1157 = arith.constant 0 : index
    %get3A_1158 = arith.constant 0 : index
    %get3A_1159 = vector.load %arg4[%get3A_1156, %get3A_1157, %get3A_1158] : memref<64x64x16xf32, #tpu.memory_space<vmem>>, vector<1x64x16xf32>
    %get3A_1160 = vector.shape_cast %get3A_1159 : vector<1x64x16xf32> to vector<64x16xf32>
    %dot_general3A_1161 = arith.constant dense<0.000000e+00> : vector<64x256xf32>
    %dot_general3A_1162 = tpu.matmul %get3A_1160, %get3A_1, %dot_general3A_1161 {dimension_numbers = #tpu.dot_dimension_numbers<[1], [0], [0], [1], [0, 0, 1, 1], [], []>, transpose_lhs_hint = false} : vector<64x16xf32>, vector<16x256xf32>, vector<64x256xf32> -> vector<64x256xf32>
    %get3A_1163 = arith.constant 55 : index
    %get3A_1164 = arith.constant 0 : index
    %get3A_1165 = arith.constant 0 : index
    %get3A_1166 = vector.load %arg5[%get3A_1163, %get3A_1164, %get3A_1165] : memref<64x64x1xf32, #tpu.memory_space<vmem>>, vector<1x64x1xf32>
    %get3A_1167 = vector.shape_cast %get3A_1166 : vector<1x64x1xf32> to vector<64x1xf32>
    %add3A_1168 = vector.broadcast %get3A_1167 : vector<64x1xf32> to vector<64x256xf32>
    %add3A_1169 = arith.addf %dot_general3A_1162, %add3A_1168 : vector<64x256xf32>
    %max3A_1170 = arith.constant 0.000000e+00 : f32
    %max3A_1171 = vector.broadcast %max3A_1170 : f32 to vector<64x256xf32>
    %max3A_1172 = arith.maximumf %add3A_1169, %max3A_1171 : vector<64x256xf32>
    %slice3A_1173 = vector.extract_strided_slice %transpose3A {offsets = [55, 0], sizes = [1, 256], strides = [1, 1]} : vector<64x256xf32> to vector<1x256xf32>
    %mul3A_1174 = vector.broadcast %slice3A_1173 : vector<1x256xf32> to vector<64x256xf32>
    %mul3A_1175 = arith.mulf %mul3A_1174, %max3A_1172 : vector<64x256xf32>
    %add3A_1176 = arith.addf %add3A_1155, %mul3A_1175 : vector<64x256xf32>
    %get3A_1177 = arith.constant 56 : index
    %get3A_1178 = arith.constant 0 : index
    %get3A_1179 = arith.constant 0 : index
    %get3A_1180 = vector.load %arg4[%get3A_1177, %get3A_1178, %get3A_1179] : memref<64x64x16xf32, #tpu.memory_space<vmem>>, vector<1x64x16xf32>
    %get3A_1181 = vector.shape_cast %get3A_1180 : vector<1x64x16xf32> to vector<64x16xf32>
    %dot_general3A_1182 = arith.constant dense<0.000000e+00> : vector<64x256xf32>
    %dot_general3A_1183 = tpu.matmul %get3A_1181, %get3A_1, %dot_general3A_1182 {dimension_numbers = #tpu.dot_dimension_numbers<[1], [0], [0], [1], [0, 0, 1, 1], [], []>, transpose_lhs_hint = false} : vector<64x16xf32>, vector<16x256xf32>, vector<64x256xf32> -> vector<64x256xf32>
    %get3A_1184 = arith.constant 56 : index
    %get3A_1185 = arith.constant 0 : index
    %get3A_1186 = arith.constant 0 : index
    %get3A_1187 = vector.load %arg5[%get3A_1184, %get3A_1185, %get3A_1186] : memref<64x64x1xf32, #tpu.memory_space<vmem>>, vector<1x64x1xf32>
    %get3A_1188 = vector.shape_cast %get3A_1187 : vector<1x64x1xf32> to vector<64x1xf32>
    %add3A_1189 = vector.broadcast %get3A_1188 : vector<64x1xf32> to vector<64x256xf32>
    %add3A_1190 = arith.addf %dot_general3A_1183, %add3A_1189 : vector<64x256xf32>
    %max3A_1191 = arith.constant 0.000000e+00 : f32
    %max3A_1192 = vector.broadcast %max3A_1191 : f32 to vector<64x256xf32>
    %max3A_1193 = arith.maximumf %add3A_1190, %max3A_1192 : vector<64x256xf32>
    %slice3A_1194 = vector.extract_strided_slice %transpose3A {offsets = [56, 0], sizes = [1, 256], strides = [1, 1]} : vector<64x256xf32> to vector<1x256xf32>
    %mul3A_1195 = vector.broadcast %slice3A_1194 : vector<1x256xf32> to vector<64x256xf32>
    %mul3A_1196 = arith.mulf %mul3A_1195, %max3A_1193 : vector<64x256xf32>
    %add3A_1197 = arith.addf %add3A_1176, %mul3A_1196 : vector<64x256xf32>
    %get3A_1198 = arith.constant 57 : index
    %get3A_1199 = arith.constant 0 : index
    %get3A_1200 = arith.constant 0 : index
    %get3A_1201 = vector.load %arg4[%get3A_1198, %get3A_1199, %get3A_1200] : memref<64x64x16xf32, #tpu.memory_space<vmem>>, vector<1x64x16xf32>
    %get3A_1202 = vector.shape_cast %get3A_1201 : vector<1x64x16xf32> to vector<64x16xf32>
    %dot_general3A_1203 = arith.constant dense<0.000000e+00> : vector<64x256xf32>
    %dot_general3A_1204 = tpu.matmul %get3A_1202, %get3A_1, %dot_general3A_1203 {dimension_numbers = #tpu.dot_dimension_numbers<[1], [0], [0], [1], [0, 0, 1, 1], [], []>, transpose_lhs_hint = false} : vector<64x16xf32>, vector<16x256xf32>, vector<64x256xf32> -> vector<64x256xf32>
    %get3A_1205 = arith.constant 57 : index
    %get3A_1206 = arith.constant 0 : index
    %get3A_1207 = arith.constant 0 : index
    %get3A_1208 = vector.load %arg5[%get3A_1205, %get3A_1206, %get3A_1207] : memref<64x64x1xf32, #tpu.memory_space<vmem>>, vector<1x64x1xf32>
    %get3A_1209 = vector.shape_cast %get3A_1208 : vector<1x64x1xf32> to vector<64x1xf32>
    %add3A_1210 = vector.broadcast %get3A_1209 : vector<64x1xf32> to vector<64x256xf32>
    %add3A_1211 = arith.addf %dot_general3A_1204, %add3A_1210 : vector<64x256xf32>
    %max3A_1212 = arith.constant 0.000000e+00 : f32
    %max3A_1213 = vector.broadcast %max3A_1212 : f32 to vector<64x256xf32>
    %max3A_1214 = arith.maximumf %add3A_1211, %max3A_1213 : vector<64x256xf32>
    %slice3A_1215 = vector.extract_strided_slice %transpose3A {offsets = [57, 0], sizes = [1, 256], strides = [1, 1]} : vector<64x256xf32> to vector<1x256xf32>
    %mul3A_1216 = vector.broadcast %slice3A_1215 : vector<1x256xf32> to vector<64x256xf32>
    %mul3A_1217 = arith.mulf %mul3A_1216, %max3A_1214 : vector<64x256xf32>
    %add3A_1218 = arith.addf %add3A_1197, %mul3A_1217 : vector<64x256xf32>
    %get3A_1219 = arith.constant 58 : index
    %get3A_1220 = arith.constant 0 : index
    %get3A_1221 = arith.constant 0 : index
    %get3A_1222 = vector.load %arg4[%get3A_1219, %get3A_1220, %get3A_1221] : memref<64x64x16xf32, #tpu.memory_space<vmem>>, vector<1x64x16xf32>
    %get3A_1223 = vector.shape_cast %get3A_1222 : vector<1x64x16xf32> to vector<64x16xf32>
    %dot_general3A_1224 = arith.constant dense<0.000000e+00> : vector<64x256xf32>
    %dot_general3A_1225 = tpu.matmul %get3A_1223, %get3A_1, %dot_general3A_1224 {dimension_numbers = #tpu.dot_dimension_numbers<[1], [0], [0], [1], [0, 0, 1, 1], [], []>, transpose_lhs_hint = false} : vector<64x16xf32>, vector<16x256xf32>, vector<64x256xf32> -> vector<64x256xf32>
    %get3A_1226 = arith.constant 58 : index
    %get3A_1227 = arith.constant 0 : index
    %get3A_1228 = arith.constant 0 : index
    %get3A_1229 = vector.load %arg5[%get3A_1226, %get3A_1227, %get3A_1228] : memref<64x64x1xf32, #tpu.memory_space<vmem>>, vector<1x64x1xf32>
    %get3A_1230 = vector.shape_cast %get3A_1229 : vector<1x64x1xf32> to vector<64x1xf32>
    %add3A_1231 = vector.broadcast %get3A_1230 : vector<64x1xf32> to vector<64x256xf32>
    %add3A_1232 = arith.addf %dot_general3A_1225, %add3A_1231 : vector<64x256xf32>
    %max3A_1233 = arith.constant 0.000000e+00 : f32
    %max3A_1234 = vector.broadcast %max3A_1233 : f32 to vector<64x256xf32>
    %max3A_1235 = arith.maximumf %add3A_1232, %max3A_1234 : vector<64x256xf32>
    %slice3A_1236 = vector.extract_strided_slice %transpose3A {offsets = [58, 0], sizes = [1, 256], strides = [1, 1]} : vector<64x256xf32> to vector<1x256xf32>
    %mul3A_1237 = vector.broadcast %slice3A_1236 : vector<1x256xf32> to vector<64x256xf32>
    %mul3A_1238 = arith.mulf %mul3A_1237, %max3A_1235 : vector<64x256xf32>
    %add3A_1239 = arith.addf %add3A_1218, %mul3A_1238 : vector<64x256xf32>
    %get3A_1240 = arith.constant 59 : index
    %get3A_1241 = arith.constant 0 : index
    %get3A_1242 = arith.constant 0 : index
    %get3A_1243 = vector.load %arg4[%get3A_1240, %get3A_1241, %get3A_1242] : memref<64x64x16xf32, #tpu.memory_space<vmem>>, vector<1x64x16xf32>
    %get3A_1244 = vector.shape_cast %get3A_1243 : vector<1x64x16xf32> to vector<64x16xf32>
    %dot_general3A_1245 = arith.constant dense<0.000000e+00> : vector<64x256xf32>
    %dot_general3A_1246 = tpu.matmul %get3A_1244, %get3A_1, %dot_general3A_1245 {dimension_numbers = #tpu.dot_dimension_numbers<[1], [0], [0], [1], [0, 0, 1, 1], [], []>, transpose_lhs_hint = false} : vector<64x16xf32>, vector<16x256xf32>, vector<64x256xf32> -> vector<64x256xf32>
    %get3A_1247 = arith.constant 59 : index
    %get3A_1248 = arith.constant 0 : index
    %get3A_1249 = arith.constant 0 : index
    %get3A_1250 = vector.load %arg5[%get3A_1247, %get3A_1248, %get3A_1249] : memref<64x64x1xf32, #tpu.memory_space<vmem>>, vector<1x64x1xf32>
    %get3A_1251 = vector.shape_cast %get3A_1250 : vector<1x64x1xf32> to vector<64x1xf32>
    %add3A_1252 = vector.broadcast %get3A_1251 : vector<64x1xf32> to vector<64x256xf32>
    %add3A_1253 = arith.addf %dot_general3A_1246, %add3A_1252 : vector<64x256xf32>
    %max3A_1254 = arith.constant 0.000000e+00 : f32
    %max3A_1255 = vector.broadcast %max3A_1254 : f32 to vector<64x256xf32>
    %max3A_1256 = arith.maximumf %add3A_1253, %max3A_1255 : vector<64x256xf32>
    %slice3A_1257 = vector.extract_strided_slice %transpose3A {offsets = [59, 0], sizes = [1, 256], strides = [1, 1]} : vector<64x256xf32> to vector<1x256xf32>
    %mul3A_1258 = vector.broadcast %slice3A_1257 : vector<1x256xf32> to vector<64x256xf32>
    %mul3A_1259 = arith.mulf %mul3A_1258, %max3A_1256 : vector<64x256xf32>
    %add3A_1260 = arith.addf %add3A_1239, %mul3A_1259 : vector<64x256xf32>
    %get3A_1261 = arith.constant 60 : index
    %get3A_1262 = arith.constant 0 : index
    %get3A_1263 = arith.constant 0 : index
    %get3A_1264 = vector.load %arg4[%get3A_1261, %get3A_1262, %get3A_1263] : memref<64x64x16xf32, #tpu.memory_space<vmem>>, vector<1x64x16xf32>
    %get3A_1265 = vector.shape_cast %get3A_1264 : vector<1x64x16xf32> to vector<64x16xf32>
    %dot_general3A_1266 = arith.constant dense<0.000000e+00> : vector<64x256xf32>
    %dot_general3A_1267 = tpu.matmul %get3A_1265, %get3A_1, %dot_general3A_1266 {dimension_numbers = #tpu.dot_dimension_numbers<[1], [0], [0], [1], [0, 0, 1, 1], [], []>, transpose_lhs_hint = false} : vector<64x16xf32>, vector<16x256xf32>, vector<64x256xf32> -> vector<64x256xf32>
    %get3A_1268 = arith.constant 60 : index
    %get3A_1269 = arith.constant 0 : index
    %get3A_1270 = arith.constant 0 : index
    %get3A_1271 = vector.load %arg5[%get3A_1268, %get3A_1269, %get3A_1270] : memref<64x64x1xf32, #tpu.memory_space<vmem>>, vector<1x64x1xf32>
    %get3A_1272 = vector.shape_cast %get3A_1271 : vector<1x64x1xf32> to vector<64x1xf32>
    %add3A_1273 = vector.broadcast %get3A_1272 : vector<64x1xf32> to vector<64x256xf32>
    %add3A_1274 = arith.addf %dot_general3A_1267, %add3A_1273 : vector<64x256xf32>
    %max3A_1275 = arith.constant 0.000000e+00 : f32
    %max3A_1276 = vector.broadcast %max3A_1275 : f32 to vector<64x256xf32>
    %max3A_1277 = arith.maximumf %add3A_1274, %max3A_1276 : vector<64x256xf32>
    %slice3A_1278 = vector.extract_strided_slice %transpose3A {offsets = [60, 0], sizes = [1, 256], strides = [1, 1]} : vector<64x256xf32> to vector<1x256xf32>
    %mul3A_1279 = vector.broadcast %slice3A_1278 : vector<1x256xf32> to vector<64x256xf32>
    %mul3A_1280 = arith.mulf %mul3A_1279, %max3A_1277 : vector<64x256xf32>
    %add3A_1281 = arith.addf %add3A_1260, %mul3A_1280 : vector<64x256xf32>
    %get3A_1282 = arith.constant 61 : index
    %get3A_1283 = arith.constant 0 : index
    %get3A_1284 = arith.constant 0 : index
    %get3A_1285 = vector.load %arg4[%get3A_1282, %get3A_1283, %get3A_1284] : memref<64x64x16xf32, #tpu.memory_space<vmem>>, vector<1x64x16xf32>
    %get3A_1286 = vector.shape_cast %get3A_1285 : vector<1x64x16xf32> to vector<64x16xf32>
    %dot_general3A_1287 = arith.constant dense<0.000000e+00> : vector<64x256xf32>
    %dot_general3A_1288 = tpu.matmul %get3A_1286, %get3A_1, %dot_general3A_1287 {dimension_numbers = #tpu.dot_dimension_numbers<[1], [0], [0], [1], [0, 0, 1, 1], [], []>, transpose_lhs_hint = false} : vector<64x16xf32>, vector<16x256xf32>, vector<64x256xf32> -> vector<64x256xf32>
    %get3A_1289 = arith.constant 61 : index
    %get3A_1290 = arith.constant 0 : index
    %get3A_1291 = arith.constant 0 : index
    %get3A_1292 = vector.load %arg5[%get3A_1289, %get3A_1290, %get3A_1291] : memref<64x64x1xf32, #tpu.memory_space<vmem>>, vector<1x64x1xf32>
    %get3A_1293 = vector.shape_cast %get3A_1292 : vector<1x64x1xf32> to vector<64x1xf32>
    %add3A_1294 = vector.broadcast %get3A_1293 : vector<64x1xf32> to vector<64x256xf32>
    %add3A_1295 = arith.addf %dot_general3A_1288, %add3A_1294 : vector<64x256xf32>
    %max3A_1296 = arith.constant 0.000000e+00 : f32
    %max3A_1297 = vector.broadcast %max3A_1296 : f32 to vector<64x256xf32>
    %max3A_1298 = arith.maximumf %add3A_1295, %max3A_1297 : vector<64x256xf32>
    %slice3A_1299 = vector.extract_strided_slice %transpose3A {offsets = [61, 0], sizes = [1, 256], strides = [1, 1]} : vector<64x256xf32> to vector<1x256xf32>
    %mul3A_1300 = vector.broadcast %slice3A_1299 : vector<1x256xf32> to vector<64x256xf32>
    %mul3A_1301 = arith.mulf %mul3A_1300, %max3A_1298 : vector<64x256xf32>
    %add3A_1302 = arith.addf %add3A_1281, %mul3A_1301 : vector<64x256xf32>
    %get3A_1303 = arith.constant 62 : index
    %get3A_1304 = arith.constant 0 : index
    %get3A_1305 = arith.constant 0 : index
    %get3A_1306 = vector.load %arg4[%get3A_1303, %get3A_1304, %get3A_1305] : memref<64x64x16xf32, #tpu.memory_space<vmem>>, vector<1x64x16xf32>
    %get3A_1307 = vector.shape_cast %get3A_1306 : vector<1x64x16xf32> to vector<64x16xf32>
    %dot_general3A_1308 = arith.constant dense<0.000000e+00> : vector<64x256xf32>
    %dot_general3A_1309 = tpu.matmul %get3A_1307, %get3A_1, %dot_general3A_1308 {dimension_numbers = #tpu.dot_dimension_numbers<[1], [0], [0], [1], [0, 0, 1, 1], [], []>, transpose_lhs_hint = false} : vector<64x16xf32>, vector<16x256xf32>, vector<64x256xf32> -> vector<64x256xf32>
    %get3A_1310 = arith.constant 62 : index
    %get3A_1311 = arith.constant 0 : index
    %get3A_1312 = arith.constant 0 : index
    %get3A_1313 = vector.load %arg5[%get3A_1310, %get3A_1311, %get3A_1312] : memref<64x64x1xf32, #tpu.memory_space<vmem>>, vector<1x64x1xf32>
    %get3A_1314 = vector.shape_cast %get3A_1313 : vector<1x64x1xf32> to vector<64x1xf32>
    %add3A_1315 = vector.broadcast %get3A_1314 : vector<64x1xf32> to vector<64x256xf32>
    %add3A_1316 = arith.addf %dot_general3A_1309, %add3A_1315 : vector<64x256xf32>
    %max3A_1317 = arith.constant 0.000000e+00 : f32
    %max3A_1318 = vector.broadcast %max3A_1317 : f32 to vector<64x256xf32>
    %max3A_1319 = arith.maximumf %add3A_1316, %max3A_1318 : vector<64x256xf32>
    %slice3A_1320 = vector.extract_strided_slice %transpose3A {offsets = [62, 0], sizes = [1, 256], strides = [1, 1]} : vector<64x256xf32> to vector<1x256xf32>
    %mul3A_1321 = vector.broadcast %slice3A_1320 : vector<1x256xf32> to vector<64x256xf32>
    %mul3A_1322 = arith.mulf %mul3A_1321, %max3A_1319 : vector<64x256xf32>
    %add3A_1323 = arith.addf %add3A_1302, %mul3A_1322 : vector<64x256xf32>
    %get3A_1324 = arith.constant 63 : index
    %get3A_1325 = arith.constant 0 : index
    %get3A_1326 = arith.constant 0 : index
    %get3A_1327 = vector.load %arg4[%get3A_1324, %get3A_1325, %get3A_1326] : memref<64x64x16xf32, #tpu.memory_space<vmem>>, vector<1x64x16xf32>
    %get3A_1328 = vector.shape_cast %get3A_1327 : vector<1x64x16xf32> to vector<64x16xf32>
    %dot_general3A_1329 = arith.constant dense<0.000000e+00> : vector<64x256xf32>
    %dot_general3A_1330 = tpu.matmul %get3A_1328, %get3A_1, %dot_general3A_1329 {dimension_numbers = #tpu.dot_dimension_numbers<[1], [0], [0], [1], [0, 0, 1, 1], [], []>, transpose_lhs_hint = false} : vector<64x16xf32>, vector<16x256xf32>, vector<64x256xf32> -> vector<64x256xf32>
    %get3A_1331 = arith.constant 63 : index
    %get3A_1332 = arith.constant 0 : index
    %get3A_1333 = arith.constant 0 : index
    %get3A_1334 = vector.load %arg5[%get3A_1331, %get3A_1332, %get3A_1333] : memref<64x64x1xf32, #tpu.memory_space<vmem>>, vector<1x64x1xf32>
    %get3A_1335 = vector.shape_cast %get3A_1334 : vector<1x64x1xf32> to vector<64x1xf32>
    %add3A_1336 = vector.broadcast %get3A_1335 : vector<64x1xf32> to vector<64x256xf32>
    %add3A_1337 = arith.addf %dot_general3A_1330, %add3A_1336 : vector<64x256xf32>
    %max3A_1338 = arith.constant 0.000000e+00 : f32
    %max3A_1339 = vector.broadcast %max3A_1338 : f32 to vector<64x256xf32>
    %max3A_1340 = arith.maximumf %add3A_1337, %max3A_1339 : vector<64x256xf32>
    %slice3A_1341 = vector.extract_strided_slice %transpose3A {offsets = [63, 0], sizes = [1, 256], strides = [1, 1]} : vector<64x256xf32> to vector<1x256xf32>
    %mul3A_1342 = vector.broadcast %slice3A_1341 : vector<1x256xf32> to vector<64x256xf32>
    %mul3A_1343 = arith.mulf %mul3A_1342, %max3A_1340 : vector<64x256xf32>
    %add3A_1344 = arith.addf %add3A_1323, %mul3A_1343 : vector<64x256xf32>
    %transpose3A_1345 = tpu.transpose %add3A_1344, [1, 0] : vector<64x256xf32> -> vector<256x64xf32>
    %get3A_1346 = arith.constant 0 : index
    %get3A_1347 = arith.constant 0 : index
    %get3A_1348 = vector.load %arg2[%get3A_1346, %get3A_1347] : memref<256x64xf32, #tpu.memory_space<vmem>>, vector<256x64xf32>
    %get3A_1349 = arith.constant 0 : index
    %get3A_1350 = arith.constant 0 : index
    %get3A_1351 = vector.load %arg8[%get3A_1349, %get3A_1350] : memref<64x1xf32, #tpu.memory_space<vmem>>, vector<64x1xf32>
    %dot_general3A_1352 = arith.constant dense<0.000000e+00> : vector<256x1xf32>
    %dot_general3A_1353 = tpu.matmul %get3A_1348, %get3A_1351, %dot_general3A_1352 {dimension_numbers = #tpu.dot_dimension_numbers<[1], [0], [0], [1], [0, 0, 1, 1], [], []>, transpose_lhs_hint = false} : vector<256x64xf32>, vector<64x1xf32>, vector<256x1xf32> -> vector<256x1xf32>
    %get3A_1354 = arith.constant 0 : index
    %get3A_1355 = arith.constant 0 : index
    %get3A_1356 = vector.load %arg9[%get3A_1354, %get3A_1355] : memref<64x1xf32, #tpu.memory_space<vmem>>, vector<64x1xf32>
    %dot_general3A_1357 = arith.constant dense<0.000000e+00> : vector<256x1xf32>
    %dot_general3A_1358 = tpu.matmul %transpose3A_1345, %get3A_1356, %dot_general3A_1357 {dimension_numbers = #tpu.dot_dimension_numbers<[1], [0], [0], [1], [0, 0, 1, 1], [], []>, transpose_lhs_hint = false} : vector<256x64xf32>, vector<64x1xf32>, vector<256x1xf32> -> vector<256x1xf32>
    %add3A_1359 = arith.addf %dot_general3A_1353, %dot_general3A_1358 : vector<256x1xf32>
    %get3A_1360 = arith.constant 0 : index
    %get3A_1361 = arith.constant 0 : index
    %get3A_1362 = vector.load %arg10[%get3A_1360, %get3A_1361] : memref<1x1xf32, #tpu.memory_space<vmem>>, vector<1x1xf32>
    %add3A_1363 = vector.broadcast %get3A_1362 : vector<1x1xf32> to vector<256x1xf32>
    %add3A_1364 = arith.addf %add3A_1359, %add3A_1363 : vector<256x1xf32>
    %ge3A = arith.constant 0.000000e+00 : f32
    %ge3A_1365 = vector.broadcast %ge3A : f32 to vector<256x1xf32>
    %ge3A_1366 = arith.cmpf oge, %add3A_1364, %ge3A_1365 : vector<256x1xf32>
    %mul3A_1367 = arith.constant 0.00999999977 : f32
    %mul3A_1368 = vector.broadcast %mul3A_1367 : f32 to vector<256x1xf32>
    %mul3A_1369 = arith.mulf %mul3A_1368, %add3A_1364 : vector<256x1xf32>
    %select_n3A = arith.select %ge3A_1366, %add3A_1364, %mul3A_1369 : vector<256x1xi1>, vector<256x1xf32>
    %exp3A = math.exp %select_n3A : vector<256x1xf32>
    %get3A_1370 = arith.constant 0 : index
    %get3A_1371 = arith.constant 0 : index
    %get3A_1372 = vector.load %arg6[%get3A_1370, %get3A_1371] : memref<64x64xf32, #tpu.memory_space<vmem>>, vector<64x64xf32>
    %dot_general3A_1373 = arith.constant dense<0.000000e+00> : vector<256x64xf32>
    %dot_general3A_1374 = tpu.matmul %transpose3A_1345, %get3A_1372, %dot_general3A_1373 {dimension_numbers = #tpu.dot_dimension_numbers<[1], [0], [0], [1], [0, 0, 1, 1], [], []>, transpose_lhs_hint = false} : vector<256x64xf32>, vector<64x64xf32>, vector<256x64xf32> -> vector<256x64xf32>
    %get3A_1375 = arith.constant 0 : index
    %get3A_1376 = arith.constant 0 : index
    %get3A_1377 = vector.load %arg7[%get3A_1375, %get3A_1376] : memref<1x64xf32, #tpu.memory_space<vmem>>, vector<1x64xf32>
    %add3A_1378 = vector.broadcast %get3A_1377 : vector<1x64xf32> to vector<256x64xf32>
    %add3A_1379 = arith.addf %dot_general3A_1374, %add3A_1378 : vector<256x64xf32>
    %mul3A_1380 = vector.broadcast %exp3A : vector<256x1xf32> to vector<256x64xf32>
    %mul3A_1381 = arith.mulf %mul3A_1380, %add3A_1379 : vector<256x64xf32>
    %swap3A = arith.constant 0 : index
    %swap3A_1382 = arith.constant 0 : index
    %swap3A_1383 = vector.load %arg11[%swap3A, %swap3A_1382] : memref<256x80xf32, #tpu.memory_space<vmem>>, vector<256x64xf32>
    tpu.vector_store %arg11[%swap3A, %swap3A_1382], %mul3A_1381 {strides = array<i32>} : memref<256x80xf32, #tpu.memory_space<vmem>>, vector<256x64xf32>,
    %broadcast_in_dim3A_1384 = vector.shape_cast %exp3A : vector<256x1xf32> to vector<256x1xf32>
    %broadcast_in_dim3A_1385 = vector.broadcast %broadcast_in_dim3A_1384 : vector<256x1xf32> to vector<256x16xf32>
    %swap3A_1386 = arith.constant 0 : index
    %swap3A_1387 = arith.constant 64 : index
    %swap3A_1388 = vector.load %arg11[%swap3A_1386, %swap3A_1387] : memref<256x80xf32, #tpu.memory_space<vmem>>, vector<256x16xf32>
    tpu.vector_store %arg11[%swap3A_1386, %swap3A_1387], %broadcast_in_dim3A_1385 {strides = array<i32>} : memref<256x80xf32, #tpu.memory_space<vmem>>, vector<256x16xf32>,
    return
  }
  func.func @transform_0(%arg0: i32) -> (i32, i32) {
    %c0_i32 = arith.constant 0 : i32
    %c0_i32_0 = arith.constant 0 : i32
    return %c0_i32, %arg0 : i32, i32
  }
  func.func @transform_1(%arg0: i32) -> (i32, i32) {
    %c0_i32 = arith.constant 0 : i32
    %c0_i32_0 = arith.constant 0 : i32
    return %arg0, %c0_i32 : i32, i32
  }
  func.func @transform_2(%arg0: i32) -> (i32, i32) {
    %c0_i32 = arith.constant 0 : i32
    %c0_i32_0 = arith.constant 0 : i32
    return %arg0, %c0_i32 : i32, i32
  }
  func.func @transform_3(%arg0: i32) -> (i32, i32, i32) {
    %c0_i32 = arith.constant 0 : i32
    %c0_i32_0 = arith.constant 0 : i32
    %c0_i32_1 = arith.constant 0 : i32
    %c0_i32_2 = arith.constant 0 : i32
    return %c0_i32, %c0_i32_0, %c0_i32_1 : i32, i32, i32
  }
  func.func @transform_4(%arg0: i32) -> (i32, i32, i32) {
    %c0_i32 = arith.constant 0 : i32
    %c0_i32_0 = arith.constant 0 : i32
    %c0_i32_1 = arith.constant 0 : i32
    %c0_i32_2 = arith.constant 0 : i32
    return %c0_i32, %c0_i32_0, %c0_i32_1 : i32, i32, i32
  }
  func.func @transform_5(%arg0: i32) -> (i32, i32) {
    %c0_i32 = arith.constant 0 : i32
    %c0_i32_0 = arith.constant 0 : i32
    %c0_i32_1 = arith.constant 0 : i32
    return %c0_i32, %c0_i32_0 : i32, i32
  }
  func.func @transform_6(%arg0: i32) -> (i32, i32) {
    %c0_i32 = arith.constant 0 : i32
    %c0_i32_0 = arith.constant 0 : i32
    %c0_i32_1 = arith.constant 0 : i32
    return %c0_i32, %c0_i32_0 : i32, i32
  }
  func.func @transform_7(%arg0: i32) -> (i32, i32) {
    %c0_i32 = arith.constant 0 : i32
    %c0_i32_0 = arith.constant 0 : i32
    %c0_i32_1 = arith.constant 0 : i32
    return %c0_i32, %c0_i32_0 : i32, i32
  }
  func.func @transform_8(%arg0: i32) -> (i32, i32) {
    %c0_i32 = arith.constant 0 : i32
    %c0_i32_0 = arith.constant 0 : i32
    %c0_i32_1 = arith.constant 0 : i32
    return %c0_i32, %c0_i32_0 : i32, i32
  }
  func.func @transform_9(%arg0: i32) -> (i32, i32) {
    %c0_i32 = arith.constant 0 : i32
    %c0_i32_0 = arith.constant 0 : i32
    %c0_i32_1 = arith.constant 0 : i32
    return %c0_i32, %c0_i32_0 : i32, i32
  }
  func.func @transform_10(%arg0: i32) -> (i32, i32) {
    %c0_i32 = arith.constant 0 : i32
    %c0_i32_0 = arith.constant 0 : i32
    return %arg0, %c0_i32 : i32, i32
  }
}

module attributes {stable_mosaic.version = 14 : i64} {
  func.func @_node_body(%arg0: i32, %arg1: memref<1x1000x80xf32, #tpu.memory_space<vmem>>, %arg2: memref<1x1000x80xf32, #tpu.memory_space<vmem>>, %arg3: memref<1000x64xf32, #tpu.memory_space<vmem>>, %arg4: memref<64x192xf32, #tpu.memory_space<vmem>>, %arg5: memref<64x192xf32, #tpu.memory_space<vmem>>, %arg6: memref<1x192xf32, #tpu.memory_space<vmem>>, %arg7: memref<1x192xf32, #tpu.memory_space<vmem>>, %arg8: memref<1000x64xf32, #tpu.memory_space<vmem>>) attributes {dimension_semantics = [#tpu.dimension_semantics<arbitrary>], iteration_bounds = array<i64: 10>, scalar_prefetch = 0 : i64, scratch_operands = 0 : i64, tpu.core_type = #tpu.core_type<tc>, window_params = [{transform_indices = @transform_0, window_bounds = array<i64: 1, 1000, 80>}, {transform_indices = @transform_1, window_bounds = array<i64: 1, 1000, 80>}, {transform_indices = @transform_2, window_bounds = array<i64: 1000, 64>}, {pipeline_mode = #tpu.pipeline_mode<synchronous>, transform_indices = @transform_3, window_bounds = array<i64: 64, 192>}, {pipeline_mode = #tpu.pipeline_mode<synchronous>, transform_indices = @transform_4, window_bounds = array<i64: 64, 192>}, {pipeline_mode = #tpu.pipeline_mode<synchronous>, transform_indices = @transform_5, window_bounds = array<i64: 1, 192>}, {pipeline_mode = #tpu.pipeline_mode<synchronous>, transform_indices = @transform_6, window_bounds = array<i64: 1, 192>}, {transform_indices = @transform_7, window_bounds = array<i64: 1000, 64>}]} {
    %get3A = arith.constant 0 : index
    %get3A_0 = arith.constant 0 : index
    %get3A_1 = arith.constant 0 : index
    %get3A_2 = vector.load %arg1[%get3A, %get3A_0, %get3A_1] : memref<1x1000x80xf32, #tpu.memory_space<vmem>>, vector<1x1000x64xf32>
    %get3A_3 = vector.shape_cast %get3A_2 : vector<1x1000x64xf32> to vector<1000x64xf32>
    %get3A_4 = arith.constant 0 : index
    %get3A_5 = arith.constant 0 : index
    %get3A_6 = arith.constant 0 : index
    %get3A_7 = vector.load %arg2[%get3A_4, %get3A_5, %get3A_6] : memref<1x1000x80xf32, #tpu.memory_space<vmem>>, vector<1x1000x64xf32>
    %get3A_8 = vector.shape_cast %get3A_7 : vector<1x1000x64xf32> to vector<1000x64xf32>
    %add3A = arith.addf %get3A_3, %get3A_8 : vector<1000x64xf32>
    %get3A_9 = arith.constant 0 : index
    %get3A_10 = arith.constant 0 : index
    %get3A_11 = arith.constant 64 : index
    %get3A_12 = vector.load %arg1[%get3A_9, %get3A_10, %get3A_11] : memref<1x1000x80xf32, #tpu.memory_space<vmem>>, vector<1x1000x1xf32>
    %get3A_13 = vector.shape_cast %get3A_12 : vector<1x1000x1xf32> to vector<1000x1xf32>
    %get3A_14 = arith.constant 0 : index
    %get3A_15 = arith.constant 0 : index
    %get3A_16 = arith.constant 64 : index
    %get3A_17 = vector.load %arg2[%get3A_14, %get3A_15, %get3A_16] : memref<1x1000x80xf32, #tpu.memory_space<vmem>>, vector<1x1000x1xf32>
    %get3A_18 = vector.shape_cast %get3A_17 : vector<1x1000x1xf32> to vector<1000x1xf32>
    %add3A_19 = arith.addf %get3A_13, %get3A_18 : vector<1000x1xf32>
    %add3A_20 = arith.constant 9.99999993E-9 : f32
    %add3A_21 = vector.broadcast %add3A_20 : f32 to vector<1000x1xf32>
    %add3A_22 = arith.addf %add3A_19, %add3A_21 : vector<1000x1xf32>
    %div3A = vector.broadcast %add3A_22 : vector<1000x1xf32> to vector<1000x64xf32>
    %div3A_23 = arith.divf %add3A, %div3A : vector<1000x64xf32>
    %gt3A = arith.constant 0.000000e+00 : f32
    %gt3A_24 = vector.broadcast %gt3A : f32 to vector<1000x64xf32>
    %gt3A_25 = arith.cmpf ogt, %div3A_23, %gt3A_24 : vector<1000x64xf32>
    %min3A = arith.constant 0.000000e+00 : f32
    %min3A_26 = vector.broadcast %min3A : f32 to vector<1000x64xf32>
    %min3A_27 = arith.minimumf %div3A_23, %min3A_26 : vector<1000x64xf32>
    %exp3A = math.exp %min3A_27 : vector<1000x64xf32>
    %sub3A = arith.constant 1.000000e+00 : f32
    %sub3A_28 = vector.broadcast %sub3A : f32 to vector<1000x64xf32>
    %sub3A_29 = arith.subf %exp3A, %sub3A_28 : vector<1000x64xf32>
    %select_n3A = arith.select %gt3A_25, %div3A_23, %sub3A_29 : vector<1000x64xi1>, vector<1000x64xf32>
    %get3A_30 = arith.constant 0 : index
    %get3A_31 = arith.constant 0 : index
    %get3A_32 = vector.load %arg3[%get3A_30, %get3A_31] : memref<1000x64xf32, #tpu.memory_space<vmem>>, vector<1000x64xf32>
    %get3A_33 = arith.constant 0 : index
    %get3A_34 = arith.constant 0 : index
    %get3A_35 = vector.load %arg4[%get3A_33, %get3A_34] : memref<64x192xf32, #tpu.memory_space<vmem>>, vector<64x192xf32>
    %dot_general3A = arith.constant dense<0.000000e+00> : vector<1000x192xf32>
    %dot_general3A_36 = tpu.matmul %select_n3A, %get3A_35, %dot_general3A {dimension_numbers = #tpu.dot_dimension_numbers<[1], [0], [0], [1], [0, 0, 1, 1], [], []>, transpose_lhs_hint = false} : vector<1000x64xf32>, vector<64x192xf32>, vector<1000x192xf32> -> vector<1000x192xf32>
    %get3A_37 = arith.constant 0 : index
    %get3A_38 = arith.constant 0 : index
    %get3A_39 = vector.load %arg6[%get3A_37, %get3A_38] : memref<1x192xf32, #tpu.memory_space<vmem>>, vector<1x192xf32>
    %add3A_40 = vector.broadcast %get3A_39 : vector<1x192xf32> to vector<1000x192xf32>
    %add3A_41 = arith.addf %dot_general3A_36, %add3A_40 : vector<1000x192xf32>
    %get3A_42 = arith.constant 0 : index
    %get3A_43 = arith.constant 0 : index
    %get3A_44 = vector.load %arg5[%get3A_42, %get3A_43] : memref<64x192xf32, #tpu.memory_space<vmem>>, vector<64x192xf32>
    %dot_general3A_45 = arith.constant dense<0.000000e+00> : vector<1000x192xf32>
    %dot_general3A_46 = tpu.matmul %get3A_32, %get3A_44, %dot_general3A_45 {dimension_numbers = #tpu.dot_dimension_numbers<[1], [0], [0], [1], [0, 0, 1, 1], [], []>, transpose_lhs_hint = false} : vector<1000x64xf32>, vector<64x192xf32>, vector<1000x192xf32> -> vector<1000x192xf32>
    %get3A_47 = arith.constant 0 : index
    %get3A_48 = arith.constant 0 : index
    %get3A_49 = vector.load %arg7[%get3A_47, %get3A_48] : memref<1x192xf32, #tpu.memory_space<vmem>>, vector<1x192xf32>
    %add3A_50 = vector.broadcast %get3A_49 : vector<1x192xf32> to vector<1000x192xf32>
    %add3A_51 = arith.addf %dot_general3A_46, %add3A_50 : vector<1000x192xf32>
    %slice3A = vector.extract_strided_slice %add3A_41 {offsets = [0, 0], sizes = [1000, 64], strides = [1, 1]} : vector<1000x192xf32> to vector<1000x64xf32>
    %slice3A_52 = vector.extract_strided_slice %add3A_51 {offsets = [0, 0], sizes = [1000, 64], strides = [1, 1]} : vector<1000x192xf32> to vector<1000x64xf32>
    %add3A_53 = arith.addf %slice3A, %slice3A_52 : vector<1000x64xf32>
    %logistic3A = arith.negf %add3A_53 : vector<1000x64xf32>
    %logistic3A_54 = math.exp %logistic3A : vector<1000x64xf32>
    %logistic3A_55 = arith.constant 1.000000e+00 : f32
    %logistic3A_56 = vector.broadcast %logistic3A_55 : f32 to vector<1000x64xf32>
    %logistic3A_57 = arith.addf %logistic3A_56, %logistic3A_54 : vector<1000x64xf32>
    %logistic3A_58 = arith.divf %logistic3A_56, %logistic3A_57 : vector<1000x64xf32>
    %slice3A_59 = vector.extract_strided_slice %add3A_41 {offsets = [0, 64], sizes = [1000, 64], strides = [1, 1]} : vector<1000x192xf32> to vector<1000x64xf32>
    %slice3A_60 = vector.extract_strided_slice %add3A_51 {offsets = [0, 64], sizes = [1000, 64], strides = [1, 1]} : vector<1000x192xf32> to vector<1000x64xf32>
    %add3A_61 = arith.addf %slice3A_59, %slice3A_60 : vector<1000x64xf32>
    %logistic3A_62 = arith.negf %add3A_61 : vector<1000x64xf32>
    %logistic3A_63 = math.exp %logistic3A_62 : vector<1000x64xf32>
    %logistic3A_64 = arith.constant 1.000000e+00 : f32
    %logistic3A_65 = vector.broadcast %logistic3A_64 : f32 to vector<1000x64xf32>
    %logistic3A_66 = arith.addf %logistic3A_65, %logistic3A_63 : vector<1000x64xf32>
    %logistic3A_67 = arith.divf %logistic3A_65, %logistic3A_66 : vector<1000x64xf32>
    %slice3A_68 = vector.extract_strided_slice %add3A_41 {offsets = [0, 128], sizes = [1000, 64], strides = [1, 1]} : vector<1000x192xf32> to vector<1000x64xf32>
    %slice3A_69 = vector.extract_strided_slice %add3A_51 {offsets = [0, 128], sizes = [1000, 64], strides = [1, 1]} : vector<1000x192xf32> to vector<1000x64xf32>
    %mul3A = arith.mulf %logistic3A_58, %slice3A_69 : vector<1000x64xf32>
    %add3A_70 = arith.addf %slice3A_68, %mul3A : vector<1000x64xf32>
    %tanh3A = math.tanh %add3A_70 : vector<1000x64xf32>
    %sub3A_71 = arith.constant 1.000000e+00 : f32
    %sub3A_72 = vector.broadcast %sub3A_71 : f32 to vector<1000x64xf32>
    %sub3A_73 = arith.subf %sub3A_72, %logistic3A_67 : vector<1000x64xf32>
    %mul3A_74 = arith.mulf %sub3A_73, %tanh3A : vector<1000x64xf32>
    %mul3A_75 = arith.mulf %logistic3A_67, %get3A_32 : vector<1000x64xf32>
    %add3A_76 = arith.addf %mul3A_74, %mul3A_75 : vector<1000x64xf32>
    %swap3A = arith.constant 0 : index
    %swap3A_77 = arith.constant 0 : index
    %swap3A_78 = vector.load %arg8[%swap3A, %swap3A_77] : memref<1000x64xf32, #tpu.memory_space<vmem>>, vector<1000x64xf32>
    tpu.vector_store %arg8[%swap3A, %swap3A_77], %add3A_76 {strides = array<i32>} : memref<1000x64xf32, #tpu.memory_space<vmem>>, vector<1000x64xf32>,
    return
  }
  func.func @transform_0(%arg0: i32) -> (i32, i32, i32) {
    %c0_i32 = arith.constant 0 : i32
    %c0_i32_0 = arith.constant 0 : i32
    %c0_i32_1 = arith.constant 0 : i32
    return %c0_i32, %arg0, %c0_i32_0 : i32, i32, i32
  }
  func.func @transform_1(%arg0: i32) -> (i32, i32, i32) {
    %c1_i32 = arith.constant 1 : i32
    %c0_i32 = arith.constant 0 : i32
    %c0_i32_0 = arith.constant 0 : i32
    return %c1_i32, %arg0, %c0_i32 : i32, i32, i32
  }
  func.func @transform_2(%arg0: i32) -> (i32, i32) {
    %c0_i32 = arith.constant 0 : i32
    %c0_i32_0 = arith.constant 0 : i32
    return %arg0, %c0_i32 : i32, i32
  }
  func.func @transform_3(%arg0: i32) -> (i32, i32) {
    %c0_i32 = arith.constant 0 : i32
    %c0_i32_0 = arith.constant 0 : i32
    %c0_i32_1 = arith.constant 0 : i32
    return %c0_i32, %c0_i32_0 : i32, i32
  }
  func.func @transform_4(%arg0: i32) -> (i32, i32) {
    %c0_i32 = arith.constant 0 : i32
    %c0_i32_0 = arith.constant 0 : i32
    %c0_i32_1 = arith.constant 0 : i32
    return %c0_i32, %c0_i32_0 : i32, i32
  }
  func.func @transform_5(%arg0: i32) -> (i32, i32) {
    %c0_i32 = arith.constant 0 : i32
    %c0_i32_0 = arith.constant 0 : i32
    %c0_i32_1 = arith.constant 0 : i32
    return %c0_i32, %c0_i32_0 : i32, i32
  }
  func.func @transform_6(%arg0: i32) -> (i32, i32) {
    %c0_i32 = arith.constant 0 : i32
    %c0_i32_0 = arith.constant 0 : i32
    %c0_i32_1 = arith.constant 0 : i32
    return %c0_i32, %c0_i32_0 : i32, i32
  }
  func.func @transform_7(%arg0: i32) -> (i32, i32) {
    %c0_i32 = arith.constant 0 : i32
    %c0_i32_0 = arith.constant 0 : i32
    return %arg0, %c0_i32 : i32, i32
  }
}

</mosaic_0001>

<sc_bundles>
// kernel: kernel.6.cloned.1.call-start
scs
__scs_entry_jumppad:
0x0: {  	(pc) =	sbr.rel $0x88, $3  }
0x1: {  	(tag) =	ssettag $0x0;
	lr =	simm.s32 $0x1  }
0x2: {  	[smem:$0x3F8C] =	sst lr;
	_ =	strace $0xD0000000  }
0x3: {  	_ = 	snop  }
0x4: {  	_ = 	snop  }
0x5: {  	_ = 	snop  }
0x6: {  	_ = 	snop  }
0x7: {  	_ = 	snop  }
__scs_overlays_trampoline_lowered:
0x8: {  	[smem:$0x3F9B] =	sst s0  }
0x9: {  	[smem:$0x3F9C] =	sst s1  }
0xa: {  	[smem:$0x3F9D] =	sst s2  }
0xb: {  	[smem:$0x3F9E] =	sst s3  }
0xc: {  	[smem:$0x3F9F] =	sst s4  }
0xd: {  	[smem:$0x3FA0] =	sst s5  }
0xe: {  	[smem:$0x3FA1] =	sst s6  }
0xf: {  	[smem:$0x3FA2] =	sst s7  }
0x10: {  	[smem:$0x3FA3] =	sst s8  }
0x11: {  	[smem:$0x3FA4] =	sst s9;
	s0 =	simm.s32 @!p0 $0x0  }
0x12: {  	s1 =	sld [smem:$0x3F8A];
	s0 =	simm.s32 @p0 $0x1  }
0x13: {  	[smem:$0x3FA5] =	sst s0;
	s0 =	simm.s32 @!p1 $0x0  }
0x14: {  	s2 =	sld [smem:$0x3F89];
	s0 =	simm.s32 @p1 $0x1  }
0x15: {  	[smem:$0x3FA6] =	sst s0;
	s0 =	simm.s32 @!p2 $0x0  }
0x16: {  	s3 =	sld [smem:$0x3FDB];
	s0 =	simm.s32 @p2 $0x1  }
0x17: {  	s4 =	simm.s32 $0x1BF5;
	[smem:$0x3FA8] =	sst s0  }
0x18: {  	s0 =	sld [smem:$0x3F8B];
	_ =	swait.ge [sflag:s4], $0x0  }
0x19: {  	s7 =	sld [smem:$0x3F8C]  }
0x1a: {  	s8 =	sadd.s32 $0xFFFFE003, lr  }
0x1b: {  	s9 =	sadd.s32 $0xFFFFFEF7, lr;
	s5 =	simm.s32 $0xFFFFFFFF;
	p2 =	slt.u32 s8, $0xFFFFF086  }
0x1c: {  	p1 =	slt.u32 s9, $0xF7A;
	s5 =	simm.s32 @!p2 $0x0  }
0x1d: {  	s5 =	simm.s32 @p1 $0x1;
	p0 =	seq.s32 s7, s2  }
0x1e: {  	s7 =	smul.u32 @!p0 $0xF7A, s2;
	p2 =	seq.s32 @!p0 s5, $0x0  }
0x1f: {  	s9 =	smul.u32 $0xF7A, s1;
	s8 =	simm.s32 @!p0 $0x1BF5;
	p2 =	por !p2, p0  }
0x20: {  	[sflag:s8] =	ssyncset.s32 @!p0 $0xFFFFF086;
	s6 =	sadd.s32 @!p0 s3, s7;
	s7 =	simm.s32 @!p0 $0x108  }
0x21: {  	s3 =	sadd.s32 s3, s9;
	s6 =	sadd.s32 @!p0 $0x88, s6;
	s7 =	simm.s32 @p2 $0x1082  }
0x22: {  	[simem:s7], [sflag:s8] =	dma.local @!p0 [hbm:s6], $0xF7A  }
0x23: {  	s9 =	sor.u32 $0xD0000000, s2;
	s6 =	simm.s32 $0x108;
	_ =	swait.ge @!p0 [sflag:s8], $0x0  }
0x24: {  	s3 =	sadd.s32 $0x88, s3;
	s6 =	simm.s32 @!p1 $0x1082;
	[sflag:s4] =	ssyncset.s32 $0xFFFFF086  }
0x25: {  	[simem:s6], [sflag:s4] =	dma.local [hbm:s3], $0xF7A  }
0x26: {  	[smem:$0x3F8C] =	sst s1;
	(tag) =	ssettag s2;
	_ =	strace s9  }
0x27: {  	s1 =	sld [smem:$0x3F9C]  }
0x28: {  	s2 =	sld [smem:$0x3F9D]  }
0x29: {  	s4 =	sld [smem:$0x3F9F]  }
0x2a: {  	p0 =	seq.s32 s5, $0x0;
	s5 =	sld [smem:$0x3FA0]  }
0x2b: {  	s6 =	sld [smem:$0x3FA1]  }
0x2c: {  	s7 =	sld [smem:$0x3FA2]  }
0x2d: {  	s3 =	simm.s32 $0x108;
	s8 =	sld [smem:$0x3FA3]  }
0x2e: {  	s3 =	simm.s32 @!p0 $0x1082;
	s9 =	sld [smem:$0x3FA4]  }
0x2f: {  	lr =	sadd.s32 s0, s3;
	s0 =	sld [smem:$0x3F9B]  }
0x30: {  	s3 =	sld [smem:$0x3F9E]  }
0x31: {  	[smem:$0x3FA7] =	sst s10  }
0x32: {  	s10 =	sld [smem:$0x3FA5];
	_ =	sdelay $0x3  }
0x33: {  	p0 =	seq.s32 s10, $0x1;
	s10 =	sld [smem:$0x3FA7];
	_ =	sdelay $0x3  }
0x34: {  	[smem:$0x3FA7] =	sst s10  }
0x35: {  	s10 =	sld [smem:$0x3FA6];
	_ =	sdelay $0x3  }
0x36: {  	p1 =	seq.s32 s10, $0x1;
	s10 =	sld [smem:$0x3FA7];
	_ =	sdelay $0x3  }
0x37: {  	[smem:$0x3FA7] =	sst s10  }
0x38: {  	s10 =	sld [smem:$0x3FA8]  }
0x39: {  	_ = 	snop;
	(pc) =	sbr.ind lr, $3  }
0x3a: {  	_ = 	snop  }
0x3b: {  	_ = 	snop  }
0x3c: {  	p2 =	seq.s32 s10, $0x1;
	s10 =	sld [smem:$0x3FA7]  }
0x3d: {  	_ =	shalt  }
0x3e: {  	_ =	shalt  }
0x3f: {  	_ =	shalt  }
0x40: {  	_ =	shalt  }
0x41: {  	_ =	shalt  }
0x42: {  	_ =	shalt  }
0x43: {  	_ =	shalt  }
0x44: {  	_ =	shalt  }
0x45: {  	_ =	shalt  }
0x46: {  	_ =	shalt  }
0x47: {  	_ =	shalt  }
0x48: {  	_ =	shalt  }
0x49: {  	_ =	shalt  }
0x4a: {  	_ =	shalt  }
0x4b: {  	_ =	shalt  }
0x4c: {  	_ =	shalt  }
0x4d: {  	_ =	shalt  }
0x4e: {  	_ =	shalt  }
0x4f: {  	_ =	shalt  }
0x50: {  	_ =	shalt  }
0x51: {  	_ =	shalt  }
0x52: {  	_ =	shalt  }
0x53: {  	_ =	shalt  }
0x54: {  	_ =	shalt  }
0x55: {  	_ =	shalt  }
0x56: {  	_ =	shalt  }
0x57: {  	_ =	shalt  }
0x58: {  	_ =	shalt  }
0x59: {  	_ =	shalt  }
0x5a: {  	_ =	shalt  }
0x5b: {  	_ =	shalt  }
0x5c: {  	_ =	shalt  }
0x5d: {  	_ =	shalt  }
0x5e: {  	_ =	shalt  }
0x5f: {  	_ =	shalt  }
0x60: {  	_ =	shalt  }
0x61: {  	_ =	shalt  }
0x62: {  	_ =	shalt  }
0x63: {  	_ =	shalt  }
0x64: {  	_ =	shalt  }
0x65: {  	_ =	shalt  }
0x66: {  	_ =	shalt  }
0x67: {  	_ =	shalt  }
0x68: {  	_ =	shalt  }
0x69: {  	_ =	shalt  }
0x6a: {  	_ =	shalt  }
0x6b: {  	_ =	shalt  }
0x6c: {  	_ =	shalt  }
0x6d: {  	_ =	shalt  }
0x6e: {  	_ =	shalt  }
0x6f: {  	_ =	shalt  }
0x70: {  	_ =	shalt  }
0x71: {  	_ =	shalt  }
0x72: {  	_ =	shalt  }
0x73: {  	_ =	shalt  }
0x74: {  	_ =	shalt  }
0x75: {  	_ =	shalt  }
0x76: {  	_ =	shalt  }
0x77: {  	_ =	shalt  }
0x78: {  	_ =	shalt  }
0x79: {  	_ =	shalt  }
0x7a: {  	_ =	shalt  }
0x7b: {  	_ =	shalt  }
0x7c: {  	_ =	shalt  }
0x7d: {  	_ =	shalt  }
0x7e: {  	_ =	shalt  }
0x7f: {  	_ =	shalt  }
0x80: {  	_ =	shalt  }
0x81: {  	_ =	shalt  }
0x82: {  	_ =	shalt  }
0x83: {  	_ =	shalt  }
0x84: {  	_ =	shalt  }
0x85: {  	_ =	shalt  }
0x86: {  	_ =	shalt  }
0x87: {  	_ =	shalt  }
.Lfunc_end0:
.L_simem_size_0:
called_computation_lowered:
.L_overlay_start_0:
0x88: {  	s2 =	sld [smem:$0x3FD9]  }
0x89: {  	s3 =	sld [smem:$0x3FFE];
	_ =	sdelay $0x1  }
0x8a: {  	s1 =	srdreg.scid  }
0x8b: {  	s0 =	sand.u32 $0x1, s1  }
0x8c: {  	s17 =	sshll.u32 s0, $0xA;
	s2 =	sadd.s32 s3, s2  }
0x8d: {  	s2 =	sadd.s32 s2, s17  }
0x8e: {  	[smem:$0x3FB3] =	sst s2  }
0x8f: {  	_ = 	snop  }
0x90: {  	s2 =	sld [smem:$0x3FD0];
	(tm) =	ssettm $0x1  }
0x91: {  	s18 =	sld [smem:$0x3FFB];
	_ =	sdelay $0x3  }
0x92: {  	_ =	strace s18  }
0x93: {  	s3 =	sld [smem:$0x3FFC];
	_ =	sdelay $0x3  }
0x94: {  	_ =	strace s3  }
0x95: {  	s3 =	sld [smem:$0x3FFD];
	_ =	sdelay $0x3  }
0x96: {  	_ =	strace s3  }
0x97: {  	_ =	strace $0x8FFFFFFF  }
0x98: {  	s19 =	sld [smem:$0x3FDB];
	_ =	sdelay $0x1  }
0x99: {  	s4 =	simm.s32 $_scs_section_size  }
0x9a: {  	s5 =	simm.s32 $_size__tile_overlayer_lowered;
	s6 =	simm.s32 $_tile_overlayer_lowered  }
0x9b: {  	s22 =	simm.s32 $0x1BFF;
	s21 =	sshll.u32 s6, $0x1;
	s3 =	sadd.s32 s4, s19  }
0x9c: {  	s7 =	simm.s32 $0x0;
	s20 =	sshll.u32 s5, $0x1;
	s5 =	sadd.s32 s21, s3  }
0x9d: {  	[timem:s7], [sflag:s22] =	dma.local [hbm:s5], s20  }
0x9e: {  	_ =	swait.ge [sflag:s22], s20  }
0x9f: {  	s4 =	ssub.s32 $0x0, s20;
	[sflag:s22] =	ssyncset.done $0x0  }
0xa0: {  	[sflag:s22] =	ssyncadd.s32 s4;
	_ =	sdelay $0x1  }
0xa1: {  	s23 =	simm.s32 $0x1B8B  }
0xa2: {  	_ =	swait.ge [sflag:s23], $0x1  }
0xa3: {  	[sflag:s23] =	ssyncset.done $0x0  }
0xa4: {  	s25 =	simm.s32 $0x1B8E;
	s24 =	sld [smem:$0x3FFE];
	[sflag:s23] =	ssyncadd.s32 $0xFFFFFFFF  }
0xa5: {  	s26 =	simm.s32 $execute0_lowered;
	[smem:$0x3FD2] =	sst s25  }
0xa6: {  	s5 =	sshll.u32 s26, $0x1;
	_ =	strace $0x80000046;
	[dreg:$0x1] =	wrdreg $0xFFFFFFFF  }
0xa7: {  	s28 =	simm.s32 $_size_execute0_lowered;
	s3 =	sadd.s32 s3, s5;
	[dreg:$0x0] =	wrdreg $0x0  }
0xa8: {  	s5 =	sshll.u32 s28, $0x1;
	[dreg:$0x2] =	wrdreg s3  }
0xa9: {  	[dreg:$0x3] =	wrdreg s5  }
0xaa: {  	[dreg:$0x4] =	wrdreg $0xC0  }
0xab: {  	_ =	task [dreg:s7], $0x5FFFF  }
0xac: {  	[dreg:$0x1] =	wrdreg $0xFFFFFFFF  }
0xad: {  	[dreg:$0x0] =	wrdreg $0x60  }
0xae: {  	[dreg:$0x2] =	wrdreg s2  }
0xaf: {  	[dreg:$0x3] =	wrdreg s24  }
0xb0: {  	[dreg:$0x4] =	wrdreg $0x9  }
0xb1: {  	_ =	task.clear_ibuf [dreg:s7], $0x5FFFF;
	_ =	strace $0x90000046  }
0xb2: {  	s29 =	simm.s32 $0x9;
	_ =	strace $0x80000048  }
0xb3: {  	_ =	swait.ge [sflag:s29], $0x1  }
0xb4: {  	[sflag:s29] =	ssyncadd.s32 $0xFFFFFFFF  }
0xb5: {  	_ =	strace $0x90000048  }
0xb6: {  	_ =	sfence  }
0xb7: {  	s30 =	sld [smem:$0x0];
	_ =	sdelay $0x2  }
0xb8: {  	s31 =	sshll.u32 s1, $0xD;
	s1 =	sshrl.u32 s1, $0x2  }
0xb9: {  	s3 =	sand.u32 $0x4000, s31;
	s1 =	sadd.s32 s1, s30  }
0xba: {  	s0 =	sor.u32 s3, s0;
	s1 =	sshll.u32 s1, $0x11  }
0xbb: {  	s0 =	sor.u32 s1, s0  }
0xbc: {  	s0 =	sadd.s32 $0x8F2B, s0  }
0xbd: {  	[sflag:s0] =	ssyncadd.remote.s32 $0x1  }
0xbe: {  	_ =	sfence.sel $0xFFFF  }
0xbf: {  	[dreg:$0x0] =	wrdreg $0xFFFFFFFF;
	(pc) =	sbr.abs _section_cstart, $3  }
0xc0: {  	[dreg:$0x1] =	wrdreg $0xFFFFFFFF  }
0xc1: {  	_ =	task.clear_ibuf [dreg:s7], $0x2FFFF;
	_ =	strace $0x9FFFFFFF  }
0xc2: {  	(tm) =	ssettm $0x7FFFFFFF  }
0xc3: {  	_ =	shalt  }
tec
execute0_lowered:
.L_overlay_start_1:
0x0: {  	(tag) =	ssettag $0x1  }
0x1: {  	s1 =	srdreg.scid;
	s0 =	stileid.u32  }
0x2: {  	s30 =	sand.u32 $0x1, s1;
	s26 =	sshll.u32 s0, $0x1  }
0x3: {  	s28 =	sor.u32 s30, s26  }
0x4: {  	s2 =	rddreg [dreg:$0x0];
	s4 =	smul.u32 $0x50, s28  }
0x5: {  	s29 =	rddreg [dreg:$0x1];
	s3 =	simm.s32 $0x0  }
0x6: {  	[smem:$0x7FF] =	sst s3;
	s6 =	sadd.s32 s4, s29  }
0x7: {  	s5 =	simm.s32 $0x3;
	_ =	strace $0x80000047;
	s4 =	sadd.s32 $0x3200, s6  }
0x8: {  	[tilespmem:s3], [sflag:$0x3] =	stream.linear.gather [hbm4b:s4+s3], $0x280, $0x38;
	[tilespmem:$0x14500] =	vst v63  }
0x9: {  	_ =	swait.ge [sflag:s5], $0x280  }
0xa: {  	[sflag:s5] =	ssyncset.done $0x0  }
0xb: {  	s7 =	simm.s32 $0x280;
	s6 =	sadd.s32 $0x4600, s6;
	[sflag:s5] =	ssyncadd.s32 $0xFFFFFD80  }
0xc: {  	[tilespmem:s7], [sflag:$0x3] =	stream.linear.gather [hbm4b:s6+s3], $0x280, $0x38;
	[tilespmem:$0x14500] =	vst v63  }
0xd: {  	_ =	swait.ge [sflag:s5], $0x280  }
0xe: {  	[sflag:s5] =	ssyncset.done $0x0  }
0xf: {  	s8 =	simm.s32 $0x80;
	s9 =	simm.s32 $0x500;
	[sflag:s5] =	ssyncadd.s32 $0xFFFFFD80  }
0x10: {  	[tilespmem:s9], [sflag:$0x1] =	stream.indirect.gather [hbm4b:s2+s8], $0x40, s3, s8, $0xb8;
	[tilespmem:$0x14500] =	vst v63  }
0x11: {  	s10 =	simm.s32 $0x2500  }
0x12: {  	[tilespmem:s10], [sflag:$0x1] =	stream.indirect.gather [hbm4b:s2+s8], $0x40, s8, s8, $0xb8;
	[tilespmem:$0x14500] =	vst v63  }
0x13: {  	s11 =	simm.s32 $0x100;
	s12 =	simm.s32 $0x4500  }
0x14: {  	[tilespmem:s12], [sflag:$0x1] =	stream.indirect.gather [hbm4b:s2+s8], $0x40, s11, s8, $0xb8;
	[tilespmem:$0x14500] =	vst v63  }
0x15: {  	s13 =	simm.s32 $0x180;
	s14 =	simm.s32 $0x6500  }
0x16: {  	[tilespmem:s14], [sflag:$0x1] =	stream.indirect.gather [hbm4b:s2+s8], $0x40, s13, s8, $0xb8;
	[tilespmem:$0x14500] =	vst v63  }
0x17: {  	s15 =	simm.s32 $0x200;
	s16 =	simm.s32 $0x8500  }
0x18: {  	[tilespmem:s16], [sflag:$0x1] =	stream.indirect.gather [hbm4b:s2+s8], $0x40, s15, s8, $0xb8;
	[tilespmem:$0x14500] =	vst v63  }
0x19: {  	s17 =	simm.s32 $0xA500  }
0x1a: {  	[tilespmem:s17], [sflag:$0x2] =	stream.indirect.gather [hbm4b:s2+s8], $0x40, s7, s8, $0xb8;
	[tilespmem:$0x14500] =	vst v63  }
0x1b: {  	s18 =	simm.s32 $0x300;
	s19 =	simm.s32 $0xC500  }
0x1c: {  	[tilespmem:s19], [sflag:$0x2] =	stream.indirect.gather [hbm4b:s2+s8], $0x40, s18, s8, $0xb8;
	[tilespmem:$0x14500] =	vst v63  }
0x1d: {  	s20 =	simm.s32 $0x380;
	s21 =	simm.s32 $0xE500  }
0x1e: {  	[tilespmem:s21], [sflag:$0x2] =	stream.indirect.gather [hbm4b:s2+s8], $0x40, s20, s8, $0xb8;
	[tilespmem:$0x14500] =	vst v63  }
0x1f: {  	s22 =	simm.s32 $0x400;
	s23 =	simm.s32 $0x10500  }
0x20: {  	[tilespmem:s23], [sflag:$0x2] =	stream.indirect.gather [hbm4b:s2+s8], $0x40, s22, s8, $0xb8;
	[tilespmem:$0x14500] =	vst v63  }
0x21: {  	s24 =	simm.s32 $0x480;
	s25 =	simm.s32 $0x12500;
	s26 =	simm.s32 $0x1  }
0x22: {  	[tilespmem:s25], [sflag:$0x2] =	stream.indirect.gather [hbm4b:s2+s8], $0x40, s24, s8, $0xb8;
	[tilespmem:$0x14500] =	vst v63  }
0x23: {  	_ =	swait.ge [sflag:s26], $0x2000  }
0x24: {  	[sflag:s26] =	ssyncset.done $0x0  }
0x25: {  	[sflag:s26] =	ssyncadd.s32 $0xFFFFE000  }
0x26: {  	_ =	swait.ge [sflag:s26], $0x2000  }
0x27: {  	[sflag:s26] =	ssyncset.done $0x0  }
0x28: {  	[sflag:s26] =	ssyncadd.s32 $0xFFFFE000  }
0x29: {  	_ =	swait.ge [sflag:s26], $0x2000  }
0x2a: {  	[sflag:s26] =	ssyncset.done $0x0  }
0x2b: {  	[sflag:s26] =	ssyncadd.s32 $0xFFFFE000  }
0x2c: {  	_ =	swait.ge [sflag:s26], $0x2000  }
0x2d: {  	[sflag:s26] =	ssyncset.done $0x0  }
0x2e: {  	s28 =	smul.u32 $0x1400, s28;
	[sflag:s26] =	ssyncadd.s32 $0xFFFFE000  }
0x2f: {  	_ =	swait.ge [sflag:s26], $0x2000  }
0x30: {  	s31 =	sadd.s32 s28, s29;
	[sflag:s26] =	ssyncset.done $0x0  }
0x31: {  	s29 =	simm.s32 $0x2;
	s28 =	sadd.s32 $0x2D000, s31;
	[sflag:s26] =	ssyncadd.s32 $0xFFFFE000  }
0x32: {  	[hbm4b:s28+s3] =	stream.linear.scatter [tilespmem:s9], [sflag:$0x1], $0xA000, $0x38;
	[tilespmem:$0x14500] =	vst v63  }
0x33: {  	_ =	swait.ge [sflag:s29], $0x2000  }
0x34: {  	[sflag:s29] =	ssyncset.done $0x0  }
0x35: {  	[sflag:s29] =	ssyncadd.s32 $0xFFFFE000  }
0x36: {  	_ =	swait.ge [sflag:s29], $0x2000  }
0x37: {  	[sflag:s29] =	ssyncset.done $0x0  }
0x38: {  	[sflag:s29] =	ssyncadd.s32 $0xFFFFE000  }
0x39: {  	_ =	swait.ge [sflag:s29], $0x2000  }
0x3a: {  	[sflag:s29] =	ssyncset.done $0x0  }
0x3b: {  	[sflag:s29] =	ssyncadd.s32 $0xFFFFE000  }
0x3c: {  	_ =	swait.ge [sflag:s29], $0x2000  }
0x3d: {  	s1 =	ssub.s32 $0x2, s30;
	[sflag:s29] =	ssyncset.done $0x0  }
0x3e: {  	s30 =	sadd.s32 $0x5000, s31;
	s31 =	sshrl.u32 s1, $0x1;
	[sflag:s29] =	ssyncadd.s32 $0xFFFFE000  }
0x3f: {  	s1 =	ssub.s32 s1, s31;
	_ =	swait.ge [sflag:s29], $0x2000  }
0x40: {  	s1 =	smax.u32 s1, $0x1;
	[sflag:s29] =	ssyncset.done $0x0  }
0x41: {  	p0 =	sne.s32 s1, $0x1;
	[sflag:s29] =	ssyncadd.s32 $0xFFFFE000  }
0x42: {  	[hbm4b:s30+s3] =	stream.linear.scatter [tilespmem:s17], [sflag:$0x2], $0xA000, $0x38;
	[tilespmem:$0x14500] =	vst v63  }
.Ltmp0:
0x43: {  	_ =	swait.ge [sflag:s26], $0xA000;
	(pc) =	sbr.rel @!p0 .LBB2_2-.Ltmp0, $4  }
0x44: {  	[sflag:s26] =	ssyncset.done $0x0  }
0x45: {  	[sflag:s26] =	ssyncadd.s32 $0xFFFF6000  }
0x46: {  	_ =	swait.ge [sflag:s29], $0xA000  }
0x47: {  	s31 =	sadd.s32 $0xFFFFFFFF, s1;
	[sflag:s29] =	ssyncset.done $0x0  }
.LBB2_1:
0x48: {  	p0 =	sne.s32 s31, $0x1;
	s31 =	sadd.s32 $0xFFFFFFFF, s31;
	[sflag:s29] =	ssyncadd.s32 $0xFFFF6000  }
0x49: {  	[tilespmem:s3], [sflag:$0x3] =	stream.linear.gather [hbm4b:s4+s3], $0x280, $0x38;
	[tilespmem:$0x14500] =	vst v63  }
0x4a: {  	_ =	swait.ge [sflag:s5], $0x280  }
0x4b: {  	[sflag:s5] =	ssyncset.done $0x0  }
0x4c: {  	[sflag:s5] =	ssyncadd.s32 $0xFFFFFD80  }
0x4d: {  	[tilespmem:s7], [sflag:$0x3] =	stream.linear.gather [hbm4b:s6+s3], $0x280, $0x38;
	[tilespmem:$0x14500] =	vst v63  }
0x4e: {  	_ =	swait.ge [sflag:s5], $0x280  }
0x4f: {  	[sflag:s5] =	ssyncset.done $0x0  }
0x50: {  	[sflag:s5] =	ssyncadd.s32 $0xFFFFFD80  }
0x51: {  	[tilespmem:s9], [sflag:$0x1] =	stream.indirect.gather [hbm4b:s2+s8], $0x40, s3, s8, $0xb8;
	[tilespmem:$0x14500] =	vst v63  }
0x52: {  	_ = 	snop  }
0x53: {  	[tilespmem:s10], [sflag:$0x1] =	stream.indirect.gather [hbm4b:s2+s8], $0x40, s8, s8, $0xb8;
	[tilespmem:$0x14500] =	vst v63  }
0x54: {  	_ = 	snop  }
0x55: {  	[tilespmem:s12], [sflag:$0x1] =	stream.indirect.gather [hbm4b:s2+s8], $0x40, s11, s8, $0xb8;
	[tilespmem:$0x14500] =	vst v63  }
0x56: {  	_ = 	snop  }
0x57: {  	[tilespmem:s14], [sflag:$0x1] =	stream.indirect.gather [hbm4b:s2+s8], $0x40, s13, s8, $0xb8;
	[tilespmem:$0x14500] =	vst v63  }
0x58: {  	_ = 	snop  }
0x59: {  	[tilespmem:s16], [sflag:$0x1] =	stream.indirect.gather [hbm4b:s2+s8], $0x40, s15, s8, $0xb8;
	[tilespmem:$0x14500] =	vst v63  }
0x5a: {  	_ = 	snop  }
0x5b: {  	[tilespmem:s17], [sflag:$0x2] =	stream.indirect.gather [hbm4b:s2+s8], $0x40, s7, s8, $0xb8;
	[tilespmem:$0x14500] =	vst v63  }
0x5c: {  	_ = 	snop  }
0x5d: {  	[tilespmem:s19], [sflag:$0x2] =	stream.indirect.gather [hbm4b:s2+s8], $0x40, s18, s8, $0xb8;
	[tilespmem:$0x14500] =	vst v63  }
0x5e: {  	_ = 	snop  }
0x5f: {  	[tilespmem:s21], [sflag:$0x2] =	stream.indirect.gather [hbm4b:s2+s8], $0x40, s20, s8, $0xb8;
	[tilespmem:$0x14500] =	vst v63  }
0x60: {  	_ = 	snop  }
0x61: {  	[tilespmem:s23], [sflag:$0x2] =	stream.indirect.gather [hbm4b:s2+s8], $0x40, s22, s8, $0xb8;
	[tilespmem:$0x14500] =	vst v63  }
0x62: {  	_ = 	snop  }
0x63: {  	[tilespmem:s25], [sflag:$0x2] =	stream.indirect.gather [hbm4b:s2+s8], $0x40, s24, s8, $0xb8;
	[tilespmem:$0x14500] =	vst v63  }
0x64: {  	_ =	swait.ge [sflag:s26], $0x2000  }
0x65: {  	[sflag:s26] =	ssyncset.done $0x0  }
0x66: {  	[sflag:s26] =	ssyncadd.s32 $0xFFFFE000  }
0x67: {  	_ =	swait.ge [sflag:s26], $0x2000  }
0x68: {  	[sflag:s26] =	ssyncset.done $0x0  }
0x69: {  	[sflag:s26] =	ssyncadd.s32 $0xFFFFE000  }
0x6a: {  	_ =	swait.ge [sflag:s26], $0x2000  }
0x6b: {  	[sflag:s26] =	ssyncset.done $0x0  }
0x6c: {  	[sflag:s26] =	ssyncadd.s32 $0xFFFFE000  }
0x6d: {  	_ =	swait.ge [sflag:s26], $0x2000  }
0x6e: {  	[sflag:s26] =	ssyncset.done $0x0  }
0x6f: {  	[sflag:s26] =	ssyncadd.s32 $0xFFFFE000  }
0x70: {  	_ =	swait.ge [sflag:s26], $0x2000  }
0x71: {  	[sflag:s26] =	ssyncset.done $0x0  }
0x72: {  	[sflag:s26] =	ssyncadd.s32 $0xFFFFE000  }
0x73: {  	[hbm4b:s28+s3] =	stream.linear.scatter [tilespmem:s9], [sflag:$0x1], $0xA000, $0x38;
	[tilespmem:$0x14500] =	vst v63  }
0x74: {  	_ =	swait.ge [sflag:s29], $0x2000  }
0x75: {  	[sflag:s29] =	ssyncset.done $0x0  }
0x76: {  	[sflag:s29] =	ssyncadd.s32 $0xFFFFE000  }
0x77: {  	_ =	swait.ge [sflag:s29], $0x2000  }
0x78: {  	[sflag:s29] =	ssyncset.done $0x0  }
0x79: {  	[sflag:s29] =	ssyncadd.s32 $0xFFFFE000  }
0x7a: {  	_ =	swait.ge [sflag:s29], $0x2000  }
0x7b: {  	[sflag:s29] =	ssyncset.done $0x0  }
0x7c: {  	[sflag:s29] =	ssyncadd.s32 $0xFFFFE000  }
0x7d: {  	_ =	swait.ge [sflag:s29], $0x2000  }
0x7e: {  	[sflag:s29] =	ssyncset.done $0x0  }
0x7f: {  	[sflag:s29] =	ssyncadd.s32 $0xFFFFE000  }
0x80: {  	_ =	swait.ge [sflag:s29], $0x2000  }
0x81: {  	[sflag:s29] =	ssyncset.done $0x0  }
0x82: {  	[sflag:s29] =	ssyncadd.s32 $0xFFFFE000  }
0x83: {  	[hbm4b:s30+s3] =	stream.linear.scatter [tilespmem:s17], [sflag:$0x2], $0xA000, $0x38;
	[tilespmem:$0x14500] =	vst v63  }
.Ltmp1:
0x84: {  	_ =	swait.ge [sflag:s26], $0xA000;
	(pc) =	sbr.rel @p0 .LBB2_1-.Ltmp1, $4  }
0x85: {  	[sflag:s26] =	ssyncset.done $0x0  }
0x86: {  	[sflag:s26] =	ssyncadd.s32 $0xFFFF6000  }
0x87: {  	_ =	swait.ge [sflag:s29], $0xA000  }
0x88: {  	[sflag:s29] =	ssyncset.done $0x0  }
.LBB2_2:
0x89: {  	[sflag:s29] =	ssyncadd.s32 $0xFFFF6000  }
0x8a: {  	_ =	sfence.sel $0x180000  }
0x8b: {  	[bflag:$0x0] =	sbarrier.arrive $0xFFFF  }
0x8c: {  	_ =	strace $0x90000047  }
0x8d: {  	[bflag:$0x2] =	sbarrier.arrive $0xFFFF  }
0x8e: {  	p0 =	sne.s32 s0, $0x0;
	s0 =	rddreg [dreg:$0x2]  }
0x8f: {  	s0 =	sadd.s32 @!p0 $0x100000, s0  }
0x90: {  	[sflag:s0] =	ssyncadd.tile.s32 @!p0 $0x1;
	_ =	shalt  }
.Lfunc_end2:
_tile_overlayer_lowered:
.L_overlay_start_2:
0x91: {  	(tag) =	ssettag $0x2  }
0x92: {  	s0 =	rddreg [dreg:$0x0];
	s2 =	stileid.u32  }
0x93: {  	s1 =	rddreg [dreg:$0x1];
	p0 =	sne.s32 s2, $0x0  }
0x94: {  	s3 =	rddreg [dreg:$0x2];
	[bflag:$0x3] =	sbarrier.arrive $0xFFFF;
	s2 =	simm.s32 @!p0 $0x1C03  }
0x95: {  	[timem:s3], [sflag:s2] =	dma.local @!p0 [hbm:s0], s1  }
0x96: {  	s0 =	simm.s32 @!p0 $0x3  }
0x97: {  	_ =	swait.ge @!p0 [sflag:s0], s1  }
0x98: {  	s1 =	ssub.s32 @!p0 $0x0, s1;
	[sflag:s0] =	ssyncset.done @!p0 $0x0  }
0x99: {  	[sflag:s0] =	ssyncadd.s32 @!p0 s1  }
0x9a: {  	[bflag:$0x3] =	sbarrier.arrive $0xFFFF  }
0x9b: {  	_ =	shalt  }

// kernel: kernel.9.cloned.1.call-start
scs
__scs_entry_jumppad:
0x0: {  	(pc) =	sbr.rel $0x88, $3  }
0x1: {  	(tag) =	ssettag $0x0;
	lr =	simm.s32 $0x1  }
0x2: {  	[smem:$0x3F8C] =	sst lr;
	_ =	strace $0xD0000000  }
0x3: {  	_ = 	snop  }
0x4: {  	_ = 	snop  }
0x5: {  	_ = 	snop  }
0x6: {  	_ = 	snop  }
0x7: {  	_ = 	snop  }
__scs_overlays_trampoline_lowered:
0x8: {  	[smem:$0x3F9B] =	sst s0  }
0x9: {  	[smem:$0x3F9C] =	sst s1  }
0xa: {  	[smem:$0x3F9D] =	sst s2  }
0xb: {  	[smem:$0x3F9E] =	sst s3  }
0xc: {  	[smem:$0x3F9F] =	sst s4  }
0xd: {  	[smem:$0x3FA0] =	sst s5  }
0xe: {  	[smem:$0x3FA1] =	sst s6  }
0xf: {  	[smem:$0x3FA2] =	sst s7  }
0x10: {  	[smem:$0x3FA3] =	sst s8  }
0x11: {  	[smem:$0x3FA4] =	sst s9;
	s0 =	simm.s32 @!p0 $0x0  }
0x12: {  	s1 =	sld [smem:$0x3F8A];
	s0 =	simm.s32 @p0 $0x1  }
0x13: {  	[smem:$0x3FA5] =	sst s0;
	s0 =	simm.s32 @!p1 $0x0  }
0x14: {  	s2 =	sld [smem:$0x3F89];
	s0 =	simm.s32 @p1 $0x1  }
0x15: {  	[smem:$0x3FA6] =	sst s0;
	s0 =	simm.s32 @!p2 $0x0  }
0x16: {  	s3 =	sld [smem:$0x3FDB];
	s0 =	simm.s32 @p2 $0x1  }
0x17: {  	s4 =	simm.s32 $0x1BF5;
	[smem:$0x3FA8] =	sst s0  }
0x18: {  	s0 =	sld [smem:$0x3F8B];
	_ =	swait.ge [sflag:s4], $0x0  }
0x19: {  	s7 =	sld [smem:$0x3F8C]  }
0x1a: {  	s8 =	sadd.s32 $0xFFFFE003, lr  }
0x1b: {  	s9 =	sadd.s32 $0xFFFFFEF7, lr;
	s5 =	simm.s32 $0xFFFFFFFF;
	p2 =	slt.u32 s8, $0xFFFFF086  }
0x1c: {  	p1 =	slt.u32 s9, $0xF7A;
	s5 =	simm.s32 @!p2 $0x0  }
0x1d: {  	s5 =	simm.s32 @p1 $0x1;
	p0 =	seq.s32 s7, s2  }
0x1e: {  	s7 =	smul.u32 @!p0 $0xF7A, s2;
	p2 =	seq.s32 @!p0 s5, $0x0  }
0x1f: {  	s9 =	smul.u32 $0xF7A, s1;
	s8 =	simm.s32 @!p0 $0x1BF5;
	p2 =	por !p2, p0  }
0x20: {  	[sflag:s8] =	ssyncset.s32 @!p0 $0xFFFFF086;
	s6 =	sadd.s32 @!p0 s3, s7;
	s7 =	simm.s32 @!p0 $0x108  }
0x21: {  	s3 =	sadd.s32 s3, s9;
	s6 =	sadd.s32 @!p0 $0x88, s6;
	s7 =	simm.s32 @p2 $0x1082  }
0x22: {  	[simem:s7], [sflag:s8] =	dma.local @!p0 [hbm:s6], $0xF7A  }
0x23: {  	s9 =	sor.u32 $0xD0000000, s2;
	s6 =	simm.s32 $0x108;
	_ =	swait.ge @!p0 [sflag:s8], $0x0  }
0x24: {  	s3 =	sadd.s32 $0x88, s3;
	s6 =	simm.s32 @!p1 $0x1082;
	[sflag:s4] =	ssyncset.s32 $0xFFFFF086  }
0x25: {  	[simem:s6], [sflag:s4] =	dma.local [hbm:s3], $0xF7A  }
0x26: {  	[smem:$0x3F8C] =	sst s1;
	(tag) =	ssettag s2;
	_ =	strace s9  }
0x27: {  	s1 =	sld [smem:$0x3F9C]  }
0x28: {  	s2 =	sld [smem:$0x3F9D]  }
0x29: {  	s4 =	sld [smem:$0x3F9F]  }
0x2a: {  	p0 =	seq.s32 s5, $0x0;
	s5 =	sld [smem:$0x3FA0]  }
0x2b: {  	s6 =	sld [smem:$0x3FA1]  }
0x2c: {  	s7 =	sld [smem:$0x3FA2]  }
0x2d: {  	s3 =	simm.s32 $0x108;
	s8 =	sld [smem:$0x3FA3]  }
0x2e: {  	s3 =	simm.s32 @!p0 $0x1082;
	s9 =	sld [smem:$0x3FA4]  }
0x2f: {  	lr =	sadd.s32 s0, s3;
	s0 =	sld [smem:$0x3F9B]  }
0x30: {  	s3 =	sld [smem:$0x3F9E]  }
0x31: {  	[smem:$0x3FA7] =	sst s10  }
0x32: {  	s10 =	sld [smem:$0x3FA5];
	_ =	sdelay $0x3  }
0x33: {  	p0 =	seq.s32 s10, $0x1;
	s10 =	sld [smem:$0x3FA7];
	_ =	sdelay $0x3  }
0x34: {  	[smem:$0x3FA7] =	sst s10  }
0x35: {  	s10 =	sld [smem:$0x3FA6];
	_ =	sdelay $0x3  }
0x36: {  	p1 =	seq.s32 s10, $0x1;
	s10 =	sld [smem:$0x3FA7];
	_ =	sdelay $0x3  }
0x37: {  	[smem:$0x3FA7] =	sst s10  }
0x38: {  	s10 =	sld [smem:$0x3FA8]  }
0x39: {  	_ = 	snop;
	(pc) =	sbr.ind lr, $3  }
0x3a: {  	_ = 	snop  }
0x3b: {  	_ = 	snop  }
0x3c: {  	p2 =	seq.s32 s10, $0x1;
	s10 =	sld [smem:$0x3FA7]  }
0x3d: {  	_ =	shalt  }
0x3e: {  	_ =	shalt  }
0x3f: {  	_ =	shalt  }
0x40: {  	_ =	shalt  }
0x41: {  	_ =	shalt  }
0x42: {  	_ =	shalt  }
0x43: {  	_ =	shalt  }
0x44: {  	_ =	shalt  }
0x45: {  	_ =	shalt  }
0x46: {  	_ =	shalt  }
0x47: {  	_ =	shalt  }
0x48: {  	_ =	shalt  }
0x49: {  	_ =	shalt  }
0x4a: {  	_ =	shalt  }
0x4b: {  	_ =	shalt  }
0x4c: {  	_ =	shalt  }
0x4d: {  	_ =	shalt  }
0x4e: {  	_ =	shalt  }
0x4f: {  	_ =	shalt  }
0x50: {  	_ =	shalt  }
0x51: {  	_ =	shalt  }
0x52: {  	_ =	shalt  }
0x53: {  	_ =	shalt  }
0x54: {  	_ =	shalt  }
0x55: {  	_ =	shalt  }
0x56: {  	_ =	shalt  }
0x57: {  	_ =	shalt  }
0x58: {  	_ =	shalt  }
0x59: {  	_ =	shalt  }
0x5a: {  	_ =	shalt  }
0x5b: {  	_ =	shalt  }
0x5c: {  	_ =	shalt  }
0x5d: {  	_ =	shalt  }
0x5e: {  	_ =	shalt  }
0x5f: {  	_ =	shalt  }
0x60: {  	_ =	shalt  }
0x61: {  	_ =	shalt  }
0x62: {  	_ =	shalt  }
0x63: {  	_ =	shalt  }
0x64: {  	_ =	shalt  }
0x65: {  	_ =	shalt  }
0x66: {  	_ =	shalt  }
0x67: {  	_ =	shalt  }
0x68: {  	_ =	shalt  }
0x69: {  	_ =	shalt  }
0x6a: {  	_ =	shalt  }
0x6b: {  	_ =	shalt  }
0x6c: {  	_ =	shalt  }
0x6d: {  	_ =	shalt  }
0x6e: {  	_ =	shalt  }
0x6f: {  	_ =	shalt  }
0x70: {  	_ =	shalt  }
0x71: {  	_ =	shalt  }
0x72: {  	_ =	shalt  }
0x73: {  	_ =	shalt  }
0x74: {  	_ =	shalt  }
0x75: {  	_ =	shalt  }
0x76: {  	_ =	shalt  }
0x77: {  	_ =	shalt  }
0x78: {  	_ =	shalt  }
0x79: {  	_ =	shalt  }
0x7a: {  	_ =	shalt  }
0x7b: {  	_ =	shalt  }
0x7c: {  	_ =	shalt  }
0x7d: {  	_ =	shalt  }
0x7e: {  	_ =	shalt  }
0x7f: {  	_ =	shalt  }
0x80: {  	_ =	shalt  }
0x81: {  	_ =	shalt  }
0x82: {  	_ =	shalt  }
0x83: {  	_ =	shalt  }
0x84: {  	_ =	shalt  }
0x85: {  	_ =	shalt  }
0x86: {  	_ =	shalt  }
0x87: {  	_ =	shalt  }
.Lfunc_end0:
.L_simem_size_0:
called_computation.1_lowered:
.L_overlay_start_0:
0x88: {  	s2 =	sld [smem:$0x3FD9]  }
0x89: {  	s3 =	sld [smem:$0x3FFE];
	_ =	sdelay $0x1  }
0x8a: {  	s1 =	srdreg.scid  }
0x8b: {  	s0 =	sand.u32 $0x1, s1  }
0x8c: {  	s17 =	sshll.u32 s0, $0xA;
	s2 =	sadd.s32 s3, s2  }
0x8d: {  	s2 =	sadd.s32 s2, s17  }
0x8e: {  	[smem:$0x3FB3] =	sst s2  }
0x8f: {  	_ = 	snop  }
0x90: {  	s2 =	sld [smem:$0x3FD0];
	(tm) =	ssettm $0x1  }
0x91: {  	s18 =	sld [smem:$0x3FFB];
	_ =	sdelay $0x3  }
0x92: {  	_ =	strace s18  }
0x93: {  	s3 =	sld [smem:$0x3FFC];
	_ =	sdelay $0x3  }
0x94: {  	_ =	strace s3  }
0x95: {  	s3 =	sld [smem:$0x3FFD];
	_ =	sdelay $0x3  }
0x96: {  	_ =	strace s3  }
0x97: {  	_ =	strace $0x8FFFFFFF  }
0x98: {  	s19 =	sld [smem:$0x3FDB];
	_ =	sdelay $0x1  }
0x99: {  	s4 =	simm.s32 $_scs_section_size  }
0x9a: {  	s5 =	simm.s32 $_size__tile_overlayer_lowered;
	s6 =	simm.s32 $_tile_overlayer_lowered  }
0x9b: {  	s22 =	simm.s32 $0x1BFF;
	s21 =	sshll.u32 s6, $0x1;
	s3 =	sadd.s32 s4, s19  }
0x9c: {  	s7 =	simm.s32 $0x0;
	s20 =	sshll.u32 s5, $0x1;
	s5 =	sadd.s32 s21, s3  }
0x9d: {  	[timem:s7], [sflag:s22] =	dma.local [hbm:s5], s20  }
0x9e: {  	_ =	swait.ge [sflag:s22], s20  }
0x9f: {  	s4 =	ssub.s32 $0x0, s20;
	[sflag:s22] =	ssyncset.done $0x0  }
0xa0: {  	[sflag:s22] =	ssyncadd.s32 s4;
	_ =	sdelay $0x1  }
0xa1: {  	s23 =	simm.s32 $0x1B8B  }
0xa2: {  	_ =	swait.ge [sflag:s23], $0x1  }
0xa3: {  	[sflag:s23] =	ssyncset.done $0x0  }
0xa4: {  	s25 =	simm.s32 $0x1B8E;
	s24 =	sld [smem:$0x3FFE];
	[sflag:s23] =	ssyncadd.s32 $0xFFFFFFFF  }
0xa5: {  	s26 =	simm.s32 $execute0_lowered;
	[smem:$0x3FD2] =	sst s25  }
0xa6: {  	s5 =	sshll.u32 s26, $0x1;
	_ =	strace $0x80000049;
	[dreg:$0x1] =	wrdreg $0xFFFFFFFF  }
0xa7: {  	s28 =	simm.s32 $_size_execute0_lowered;
	s3 =	sadd.s32 s3, s5;
	[dreg:$0x0] =	wrdreg $0x0  }
0xa8: {  	s5 =	sshll.u32 s28, $0x1;
	[dreg:$0x2] =	wrdreg s3  }
0xa9: {  	[dreg:$0x3] =	wrdreg s5  }
0xaa: {  	[dreg:$0x4] =	wrdreg $0xC0  }
0xab: {  	_ =	task [dreg:s7], $0x5FFFF  }
0xac: {  	[dreg:$0x1] =	wrdreg $0xFFFFFFFF  }
0xad: {  	[dreg:$0x0] =	wrdreg $0x60  }
0xae: {  	[dreg:$0x2] =	wrdreg s24  }
0xaf: {  	[dreg:$0x3] =	wrdreg s2  }
0xb0: {  	[dreg:$0x4] =	wrdreg $0xCA800  }
0xb1: {  	[dreg:$0x5] =	wrdreg $0x9  }
0xb2: {  	_ =	task.clear_ibuf [dreg:s7], $0x6FFFF;
	_ =	strace $0x90000049  }
0xb3: {  	s29 =	simm.s32 $0x9;
	_ =	strace $0x8000004B  }
0xb4: {  	_ =	swait.ge [sflag:s29], $0x1  }
0xb5: {  	[sflag:s29] =	ssyncadd.s32 $0xFFFFFFFF  }
0xb6: {  	_ =	strace $0x9000004B  }
0xb7: {  	_ =	sfence  }
0xb8: {  	s30 =	sld [smem:$0x0];
	_ =	sdelay $0x2  }
0xb9: {  	s31 =	sshll.u32 s1, $0xD;
	s1 =	sshrl.u32 s1, $0x2  }
0xba: {  	s3 =	sand.u32 $0x4000, s31;
	s1 =	sadd.s32 s1, s30  }
0xbb: {  	s0 =	sor.u32 s3, s0;
	s1 =	sshll.u32 s1, $0x11  }
0xbc: {  	s0 =	sor.u32 s1, s0  }
0xbd: {  	s0 =	sadd.s32 $0x8F2B, s0  }
0xbe: {  	[sflag:s0] =	ssyncadd.remote.s32 $0x1  }
0xbf: {  	_ =	sfence.sel $0xFFFF  }
0xc0: {  	[dreg:$0x0] =	wrdreg $0xFFFFFFFF;
	(pc) =	sbr.abs _section_cstart, $3  }
0xc1: {  	[dreg:$0x1] =	wrdreg $0xFFFFFFFF  }
0xc2: {  	_ =	task.clear_ibuf [dreg:s7], $0x2FFFF;
	_ =	strace $0x9FFFFFFF  }
0xc3: {  	(tm) =	ssettm $0x7FFFFFFF  }
tec
execute0_lowered:
.L_overlay_start_1:
0x0: {  	(tag) =	ssettag $0x1  }
0x1: {  	s19 =	rddreg [dreg:$0x0]  }
0x2: {  	s2 =	rddreg [dreg:$0x1]  }
0x3: {  	s3 =	rddreg [dreg:$0x2]  }
0x4: {  	s0 =	rddreg [dreg:$0x3]  }
0x5: {  	s4 =	simm.s32 $0x0;
	s1 =	stileid.u32;
	s5 =	srdreg.scid  }
0x6: {  	[smem:$0x7FF] =	sst s4;
	s20 =	smul.u32 $0xC800, s1  }
0x7: {  	s17 =	sand.u32 $0x1, s5;
	s28 =	sshll.u32 s1, $0x1;
	s29 =	sshll.u32 s1, $0x6  }
0x8: {  	_ =	strace $0x8000004A;
	s8 =	sor.u32 s17, s28;
	s6 =	sadd.s32 s20, s3  }
0x9: {  	s5 =	sor.u32 $0x1C01, s29;
	s7 =	sshrl.u32 s6, $0x3;
	s6 =	simm.s32 $0x1  }
0xa: {  	[spmem:s7], [sflag:s5] =	dma.local [hbm:s2], $0x1900  }
0xb: {  	s9 =	smul.u32 $0x50, s8;
	_ =	swait.ge [sflag:s6], $0x1900  }
0xc: {  	[sflag:s6] =	ssyncset.done $0x0  }
0xd: {  	s9 =	sadd.s32 s9, s19;
	[sflag:s6] =	ssyncadd.s32 $0xFFFFE700  }
0xe: {  	s10 =	smul.u32 $0x1900, s8;
	s8 =	sadd.s32 $0x3C00, s9;
	[bflag:$0x0] =	sbarrier.arrive $0xFFFF  }
0xf: {  	[tilespmem:s4], [sflag:$0x1] =	stream.linear.gather [hbm4b:s8+s4], $0x280, $0x38;
	[tilespmem:$0x19280] =	vst v63  }
0x10: {  	_ =	swait.ge [sflag:s6], $0x280  }
0x11: {  	s30 =	sadd.s32 s10, s19;
	[sflag:s6] =	ssyncset.done $0x0  }
0x12: {  	s10 =	simm.s32 $0x280;
	s9 =	sadd.s32 $0x4600, s30;
	[sflag:s6] =	ssyncadd.s32 $0xFFFFFD80  }
0x13: {  	[tilespmem:s10], [sflag:$0x1] =	stream.linear.gather [hbm4b:s9+s4], $0xC800, $0x38;
	[tilespmem:$0x19280] =	vst v63  }
0x14: {  	_ =	swait.ge [sflag:s6], $0xC800  }
0x15: {  	[sflag:s6] =	ssyncset.done $0x0  }
0x16: {  	s11 =	simm.s32 $0x80;
	[sflag:s6] =	ssyncadd.s32 $0xFFFF3800  }
0x17: {  	[spmem:s3] =	stream.indirect.scatter.add.f32 [tilespmem:s10], [sflag:$0x1], $0x50, s4, s11, $0xb8;
	[tilespmem:$0x19280] =	vst v63  }
0x18: {  	_ =	swait.ge [sflag:s6], $0x2800  }
0x19: {  	[sflag:s6] =	ssyncset.done $0x0  }
0x1a: {  	s12 =	simm.s32 $0x2A80;
	[sflag:s6] =	ssyncadd.s32 $0xFFFFD800  }
0x1b: {  	[spmem:s3] =	stream.indirect.scatter.add.f32 [tilespmem:s12], [sflag:$0x1], $0x50, s11, s11, $0xb8;
	[tilespmem:$0x19280] =	vst v63  }
0x1c: {  	_ =	swait.ge [sflag:s6], $0x2800  }
0x1d: {  	[sflag:s6] =	ssyncset.done $0x0  }
0x1e: {  	s13 =	simm.s32 $0x100;
	s14 =	simm.s32 $0x5280;
	[sflag:s6] =	ssyncadd.s32 $0xFFFFD800  }
0x1f: {  	[spmem:s3] =	stream.indirect.scatter.add.f32 [tilespmem:s14], [sflag:$0x1], $0x50, s13, s11, $0xb8;
	[tilespmem:$0x19280] =	vst v63  }
0x20: {  	_ =	swait.ge [sflag:s6], $0x2800  }
0x21: {  	[sflag:s6] =	ssyncset.done $0x0  }
0x22: {  	s15 =	simm.s32 $0x180;
	s16 =	simm.s32 $0x7A80;
	[sflag:s6] =	ssyncadd.s32 $0xFFFFD800  }
0x23: {  	[spmem:s3] =	stream.indirect.scatter.add.f32 [tilespmem:s16], [sflag:$0x1], $0x50, s15, s11, $0xb8;
	[tilespmem:$0x19280] =	vst v63  }
0x24: {  	s18 =	simm.s32 $0xA280;
	s22 =	ssub.s32 $0x2, s17;
	_ =	swait.ge [sflag:s6], $0x2800  }
0x25: {  	s21 =	smul.u32 $0x19000, s17;
	s23 =	sshrl.u32 s22, $0x1;
	[sflag:s6] =	ssyncset.done $0x0  }
0x26: {  	s17 =	simm.s32 $0x200;
	s31 =	ssub.s32 s22, s23;
	[sflag:s6] =	ssyncadd.s32 $0xFFFFD800  }
0x27: {  	[spmem:s3] =	stream.indirect.scatter.add.f32 [tilespmem:s18], [sflag:$0x1], $0x50, s17, s11, $0xb8;
	[tilespmem:$0x19280] =	vst v63  }
0x28: {  	s19 =	sadd.s32 s21, s19;
	s21 =	smax.u32 s31, $0x1;
	_ =	swait.ge [sflag:s6], $0x2800  }
0x29: {  	s20 =	sshrl.u32 s20, $0x3;
	p0 =	sne.s32 s21, $0x1;
	[sflag:s6] =	ssyncset.done $0x0  }
.Ltmp0:
0x2a: {  	s19 =	sadd.s32 $0x36600, s19;
	[sflag:s6] =	ssyncadd.s32 $0xFFFFD800;
	(pc) =	sbr.rel @!p0 .LBB2_2-.Ltmp0, $4  }
0x2b: {  	s19 =	sadd.s32 s20, s19;
	[bflag:$0x0] =	sbarrier.arrive $0xFFFF  }
0x2c: {  	[hbm:s19], [sflag:s5] =	dma.local [spmem:s7], $0x1900  }
0x2d: {  	_ =	swait.ge [sflag:s6], $0x1900  }
0x2e: {  	s20 =	sadd.s32 $0xFFFFFFFF, s21;
	[sflag:s6] =	ssyncset.done $0x0  }
.LBB2_1:
0x2f: {  	p0 =	sne.s32 s20, $0x1;
	s20 =	sadd.s32 $0xFFFFFFFF, s20;
	[sflag:s6] =	ssyncadd.s32 $0xFFFFE700  }
0x30: {  	[spmem:s7], [sflag:s5] =	dma.local [hbm:s2], $0x1900  }
0x31: {  	_ =	swait.ge [sflag:s6], $0x1900  }
0x32: {  	[sflag:s6] =	ssyncset.done $0x0  }
0x33: {  	[sflag:s6] =	ssyncadd.s32 $0xFFFFE700  }
0x34: {  	[bflag:$0x0] =	sbarrier.arrive $0xFFFF  }
0x35: {  	[tilespmem:s4], [sflag:$0x1] =	stream.linear.gather [hbm4b:s8+s4], $0x280, $0x38;
	[tilespmem:$0x19280] =	vst v63  }
0x36: {  	_ =	swait.ge [sflag:s6], $0x280  }
0x37: {  	[sflag:s6] =	ssyncset.done $0x0  }
0x38: {  	[sflag:s6] =	ssyncadd.s32 $0xFFFFFD80  }
0x39: {  	[tilespmem:s10], [sflag:$0x1] =	stream.linear.gather [hbm4b:s9+s4], $0xC800, $0x38;
	[tilespmem:$0x19280] =	vst v63  }
0x3a: {  	_ =	swait.ge [sflag:s6], $0xC800  }
0x3b: {  	[sflag:s6] =	ssyncset.done $0x0  }
0x3c: {  	[sflag:s6] =	ssyncadd.s32 $0xFFFF3800  }
0x3d: {  	[spmem:s3] =	stream.indirect.scatter.add.f32 [tilespmem:s10], [sflag:$0x1], $0x50, s4, s11, $0xb8;
	[tilespmem:$0x19280] =	vst v63  }
0x3e: {  	_ =	swait.ge [sflag:s6], $0x2800  }
0x3f: {  	[sflag:s6] =	ssyncset.done $0x0  }
0x40: {  	[sflag:s6] =	ssyncadd.s32 $0xFFFFD800  }
0x41: {  	[spmem:s3] =	stream.indirect.scatter.add.f32 [tilespmem:s12], [sflag:$0x1], $0x50, s11, s11, $0xb8;
	[tilespmem:$0x19280] =	vst v63  }
0x42: {  	_ =	swait.ge [sflag:s6], $0x2800  }
0x43: {  	[sflag:s6] =	ssyncset.done $0x0  }
0x44: {  	[sflag:s6] =	ssyncadd.s32 $0xFFFFD800  }
0x45: {  	[spmem:s3] =	stream.indirect.scatter.add.f32 [tilespmem:s14], [sflag:$0x1], $0x50, s13, s11, $0xb8;
	[tilespmem:$0x19280] =	vst v63  }
0x46: {  	_ =	swait.ge [sflag:s6], $0x2800  }
0x47: {  	[sflag:s6] =	ssyncset.done $0x0  }
0x48: {  	[sflag:s6] =	ssyncadd.s32 $0xFFFFD800  }
0x49: {  	[spmem:s3] =	stream.indirect.scatter.add.f32 [tilespmem:s16], [sflag:$0x1], $0x50, s15, s11, $0xb8;
	[tilespmem:$0x19280] =	vst v63  }
0x4a: {  	_ =	swait.ge [sflag:s6], $0x2800  }
0x4b: {  	[sflag:s6] =	ssyncset.done $0x0  }
0x4c: {  	[sflag:s6] =	ssyncadd.s32 $0xFFFFD800  }
0x4d: {  	[spmem:s3] =	stream.indirect.scatter.add.f32 [tilespmem:s18], [sflag:$0x1], $0x50, s17, s11, $0xb8;
	[tilespmem:$0x19280] =	vst v63  }
0x4e: {  	_ =	swait.ge [sflag:s6], $0x2800  }
0x4f: {  	[sflag:s6] =	ssyncset.done $0x0  }
.Ltmp1:
0x50: {  	[sflag:s6] =	ssyncadd.s32 $0xFFFFD800;
	(pc) =	sbr.rel @p0 .LBB2_1-.Ltmp1, $4  }
0x51: {  	[bflag:$0x0] =	sbarrier.arrive $0xFFFF  }
0x52: {  	[hbm:s19], [sflag:s5] =	dma.local [spmem:s7], $0x1900  }
0x53: {  	_ =	swait.ge [sflag:s6], $0x1900  }
0x54: {  	[sflag:s6] =	ssyncset.done $0x0  }
.LBB2_2:
0x55: {  	[sflag:s6] =	ssyncadd.s32 $0xFFFFE700  }
0x56: {  	_ =	sfence.sel $0x180000  }
0x57: {  	[bflag:$0x0] =	sbarrier.arrive $0xFFFF  }
0x58: {  	p0 =	sne.s32 s1, $0x0;
	_ =	strace $0x9000004A  }
0x59: {  	s0 =	sadd.s32 @!p0 $0x100000, s0;
	[bflag:$0x2] =	sbarrier.arrive $0xFFFF  }
0x5a: {  	[sflag:s0] =	ssyncadd.tile.s32 @!p0 $0x1;
	_ =	shalt  }
.Lfunc_end2:
_tile_overlayer_lowered:
.L_overlay_start_2:
0x5b: {  	(tag) =	ssettag $0x2  }
0x5c: {  	s0 =	rddreg [dreg:$0x0];
	s2 =	stileid.u32  }
0x5d: {  	s1 =	rddreg [dreg:$0x1];
	p0 =	sne.s32 s2, $0x0  }
0x5e: {  	s3 =	rddreg [dreg:$0x2];
	[bflag:$0x3] =	sbarrier.arrive $0xFFFF;
	s2 =	simm.s32 @!p0 $0x1C01  }
0x5f: {  	[timem:s3], [sflag:s2] =	dma.local @!p0 [hbm:s0], s1  }
0x60: {  	s0 =	simm.s32 @!p0 $0x1  }
0x61: {  	_ =	swait.ge @!p0 [sflag:s0], s1  }
0x62: {  	s1 =	ssub.s32 @!p0 $0x0, s1;
	[sflag:s0] =	ssyncset.done @!p0 $0x0  }
0x63: {  	[sflag:s0] =	ssyncadd.s32 @!p0 s1  }
0x64: {  	[bflag:$0x3] =	sbarrier.arrive $0xFFFF  }
0x65: {  	_ =	shalt  }

</sc_bundles>
